<compile_context>
chip_gen: v7x
topology: tpu7x:2x2x1
jax: 0.10.2.dev20260603
libtpu: 0.0.44.dev20260713+nightly
codegen_flags: <defaults>
</compile_context>

<pallas_src>
import functools

import jax
import jax.numpy as jnp
from jax import lax
from jax.experimental import pallas as pl
from jax.experimental.pallas import tpu as pltpu
from jax.experimental.pallas import tpu_sc as plsc

_ALPHA = 0.2
_NC = 2
_NS = 16
_LANES = 16
_GCHUNK = 2048


def _sc_body(B, S, rpw, neighbors, indexes, nb_out,
             idx_v, jidx_v, rows_v, flat_v, nb_v, shared,
             semr0, semr1, sems0, sems1, semg, semo):
    sidx = lax.axis_index("s")
    wid = sidx * _NC + lax.axis_index("c")
    base = wid * rpw
    half = rpw // 2
    qr = rpw // 4
    sems = [sems0, sems1]
    pltpu.sync_copy(indexes.at[pl.ds(base, rpw)], idx_v)
    pltpu.sync_copy(indexes, jidx_v)
    rcp = [pltpu.async_copy(neighbors.at[idx_v.at[pl.ds(h * half, half)]],
                            rows_v.at[pl.ds(h * half, half)], sem)
           for h, sem in ((0, semr0), (1, semr1))]
    rowoffs = [(sidx * 2 * qr + ((b // qr) % 2) * qr + b % qr) * S
               for b in range(rpw)]

    def body(jj, carry):
        off = jj * _LANES
        chunk = jidx_v[pl.ds(off, _LANES)]
        for b in range(rpw):
            flat_v[pl.ds(b * B + off, _LANES)] = chunk + rowoffs[b]
        return carry

    lax.fori_loop(0, B // _LANES, body, 0)

    def fire_stage(p):
        reg = p % 2
        return [pltpu.async_copy(
            rows_v.at[p * qr + bl],
            shared.at[pl.ds((sidx * 2 * qr + reg * qr + bl) * S, S)],
            sems[reg])
            for bl in range(qr)]

    def fire_gathers(p):
        out = []
        for k in range(qr * B // _GCHUNK):
            off = p * qr * B + k * _GCHUNK
            out.append(pltpu.async_copy(
                shared.at[flat_v.at[pl.ds(off, _GCHUNK)]],
                nb_v.at[pl.ds(off, _GCHUNK)], semg))
        return out

    def fire_out(p):
        return pltpu.async_copy(
            nb_v.at[pl.ds(p * qr * B, qr * B)],
            nb_out.at[pl.ds(base * B + p * qr * B, qr * B)], semo)

    def drain(cps):
        for cp in cps:
            cp.wait()

    outs = []
    rcp[0].wait()
    s0 = fire_stage(0)
    s1 = fire_stage(1)
    drain(s0)
    g0 = fire_gathers(0)
    rcp[1].wait()
    drain(g0)
    outs.append(fire_out(0))
    s2 = fire_stage(2)
    drain(s1)
    g1 = fire_gathers(1)
    drain(g1)
    outs.append(fire_out(1))
    s3 = fire_stage(3)
    drain(s2)
    g2 = fire_gathers(2)
    drain(g2)
    outs.append(fire_out(2))
    drain(s3)
    g3 = fire_gathers(3)
    drain(g3)
    outs.append(fire_out(3))
    drain(outs)


@functools.lru_cache(maxsize=None)
def _make_sc(B, S):
    rpw = B // (_NC * _NS)
    mesh = plsc.VectorSubcoreMesh(core_axis_name="c", subcore_axis_name="s")
    return pl.kernel(
        functools.partial(_sc_body, B, S, rpw),
        mesh=mesh,
        out_type=[
            jax.ShapeDtypeStruct((B * B,), jnp.int32),
        ],
        scratch_types=[
            pltpu.VMEM((rpw,), jnp.int32),
            pltpu.VMEM((B,), jnp.int32),
            pltpu.VMEM((rpw, S), jnp.int32),
            pltpu.VMEM((rpw * B,), jnp.int32),
            pltpu.VMEM((rpw * B,), jnp.int32),
            pltpu.VMEM_SHARED((_NS * (rpw // 2) * S,), jnp.int32),
            pltpu.SemaphoreType.DMA,
            pltpu.SemaphoreType.DMA,
            pltpu.SemaphoreType.DMA,
            pltpu.SemaphoreType.DMA,
            pltpu.SemaphoreType.DMA,
            pltpu.SemaphoreType.DMA,
        ],
    )


def _tc_dense_body(x_ref, tgt_ref, g_ref, lpt_ref):
    x = x_ref[...]
    b, c = x.shape
    m = jnp.max(x, axis=1, keepdims=True)
    e = jnp.exp(x - m)
    se = jnp.sum(e, axis=1, keepdims=True)
    lse = m + jnp.log(se)
    p = e / se
    lp = x - lse
    g_ref[...] = lax.dot_general(
        lp.astype(jnp.bfloat16), p.astype(jnp.bfloat16),
        (((1,), (1,)), ((), ())),
        preferred_element_type=jnp.float32)
    ci = lax.broadcasted_iota(jnp.int32, (b, c), 1)
    tx = jnp.sum(jnp.where(ci == tgt_ref[...], x, 0.0), axis=1, keepdims=True)
    lpt_ref[...] = tx - lse


def _tc_dense(x, tgt, interpret=False):
    b = x.shape[0]
    return pl.pallas_call(
        _tc_dense_body,
        out_shape=[jax.ShapeDtypeStruct((b, b), jnp.float32),
                   jax.ShapeDtypeStruct((b, 1), jnp.float32)],
        interpret=interpret,
    )(x, tgt)


def _tc_combine_body(g_ref, lpt_ref, idxr_ref, nb_ref, out_ref):
    b = g_ref.shape[0]
    idxr = idxr_ref[...]
    eq = jnp.reshape(idxr, (b, 1)) == idxr
    ii = lax.broadcasted_iota(jnp.int32, (b, b), 0)
    jj = lax.broadcasted_iota(jnp.int32, (b, b), 1)
    dup = jnp.max(jnp.where(eq & (ii < jj), 1.0, 0.0), axis=0, keepdims=True)
    nb = jnp.reshape(nb_ref[...], (b, b))
    nbf = jnp.where(nb != 0, 1.0, 0.0)
    mmat = nbf * (1.0 - dup)
    cnt = jnp.maximum(jnp.sum(mmat, axis=1, keepdims=True), 1.0)
    neigh = jnp.sum(mmat * g_ref[...], axis=1, keepdims=True) / cnt
    loss = jnp.mean(-_ALPHA * lpt_ref[...] - (1.0 - _ALPHA) * neigh)
    out_ref[...] = jnp.reshape(loss, (1, 1))


def _tc_combine(g, lpt, idxr, nb, interpret=False):
    return pl.pallas_call(
        _tc_combine_body,
        out_shape=jax.ShapeDtypeStruct((1, 1), jnp.float32),
        interpret=interpret,
    )(g, lpt, idxr, nb)


def kernel(inputs, inputs_logits, targets, indexes, neighbors, neighbor_dists):
    del inputs, neighbor_dists
    B, _ = inputs_logits.shape
    S = neighbors.shape[1]
    (nb,) = _make_sc(B, S)(neighbors, indexes)
    g, lpt = _tc_dense(inputs_logits, targets.reshape(B, 1))
    loss = _tc_combine(g, lpt, indexes.reshape(1, B), nb)
    return loss[0, 0]

# --- scband reference (transcript-rebuilt; emitter-appended) ---
"""Pipeline reference for scband-refine-labels-26826365731331 (READ-ONLY COPY).

The authoritative reference and input builder live on the scoring server;
editing this copy changes nothing except your own understanding.
"""

import jax, jax.numpy as jnp
import numpy as np

B = 512
C = 4096        # num logit classes == num_samples
FEAT = 2048     # num_features
S = 4096        # num_samples (memory size, rows of neighbors buffer)
ALPHA = 0.2     # ce_alpha


def setup_inputs(seed: int = 0) -> dict:
    key = jax.random.key(seed)
    k1, k2, k3, k4, k5, k6 = jax.random.split(key, 6)
    inputs = jax.random.normal(k1, (B, FEAT), dtype=jnp.float32)
    inputs_logits = jax.random.normal(k2, (B, C), dtype=jnp.float32)
    targets = jax.random.randint(k3, (B,), 0, C, dtype=jnp.int32)
    indexes = jax.random.randint(k4, (B,), 0, S, dtype=jnp.int32)
    # module buffers (set externally in the original training loop)
    neighbors = jax.random.randint(k5, (S, S), 0, 2, dtype=jnp.int32)
    neighbor_dists = jax.random.uniform(k6, (S, S), dtype=jnp.float32)
    return {
        "inputs": inputs,
        "inputs_logits": inputs_logits,
        "targets": targets,
        "indexes": indexes,
        "neighbors": neighbors,
        "neighbor_dists": neighbor_dists,
    }


def _get_refinelabels(inputs_logits, targets, indexes, neighbors, ce_alpha):
    # targets_onehot = zeros.scatter_(1, targets, 1)
    targets_onehot = jax.nn.one_hot(targets, inputs_logits.shape[1], dtype=inputs_logits.dtype)
    # unique indexes and first batch position of each unique index
    unique_indexes = jnp.unique(indexes, size=indexes.shape[0], fill_value=-1)
    valid = (unique_indexes >= 0).astype(inputs_logits.dtype)
    eq = indexes[None, :] == unique_indexes[:, None]          # [U, B]
    batch2unique_inds = jnp.argmax(eq, axis=1)                # first occurrence
    inputs_logits_unique = jnp.take(inputs_logits, batch2unique_inds, axis=0)  # [U, C]
    # batch_neighbors = neighbors[indexes][:, unique_indexes]  -> [B, U]
    batch_neighbors = jnp.take(jnp.take(neighbors, indexes, axis=0),
                               jnp.clip(unique_indexes, 0, neighbors.shape[1] - 1), axis=1)
    mask = (batch_neighbors != 0).astype(inputs_logits.dtype) * valid[None, :]  # nonzero() selection as mask
    # option == 0: softmax each selected neighbor's logits, then mean over neighbors.
    # mean over selected rows == (mask @ softmax(unique_logits)) / count
    probs_unique = jax.nn.softmax(inputs_logits_unique, axis=1)  # [U, C]
    counts = jnp.maximum(mask.sum(axis=1), 1.0)                 # guard empty (torch would NaN)
    logits_neighbors = (mask @ probs_unique) / counts[:, None]  # [B, C]
    refined_targets = ce_alpha * targets_onehot + (1.0 - ce_alpha) * jax.lax.stop_gradient(logits_neighbors)
    return refined_targets


def reference(inputs, inputs_logits, targets, indexes, neighbors, neighbor_dists):
    # use_part=False, use_meanteacher=False, extra_option=0, option=0, topk_s=0 path
    inputs = inputs / jnp.linalg.norm(inputs, axis=1, keepdims=True)  # F.normalize (unused by loss)
    refined_targets = _get_refinelabels(inputs_logits, targets, indexes, neighbors, ALPHA)
    log_probs = jax.nn.log_softmax(inputs_logits, axis=1)
    loss_ce = (-refined_targets * log_probs).sum(axis=1).mean()
    return loss_ce

if __name__ == "__main__":
    import jax
    _d = setup_inputs()
    print(jax.jit(kernel)(*tuple(_d.values())))

</pallas_src>

<mosaic_0001>
#map = affine_map<(d0, d1) -> (0, 0)>
#map1 = affine_map<(d0, d1) -> (0)>
module attributes {stable_mosaic.version = 14 : i64} {
  func.func @_sc_body(%arg0: i32, %arg1: i32, %arg2: memref<4096x4096xi32, #tpu.memory_space<hbm>>, %arg3: memref<512xi32, #tpu.memory_space<hbm>>, %arg4: memref<262144xi32, #tpu.memory_space<hbm>>, %arg5: memref<16xi32, #tpu.memory_space<vmem>>, %arg6: memref<512xi32, #tpu.memory_space<vmem>>, %arg7: memref<16x4096xi32, #tpu.memory_space<vmem>>, %arg8: memref<8192xi32, #tpu.memory_space<vmem>>, %arg9: memref<8192xi32, #tpu.memory_space<vmem>>, %arg10: memref<524288xi32, #tpu.memory_space<vmem_shared>>, %arg11: memref<!tpu.dma_semaphore, #tpu.memory_space<semaphore_mem>>, %arg12: memref<!tpu.dma_semaphore, #tpu.memory_space<semaphore_mem>>, %arg13: memref<!tpu.dma_semaphore, #tpu.memory_space<semaphore_mem>>, %arg14: memref<!tpu.dma_semaphore, #tpu.memory_space<semaphore_mem>>, %arg15: memref<!tpu.dma_semaphore, #tpu.memory_space<semaphore_mem>>, %arg16: memref<!tpu.dma_semaphore, #tpu.memory_space<semaphore_mem>>) attributes {dimension_semantics = [#tpu.dimension_semantics<core_parallel>, #tpu.dimension_semantics<subcore_parallel>], iteration_bounds = array<i64: 2, 16>, scalar_prefetch = 0 : i64, scratch_operands = 12 : i64, tpu.core_type = #tpu.core_type<sc_vector_subcore>, window_params = [{transform_indices = #map}, {transform_indices = #map1}, {transform_indices = #map1}]} {
    %mul3A = arith.constant 2 : i32
    %mul3A_0 = arith.muli %arg1, %mul3A : i32
    %add3A = arith.addi %mul3A_0, %arg0 : i32
    %mul3A_1 = arith.constant 16 : i32
    %mul3A_2 = arith.muli %add3A, %mul3A_1 : i32
    "tpu.region"() ({
      %run_scoped3A = tpu.sem_alloc : memref<!tpu.dma_semaphore, #tpu.memory_space<semaphore_mem>>
      %dma_start3A_758 = tpu.memref_slice %arg3[%mul3A_2] : memref<512xi32, #tpu.memory_space<hbm>> -> memref<16xi32, #tpu.memory_space<hbm>>
      %dma_start3A_759 = tpu.memref_slice %arg3[%mul3A_2] : memref<512xi32, #tpu.memory_space<hbm>> -> memref<16xi32, #tpu.memory_space<hbm>>
      tpu.enqueue_dma source(%dma_start3A_759 : memref<16xi32, #tpu.memory_space<hbm>>) target(%arg5 : memref<16xi32, #tpu.memory_space<vmem>>) target_semaphore(%run_scoped3A : memref<!tpu.dma_semaphore, #tpu.memory_space<semaphore_mem>>)
      %dma_wait3A_760 = tpu.memref_slice %arg3[%mul3A_2] : memref<512xi32, #tpu.memory_space<hbm>> -> memref<16xi32, #tpu.memory_space<hbm>>
      %dma_wait3A_761 = tpu.memref_slice %arg3[%mul3A_2] : memref<512xi32, #tpu.memory_space<hbm>> -> memref<16xi32, #tpu.memory_space<hbm>>
      tpu.wait_dma2 semaphore(%run_scoped3A : memref<!tpu.dma_semaphore, #tpu.memory_space<semaphore_mem>>) src(%dma_wait3A_761 : memref<16xi32, #tpu.memory_space<hbm>>) dst(%arg5 : memref<16xi32, #tpu.memory_space<vmem>>)
      tpu.yield
    }) : () -> ()
    "tpu.region"() ({
      %run_scoped3A = tpu.sem_alloc : memref<!tpu.dma_semaphore, #tpu.memory_space<semaphore_mem>>
      tpu.enqueue_dma source(%arg3 : memref<512xi32, #tpu.memory_space<hbm>>) target(%arg6 : memref<512xi32, #tpu.memory_space<vmem>>) target_semaphore(%run_scoped3A : memref<!tpu.dma_semaphore, #tpu.memory_space<semaphore_mem>>)
      tpu.wait_dma2 semaphore(%run_scoped3A : memref<!tpu.dma_semaphore, #tpu.memory_space<semaphore_mem>>) src(%arg3 : memref<512xi32, #tpu.memory_space<hbm>>) dst(%arg6 : memref<512xi32, #tpu.memory_space<vmem>>)
      tpu.yield
    }) : () -> ()
    %dma_start3A = arith.constant 0 : i32
    %dma_start3A_3 = arith.constant 0 : i32
    %dma_start3A_4 = tpu.memref_slice %arg7[%dma_start3A, %dma_start3A_3] : memref<16x4096xi32, #tpu.memory_space<vmem>> -> memref<8x4096xi32, #tpu.memory_space<vmem>>
    %dma_start3A_5 = arith.constant 0 : i32
    %dma_start3A_6 = tpu.memref_slice %arg5[%dma_start3A_5] : memref<16xi32, #tpu.memory_space<vmem>> -> memref<8xi32, #tpu.memory_space<vmem>>
    %dma_start3A_7 = arith.constant 0 : i32
    %dma_start3A_8 = arith.constant 0 : i32
    %dma_start3A_9 = tpu.memref_slice %arg2[%dma_start3A_7, %dma_start3A_8] : memref<4096x4096xi32, #tpu.memory_space<hbm>> -> memref<4096x4096xi32, #tpu.memory_space<hbm>>
    tpu.enqueue_indirect_dma source(%dma_start3A_9 : memref<4096x4096xi32, #tpu.memory_space<hbm>>) target(%dma_start3A_4 : memref<8x4096xi32, #tpu.memory_space<vmem>>) offsets(%dma_start3A_6 : memref<8xi32, #tpu.memory_space<vmem>>) semaphore(%arg11 : memref<!tpu.dma_semaphore, #tpu.memory_space<semaphore_mem>>)
    %dma_start3A_10 = arith.constant 8 : i32
    %dma_start3A_11 = arith.constant 0 : i32
    %dma_start3A_12 = tpu.memref_slice %arg7[%dma_start3A_10, %dma_start3A_11] : memref<16x4096xi32, #tpu.memory_space<vmem>> -> memref<8x4096xi32, #tpu.memory_space<vmem>>
    %dma_start3A_13 = arith.constant 8 : i32
    %dma_start3A_14 = tpu.memref_slice %arg5[%dma_start3A_13] : memref<16xi32, #tpu.memory_space<vmem>> -> memref<8xi32, #tpu.memory_space<vmem>>
    %dma_start3A_15 = arith.constant 0 : i32
    %dma_start3A_16 = arith.constant 0 : i32
    %dma_start3A_17 = tpu.memref_slice %arg2[%dma_start3A_15, %dma_start3A_16] : memref<4096x4096xi32, #tpu.memory_space<hbm>> -> memref<4096x4096xi32, #tpu.memory_space<hbm>>
    tpu.enqueue_indirect_dma source(%dma_start3A_17 : memref<4096x4096xi32, #tpu.memory_space<hbm>>) target(%dma_start3A_12 : memref<8x4096xi32, #tpu.memory_space<vmem>>) offsets(%dma_start3A_14 : memref<8xi32, #tpu.memory_space<vmem>>) semaphore(%arg12 : memref<!tpu.dma_semaphore, #tpu.memory_space<semaphore_mem>>)
    %mul3A_18 = arith.constant 2 : i32
    %mul3A_19 = arith.muli %arg1, %mul3A_18 : i32
    %mul3A_20 = arith.constant 4 : i32
    %mul3A_21 = arith.muli %mul3A_19, %mul3A_20 : i32
    %add3A_22 = arith.constant 0 : i32
    %add3A_23 = arith.addi %mul3A_21, %add3A_22 : i32
    %add3A_24 = arith.constant 0 : i32
    %add3A_25 = arith.addi %add3A_23, %add3A_24 : i32
    %mul3A_26 = arith.constant 4096 : i32
    %mul3A_27 = arith.muli %add3A_25, %mul3A_26 : i32
    %mul3A_28 = arith.constant 2 : i32
    %mul3A_29 = arith.muli %arg1, %mul3A_28 : i32
    %mul3A_30 = arith.constant 4 : i32
    %mul3A_31 = arith.muli %mul3A_29, %mul3A_30 : i32
    %add3A_32 = arith.constant 0 : i32
    %add3A_33 = arith.addi %mul3A_31, %add3A_32 : i32
    %add3A_34 = arith.constant 1 : i32
    %add3A_35 = arith.addi %add3A_33, %add3A_34 : i32
    %mul3A_36 = arith.constant 4096 : i32
    %mul3A_37 = arith.muli %add3A_35, %mul3A_36 : i32
    %mul3A_38 = arith.constant 2 : i32
    %mul3A_39 = arith.muli %arg1, %mul3A_38 : i32
    %mul3A_40 = arith.constant 4 : i32
    %mul3A_41 = arith.muli %mul3A_39, %mul3A_40 : i32
    %add3A_42 = arith.constant 0 : i32
    %add3A_43 = arith.addi %mul3A_41, %add3A_42 : i32
    %add3A_44 = arith.constant 2 : i32
    %add3A_45 = arith.addi %add3A_43, %add3A_44 : i32
    %mul3A_46 = arith.constant 4096 : i32
    %mul3A_47 = arith.muli %add3A_45, %mul3A_46 : i32
    %mul3A_48 = arith.constant 2 : i32
    %mul3A_49 = arith.muli %arg1, %mul3A_48 : i32
    %mul3A_50 = arith.constant 4 : i32
    %mul3A_51 = arith.muli %mul3A_49, %mul3A_50 : i32
    %add3A_52 = arith.constant 0 : i32
    %add3A_53 = arith.addi %mul3A_51, %add3A_52 : i32
    %add3A_54 = arith.constant 3 : i32
    %add3A_55 = arith.addi %add3A_53, %add3A_54 : i32
    %mul3A_56 = arith.constant 4096 : i32
    %mul3A_57 = arith.muli %add3A_55, %mul3A_56 : i32
    %mul3A_58 = arith.constant 2 : i32
    %mul3A_59 = arith.muli %arg1, %mul3A_58 : i32
    %mul3A_60 = arith.constant 4 : i32
    %mul3A_61 = arith.muli %mul3A_59, %mul3A_60 : i32
    %add3A_62 = arith.constant 4 : i32
    %add3A_63 = arith.addi %mul3A_61, %add3A_62 : i32
    %add3A_64 = arith.constant 0 : i32
    %add3A_65 = arith.addi %add3A_63, %add3A_64 : i32
    %mul3A_66 = arith.constant 4096 : i32
    %mul3A_67 = arith.muli %add3A_65, %mul3A_66 : i32
    %mul3A_68 = arith.constant 2 : i32
    %mul3A_69 = arith.muli %arg1, %mul3A_68 : i32
    %mul3A_70 = arith.constant 4 : i32
    %mul3A_71 = arith.muli %mul3A_69, %mul3A_70 : i32
    %add3A_72 = arith.constant 4 : i32
    %add3A_73 = arith.addi %mul3A_71, %add3A_72 : i32
    %add3A_74 = arith.constant 1 : i32
    %add3A_75 = arith.addi %add3A_73, %add3A_74 : i32
    %mul3A_76 = arith.constant 4096 : i32
    %mul3A_77 = arith.muli %add3A_75, %mul3A_76 : i32
    %mul3A_78 = arith.constant 2 : i32
    %mul3A_79 = arith.muli %arg1, %mul3A_78 : i32
    %mul3A_80 = arith.constant 4 : i32
    %mul3A_81 = arith.muli %mul3A_79, %mul3A_80 : i32
    %add3A_82 = arith.constant 4 : i32
    %add3A_83 = arith.addi %mul3A_81, %add3A_82 : i32
    %add3A_84 = arith.constant 2 : i32
    %add3A_85 = arith.addi %add3A_83, %add3A_84 : i32
    %mul3A_86 = arith.constant 4096 : i32
    %mul3A_87 = arith.muli %add3A_85, %mul3A_86 : i32
    %mul3A_88 = arith.constant 2 : i32
    %mul3A_89 = arith.muli %arg1, %mul3A_88 : i32
    %mul3A_90 = arith.constant 4 : i32
    %mul3A_91 = arith.muli %mul3A_89, %mul3A_90 : i32
    %add3A_92 = arith.constant 4 : i32
    %add3A_93 = arith.addi %mul3A_91, %add3A_92 : i32
    %add3A_94 = arith.constant 3 : i32
    %add3A_95 = arith.addi %add3A_93, %add3A_94 : i32
    %mul3A_96 = arith.constant 4096 : i32
    %mul3A_97 = arith.muli %add3A_95, %mul3A_96 : i32
    %mul3A_98 = arith.constant 2 : i32
    %mul3A_99 = arith.muli %arg1, %mul3A_98 : i32
    %mul3A_100 = arith.constant 4 : i32
    %mul3A_101 = arith.muli %mul3A_99, %mul3A_100 : i32
    %add3A_102 = arith.constant 0 : i32
    %add3A_103 = arith.addi %mul3A_101, %add3A_102 : i32
    %add3A_104 = arith.constant 0 : i32
    %add3A_105 = arith.addi %add3A_103, %add3A_104 : i32
    %mul3A_106 = arith.constant 4096 : i32
    %mul3A_107 = arith.muli %add3A_105, %mul3A_106 : i32
    %mul3A_108 = arith.constant 2 : i32
    %mul3A_109 = arith.muli %arg1, %mul3A_108 : i32
    %mul3A_110 = arith.constant 4 : i32
    %mul3A_111 = arith.muli %mul3A_109, %mul3A_110 : i32
    %add3A_112 = arith.constant 0 : i32
    %add3A_113 = arith.addi %mul3A_111, %add3A_112 : i32
    %add3A_114 = arith.constant 1 : i32
    %add3A_115 = arith.addi %add3A_113, %add3A_114 : i32
    %mul3A_116 = arith.constant 4096 : i32
    %mul3A_117 = arith.muli %add3A_115, %mul3A_116 : i32
    %mul3A_118 = arith.constant 2 : i32
    %mul3A_119 = arith.muli %arg1, %mul3A_118 : i32
    %mul3A_120 = arith.constant 4 : i32
    %mul3A_121 = arith.muli %mul3A_119, %mul3A_120 : i32
    %add3A_122 = arith.constant 0 : i32
    %add3A_123 = arith.addi %mul3A_121, %add3A_122 : i32
    %add3A_124 = arith.constant 2 : i32
    %add3A_125 = arith.addi %add3A_123, %add3A_124 : i32
    %mul3A_126 = arith.constant 4096 : i32
    %mul3A_127 = arith.muli %add3A_125, %mul3A_126 : i32
    %mul3A_128 = arith.constant 2 : i32
    %mul3A_129 = arith.muli %arg1, %mul3A_128 : i32
    %mul3A_130 = arith.constant 4 : i32
    %mul3A_131 = arith.muli %mul3A_129, %mul3A_130 : i32
    %add3A_132 = arith.constant 0 : i32
    %add3A_133 = arith.addi %mul3A_131, %add3A_132 : i32
    %add3A_134 = arith.constant 3 : i32
    %add3A_135 = arith.addi %add3A_133, %add3A_134 : i32
    %mul3A_136 = arith.constant 4096 : i32
    %mul3A_137 = arith.muli %add3A_135, %mul3A_136 : i32
    %mul3A_138 = arith.constant 2 : i32
    %mul3A_139 = arith.muli %arg1, %mul3A_138 : i32
    %mul3A_140 = arith.constant 4 : i32
    %mul3A_141 = arith.muli %mul3A_139, %mul3A_140 : i32
    %add3A_142 = arith.constant 4 : i32
    %add3A_143 = arith.addi %mul3A_141, %add3A_142 : i32
    %add3A_144 = arith.constant 0 : i32
    %add3A_145 = arith.addi %add3A_143, %add3A_144 : i32
    %mul3A_146 = arith.constant 4096 : i32
    %mul3A_147 = arith.muli %add3A_145, %mul3A_146 : i32
    %mul3A_148 = arith.constant 2 : i32
    %mul3A_149 = arith.muli %arg1, %mul3A_148 : i32
    %mul3A_150 = arith.constant 4 : i32
    %mul3A_151 = arith.muli %mul3A_149, %mul3A_150 : i32
    %add3A_152 = arith.constant 4 : i32
    %add3A_153 = arith.addi %mul3A_151, %add3A_152 : i32
    %add3A_154 = arith.constant 1 : i32
    %add3A_155 = arith.addi %add3A_153, %add3A_154 : i32
    %mul3A_156 = arith.constant 4096 : i32
    %mul3A_157 = arith.muli %add3A_155, %mul3A_156 : i32
    %mul3A_158 = arith.constant 2 : i32
    %mul3A_159 = arith.muli %arg1, %mul3A_158 : i32
    %mul3A_160 = arith.constant 4 : i32
    %mul3A_161 = arith.muli %mul3A_159, %mul3A_160 : i32
    %add3A_162 = arith.constant 4 : i32
    %add3A_163 = arith.addi %mul3A_161, %add3A_162 : i32
    %add3A_164 = arith.constant 2 : i32
    %add3A_165 = arith.addi %add3A_163, %add3A_164 : i32
    %mul3A_166 = arith.constant 4096 : i32
    %mul3A_167 = arith.muli %add3A_165, %mul3A_166 : i32
    %mul3A_168 = arith.constant 2 : i32
    %mul3A_169 = arith.muli %arg1, %mul3A_168 : i32
    %mul3A_170 = arith.constant 4 : i32
    %mul3A_171 = arith.muli %mul3A_169, %mul3A_170 : i32
    %add3A_172 = arith.constant 4 : i32
    %add3A_173 = arith.addi %mul3A_171, %add3A_172 : i32
    %add3A_174 = arith.constant 3 : i32
    %add3A_175 = arith.addi %add3A_173, %add3A_174 : i32
    %mul3A_176 = arith.constant 4096 : i32
    %mul3A_177 = arith.muli %add3A_175, %mul3A_176 : i32
    %scan3A = arith.constant 0 : i32
    %scan3A_178 = arith.constant 0 : i32
    %scan3A_179 = arith.constant 32 : i32
    %scan3A_180 = arith.addi %scan3A_178, %scan3A_179 : i32
    %scan3A_181 = arith.constant 1 : i32
    scf.for %scan3A_758 = %scan3A_178 to %scan3A_180 step %scan3A_181  : i32 {
      %mul3A_759 = arith.constant 16 : i32
      %mul3A_760 = arith.muli %scan3A_758, %mul3A_759 : i32
      %get3A = arith.index_cast %mul3A_760 : i32 to index
      %get3A_761 = tpu.vector_load %arg6[%get3A] {strides = array<i32>} : memref<512xi32, #tpu.memory_space<vmem>>, vector<16xi32>,
      %get3A_762 = vector.shape_cast %get3A_761 : vector<16xi32> to vector<16xi32>
      %add3A_763 = vector.broadcast %mul3A_27 : i32 to vector<16xi32>
      %add3A_764 = arith.addi %get3A_762, %add3A_763 : vector<16xi32>
      %add3A_765 = arith.constant 0 : i32
      %add3A_766 = arith.addi %add3A_765, %mul3A_760 : i32
      %swap3A = arith.index_cast %add3A_766 : i32 to index
      %swap3A_767 = tpu.vector_load %arg8[%swap3A] {strides = array<i32>} : memref<8192xi32, #tpu.memory_space<vmem>>, vector<16xi32>,
      %swap3A_768 = vector.shape_cast %swap3A_767 : vector<16xi32> to vector<16xi32>
      %swap3A_769 = vector.shape_cast %add3A_764 : vector<16xi32> to vector<16xi32>
      tpu.vector_store %arg8[%swap3A], %swap3A_769 {strides = array<i32>} : memref<8192xi32, #tpu.memory_space<vmem>>, vector<16xi32>,
      %add3A_770 = vector.broadcast %mul3A_37 : i32 to vector<16xi32>
      %add3A_771 = arith.addi %get3A_762, %add3A_770 : vector<16xi32>
      %add3A_772 = arith.constant 512 : i32
      %add3A_773 = arith.addi %add3A_772, %mul3A_760 : i32
      %swap3A_774 = arith.index_cast %add3A_773 : i32 to index
      %swap3A_775 = tpu.vector_load %arg8[%swap3A_774] {strides = array<i32>} : memref<8192xi32, #tpu.memory_space<vmem>>, vector<16xi32>,
      %swap3A_776 = vector.shape_cast %swap3A_775 : vector<16xi32> to vector<16xi32>
      %swap3A_777 = vector.shape_cast %add3A_771 : vector<16xi32> to vector<16xi32>
      tpu.vector_store %arg8[%swap3A_774], %swap3A_777 {strides = array<i32>} : memref<8192xi32, #tpu.memory_space<vmem>>, vector<16xi32>,
      %add3A_778 = vector.broadcast %mul3A_47 : i32 to vector<16xi32>
      %add3A_779 = arith.addi %get3A_762, %add3A_778 : vector<16xi32>
      %add3A_780 = arith.constant 1024 : i32
      %add3A_781 = arith.addi %add3A_780, %mul3A_760 : i32
      %swap3A_782 = arith.index_cast %add3A_781 : i32 to index
      %swap3A_783 = tpu.vector_load %arg8[%swap3A_782] {strides = array<i32>} : memref<8192xi32, #tpu.memory_space<vmem>>, vector<16xi32>,
      %swap3A_784 = vector.shape_cast %swap3A_783 : vector<16xi32> to vector<16xi32>
      %swap3A_785 = vector.shape_cast %add3A_779 : vector<16xi32> to vector<16xi32>
      tpu.vector_store %arg8[%swap3A_782], %swap3A_785 {strides = array<i32>} : memref<8192xi32, #tpu.memory_space<vmem>>, vector<16xi32>,
      %add3A_786 = vector.broadcast %mul3A_57 : i32 to vector<16xi32>
      %add3A_787 = arith.addi %get3A_762, %add3A_786 : vector<16xi32>
      %add3A_788 = arith.constant 1536 : i32
      %add3A_789 = arith.addi %add3A_788, %mul3A_760 : i32
      %swap3A_790 = arith.index_cast %add3A_789 : i32 to index
      %swap3A_791 = tpu.vector_load %arg8[%swap3A_790] {strides = array<i32>} : memref<8192xi32, #tpu.memory_space<vmem>>, vector<16xi32>,
      %swap3A_792 = vector.shape_cast %swap3A_791 : vector<16xi32> to vector<16xi32>
      %swap3A_793 = vector.shape_cast %add3A_787 : vector<16xi32> to vector<16xi32>
      tpu.vector_store %arg8[%swap3A_790], %swap3A_793 {strides = array<i32>} : memref<8192xi32, #tpu.memory_space<vmem>>, vector<16xi32>,
      %add3A_794 = vector.broadcast %mul3A_67 : i32 to vector<16xi32>
      %add3A_795 = arith.addi %get3A_762, %add3A_794 : vector<16xi32>
      %add3A_796 = arith.constant 2048 : i32
      %add3A_797 = arith.addi %add3A_796, %mul3A_760 : i32
      %swap3A_798 = arith.index_cast %add3A_797 : i32 to index
      %swap3A_799 = tpu.vector_load %arg8[%swap3A_798] {strides = array<i32>} : memref<8192xi32, #tpu.memory_space<vmem>>, vector<16xi32>,
      %swap3A_800 = vector.shape_cast %swap3A_799 : vector<16xi32> to vector<16xi32>
      %swap3A_801 = vector.shape_cast %add3A_795 : vector<16xi32> to vector<16xi32>
      tpu.vector_store %arg8[%swap3A_798], %swap3A_801 {strides = array<i32>} : memref<8192xi32, #tpu.memory_space<vmem>>, vector<16xi32>,
      %add3A_802 = vector.broadcast %mul3A_77 : i32 to vector<16xi32>
      %add3A_803 = arith.addi %get3A_762, %add3A_802 : vector<16xi32>
      %add3A_804 = arith.constant 2560 : i32
      %add3A_805 = arith.addi %add3A_804, %mul3A_760 : i32
      %swap3A_806 = arith.index_cast %add3A_805 : i32 to index
      %swap3A_807 = tpu.vector_load %arg8[%swap3A_806] {strides = array<i32>} : memref<8192xi32, #tpu.memory_space<vmem>>, vector<16xi32>,
      %swap3A_808 = vector.shape_cast %swap3A_807 : vector<16xi32> to vector<16xi32>
      %swap3A_809 = vector.shape_cast %add3A_803 : vector<16xi32> to vector<16xi32>
      tpu.vector_store %arg8[%swap3A_806], %swap3A_809 {strides = array<i32>} : memref<8192xi32, #tpu.memory_space<vmem>>, vector<16xi32>,
      %add3A_810 = vector.broadcast %mul3A_87 : i32 to vector<16xi32>
      %add3A_811 = arith.addi %get3A_762, %add3A_810 : vector<16xi32>
      %add3A_812 = arith.constant 3072 : i32
      %add3A_813 = arith.addi %add3A_812, %mul3A_760 : i32
      %swap3A_814 = arith.index_cast %add3A_813 : i32 to index
      %swap3A_815 = tpu.vector_load %arg8[%swap3A_814] {strides = array<i32>} : memref<8192xi32, #tpu.memory_space<vmem>>, vector<16xi32>,
      %swap3A_816 = vector.shape_cast %swap3A_815 : vector<16xi32> to vector<16xi32>
      %swap3A_817 = vector.shape_cast %add3A_811 : vector<16xi32> to vector<16xi32>
      tpu.vector_store %arg8[%swap3A_814], %swap3A_817 {strides = array<i32>} : memref<8192xi32, #tpu.memory_space<vmem>>, vector<16xi32>,
      %add3A_818 = vector.broadcast %mul3A_97 : i32 to vector<16xi32>
      %add3A_819 = arith.addi %get3A_762, %add3A_818 : vector<16xi32>
      %add3A_820 = arith.constant 3584 : i32
      %add3A_821 = arith.addi %add3A_820, %mul3A_760 : i32
      %swap3A_822 = arith.index_cast %add3A_821 : i32 to index
      %swap3A_823 = tpu.vector_load %arg8[%swap3A_822] {strides = array<i32>} : memref<8192xi32, #tpu.memory_space<vmem>>, vector<16xi32>,
      %swap3A_824 = vector.shape_cast %swap3A_823 : vector<16xi32> to vector<16xi32>
      %swap3A_825 = vector.shape_cast %add3A_819 : vector<16xi32> to vector<16xi32>
      tpu.vector_store %arg8[%swap3A_822], %swap3A_825 {strides = array<i32>} : memref<8192xi32, #tpu.memory_space<vmem>>, vector<16xi32>,
      %add3A_826 = vector.broadcast %mul3A_107 : i32 to vector<16xi32>
      %add3A_827 = arith.addi %get3A_762, %add3A_826 : vector<16xi32>
      %add3A_828 = arith.constant 4096 : i32
      %add3A_829 = arith.addi %add3A_828, %mul3A_760 : i32
      %swap3A_830 = arith.index_cast %add3A_829 : i32 to index
      %swap3A_831 = tpu.vector_load %arg8[%swap3A_830] {strides = array<i32>} : memref<8192xi32, #tpu.memory_space<vmem>>, vector<16xi32>,
      %swap3A_832 = vector.shape_cast %swap3A_831 : vector<16xi32> to vector<16xi32>
      %swap3A_833 = vector.shape_cast %add3A_827 : vector<16xi32> to vector<16xi32>
      tpu.vector_store %arg8[%swap3A_830], %swap3A_833 {strides = array<i32>} : memref<8192xi32, #tpu.memory_space<vmem>>, vector<16xi32>,
      %add3A_834 = vector.broadcast %mul3A_117 : i32 to vector<16xi32>
      %add3A_835 = arith.addi %get3A_762, %add3A_834 : vector<16xi32>
      %add3A_836 = arith.constant 4608 : i32
      %add3A_837 = arith.addi %add3A_836, %mul3A_760 : i32
      %swap3A_838 = arith.index_cast %add3A_837 : i32 to index
      %swap3A_839 = tpu.vector_load %arg8[%swap3A_838] {strides = array<i32>} : memref<8192xi32, #tpu.memory_space<vmem>>, vector<16xi32>,
      %swap3A_840 = vector.shape_cast %swap3A_839 : vector<16xi32> to vector<16xi32>
      %swap3A_841 = vector.shape_cast %add3A_835 : vector<16xi32> to vector<16xi32>
      tpu.vector_store %arg8[%swap3A_838], %swap3A_841 {strides = array<i32>} : memref<8192xi32, #tpu.memory_space<vmem>>, vector<16xi32>,
      %add3A_842 = vector.broadcast %mul3A_127 : i32 to vector<16xi32>
      %add3A_843 = arith.addi %get3A_762, %add3A_842 : vector<16xi32>
      %add3A_844 = arith.constant 5120 : i32
      %add3A_845 = arith.addi %add3A_844, %mul3A_760 : i32
      %swap3A_846 = arith.index_cast %add3A_845 : i32 to index
      %swap3A_847 = tpu.vector_load %arg8[%swap3A_846] {strides = array<i32>} : memref<8192xi32, #tpu.memory_space<vmem>>, vector<16xi32>,
      %swap3A_848 = vector.shape_cast %swap3A_847 : vector<16xi32> to vector<16xi32>
      %swap3A_849 = vector.shape_cast %add3A_843 : vector<16xi32> to vector<16xi32>
      tpu.vector_store %arg8[%swap3A_846], %swap3A_849 {strides = array<i32>} : memref<8192xi32, #tpu.memory_space<vmem>>, vector<16xi32>,
      %add3A_850 = vector.broadcast %mul3A_137 : i32 to vector<16xi32>
      %add3A_851 = arith.addi %get3A_762, %add3A_850 : vector<16xi32>
      %add3A_852 = arith.constant 5632 : i32
      %add3A_853 = arith.addi %add3A_852, %mul3A_760 : i32
      %swap3A_854 = arith.index_cast %add3A_853 : i32 to index
      %swap3A_855 = tpu.vector_load %arg8[%swap3A_854] {strides = array<i32>} : memref<8192xi32, #tpu.memory_space<vmem>>, vector<16xi32>,
      %swap3A_856 = vector.shape_cast %swap3A_855 : vector<16xi32> to vector<16xi32>
      %swap3A_857 = vector.shape_cast %add3A_851 : vector<16xi32> to vector<16xi32>
      tpu.vector_store %arg8[%swap3A_854], %swap3A_857 {strides = array<i32>} : memref<8192xi32, #tpu.memory_space<vmem>>, vector<16xi32>,
      %add3A_858 = vector.broadcast %mul3A_147 : i32 to vector<16xi32>
      %add3A_859 = arith.addi %get3A_762, %add3A_858 : vector<16xi32>
      %add3A_860 = arith.constant 6144 : i32
      %add3A_861 = arith.addi %add3A_860, %mul3A_760 : i32
      %swap3A_862 = arith.index_cast %add3A_861 : i32 to index
      %swap3A_863 = tpu.vector_load %arg8[%swap3A_862] {strides = array<i32>} : memref<8192xi32, #tpu.memory_space<vmem>>, vector<16xi32>,
      %swap3A_864 = vector.shape_cast %swap3A_863 : vector<16xi32> to vector<16xi32>
      %swap3A_865 = vector.shape_cast %add3A_859 : vector<16xi32> to vector<16xi32>
      tpu.vector_store %arg8[%swap3A_862], %swap3A_865 {strides = array<i32>} : memref<8192xi32, #tpu.memory_space<vmem>>, vector<16xi32>,
      %add3A_866 = vector.broadcast %mul3A_157 : i32 to vector<16xi32>
      %add3A_867 = arith.addi %get3A_762, %add3A_866 : vector<16xi32>
      %add3A_868 = arith.constant 6656 : i32
      %add3A_869 = arith.addi %add3A_868, %mul3A_760 : i32
      %swap3A_870 = arith.index_cast %add3A_869 : i32 to index
      %swap3A_871 = tpu.vector_load %arg8[%swap3A_870] {strides = array<i32>} : memref<8192xi32, #tpu.memory_space<vmem>>, vector<16xi32>,
      %swap3A_872 = vector.shape_cast %swap3A_871 : vector<16xi32> to vector<16xi32>
      %swap3A_873 = vector.shape_cast %add3A_867 : vector<16xi32> to vector<16xi32>
      tpu.vector_store %arg8[%swap3A_870], %swap3A_873 {strides = array<i32>} : memref<8192xi32, #tpu.memory_space<vmem>>, vector<16xi32>,
      %add3A_874 = vector.broadcast %mul3A_167 : i32 to vector<16xi32>
      %add3A_875 = arith.addi %get3A_762, %add3A_874 : vector<16xi32>
      %add3A_876 = arith.constant 7168 : i32
      %add3A_877 = arith.addi %add3A_876, %mul3A_760 : i32
      %swap3A_878 = arith.index_cast %add3A_877 : i32 to index
      %swap3A_879 = tpu.vector_load %arg8[%swap3A_878] {strides = array<i32>} : memref<8192xi32, #tpu.memory_space<vmem>>, vector<16xi32>,
      %swap3A_880 = vector.shape_cast %swap3A_879 : vector<16xi32> to vector<16xi32>
      %swap3A_881 = vector.shape_cast %add3A_875 : vector<16xi32> to vector<16xi32>
      tpu.vector_store %arg8[%swap3A_878], %swap3A_881 {strides = array<i32>} : memref<8192xi32, #tpu.memory_space<vmem>>, vector<16xi32>,
      %add3A_882 = vector.broadcast %mul3A_177 : i32 to vector<16xi32>
      %add3A_883 = arith.addi %get3A_762, %add3A_882 : vector<16xi32>
      %add3A_884 = arith.constant 7680 : i32
      %add3A_885 = arith.addi %add3A_884, %mul3A_760 : i32
      %swap3A_886 = arith.index_cast %add3A_885 : i32 to index
      %swap3A_887 = tpu.vector_load %arg8[%swap3A_886] {strides = array<i32>} : memref<8192xi32, #tpu.memory_space<vmem>>, vector<16xi32>,
      %swap3A_888 = vector.shape_cast %swap3A_887 : vector<16xi32> to vector<16xi32>
      %swap3A_889 = vector.shape_cast %add3A_883 : vector<16xi32> to vector<16xi32>
      tpu.vector_store %arg8[%swap3A_886], %swap3A_889 {strides = array<i32>} : memref<8192xi32, #tpu.memory_space<vmem>>, vector<16xi32>,
    }
    %scan3A_182 = arith.constant 32 : i32
    %dma_wait3A = arith.constant 0 : i32
    %dma_wait3A_183 = arith.constant 0 : i32
    %dma_wait3A_184 = tpu.memref_slice %arg7[%dma_wait3A, %dma_wait3A_183] : memref<16x4096xi32, #tpu.memory_space<vmem>> -> memref<8x4096xi32, #tpu.memory_space<vmem>>
    %dma_wait3A_185 = arith.constant 0 : i32
    %dma_wait3A_186 = tpu.memref_slice %arg5[%dma_wait3A_185] : memref<16xi32, #tpu.memory_space<vmem>> -> memref<8xi32, #tpu.memory_space<vmem>>
    %dma_wait3A_187 = arith.constant 0 : i32
    %dma_wait3A_188 = arith.constant 0 : i32
    %dma_wait3A_189 = tpu.memref_slice %arg2[%dma_wait3A_187, %dma_wait3A_188] : memref<4096x4096xi32, #tpu.memory_space<hbm>> -> memref<4096x4096xi32, #tpu.memory_space<hbm>>
    tpu.wait_indirect_dma semaphore(%arg11 : memref<!tpu.dma_semaphore, #tpu.memory_space<semaphore_mem>>) src(%dma_wait3A_189 : memref<4096x4096xi32, #tpu.memory_space<hbm>>) dst(%dma_wait3A_184 : memref<8x4096xi32, #tpu.memory_space<vmem>>)
    %mul3A_190 = arith.constant 2 : i32
    %mul3A_191 = arith.muli %arg1, %mul3A_190 : i32
    %mul3A_192 = arith.constant 4 : i32
    %mul3A_193 = arith.muli %mul3A_191, %mul3A_192 : i32
    %add3A_194 = arith.constant 0 : i32
    %add3A_195 = arith.addi %mul3A_193, %add3A_194 : i32
    %add3A_196 = arith.constant 0 : i32
    %add3A_197 = arith.addi %add3A_195, %add3A_196 : i32
    %mul3A_198 = arith.constant 4096 : i32
    %mul3A_199 = arith.muli %add3A_197, %mul3A_198 : i32
    %dma_start3A_200 = arith.constant 0 : i32
    %dma_start3A_201 = arith.constant 0 : i32
    %dma_start3A_202 = tpu.memref_slice %arg7[%dma_start3A_200, %dma_start3A_201] : memref<16x4096xi32, #tpu.memory_space<vmem>> -> memref<1x4096xi32, #tpu.memory_space<vmem>>
    %dma_start3A_203 = tpu.memref_squeeze %dma_start3A_202 : memref<1x4096xi32, #tpu.memory_space<vmem>> -> memref<4096xi32, #tpu.memory_space<vmem>>
    %dma_start3A_204 = tpu.memref_slice %arg10[%mul3A_199] : memref<524288xi32, #tpu.memory_space<vmem_shared>> -> memref<4096xi32, #tpu.memory_space<vmem_shared>>
    %dma_start3A_205 = tpu.memref_slice %arg10[%mul3A_199] : memref<524288xi32, #tpu.memory_space<vmem_shared>> -> memref<4096xi32, #tpu.memory_space<vmem_shared>>
    %dma_start3A_206 = arith.constant 0 : i32
    %dma_start3A_207 = tpu.memref_slice %arg7[%dma_start3A_200, %dma_start3A_206] : memref<16x4096xi32, #tpu.memory_space<vmem>> -> memref<1x4096xi32, #tpu.memory_space<vmem>>
    %dma_start3A_208 = tpu.memref_squeeze %dma_start3A_207 : memref<1x4096xi32, #tpu.memory_space<vmem>> -> memref<4096xi32, #tpu.memory_space<vmem>>
    tpu.enqueue_dma source(%dma_start3A_208 : memref<4096xi32, #tpu.memory_space<vmem>>) target(%dma_start3A_205 : memref<4096xi32, #tpu.memory_space<vmem_shared>>) target_semaphore(%arg13 : memref<!tpu.dma_semaphore, #tpu.memory_space<semaphore_mem>>)
    %mul3A_209 = arith.constant 2 : i32
    %mul3A_210 = arith.muli %arg1, %mul3A_209 : i32
    %mul3A_211 = arith.constant 4 : i32
    %mul3A_212 = arith.muli %mul3A_210, %mul3A_211 : i32
    %add3A_213 = arith.constant 0 : i32
    %add3A_214 = arith.addi %mul3A_212, %add3A_213 : i32
    %add3A_215 = arith.constant 1 : i32
    %add3A_216 = arith.addi %add3A_214, %add3A_215 : i32
    %mul3A_217 = arith.constant 4096 : i32
    %mul3A_218 = arith.muli %add3A_216, %mul3A_217 : i32
    %dma_start3A_219 = arith.constant 1 : i32
    %dma_start3A_220 = arith.constant 0 : i32
    %dma_start3A_221 = tpu.memref_slice %arg7[%dma_start3A_219, %dma_start3A_220] : memref<16x4096xi32, #tpu.memory_space<vmem>> -> memref<1x4096xi32, #tpu.memory_space<vmem>>
    %dma_start3A_222 = tpu.memref_squeeze %dma_start3A_221 : memref<1x4096xi32, #tpu.memory_space<vmem>> -> memref<4096xi32, #tpu.memory_space<vmem>>
    %dma_start3A_223 = tpu.memref_slice %arg10[%mul3A_218] : memref<524288xi32, #tpu.memory_space<vmem_shared>> -> memref<4096xi32, #tpu.memory_space<vmem_shared>>
    %dma_start3A_224 = tpu.memref_slice %arg10[%mul3A_218] : memref<524288xi32, #tpu.memory_space<vmem_shared>> -> memref<4096xi32, #tpu.memory_space<vmem_shared>>
    %dma_start3A_225 = arith.constant 0 : i32
    %dma_start3A_226 = tpu.memref_slice %arg7[%dma_start3A_219, %dma_start3A_225] : memref<16x4096xi32, #tpu.memory_space<vmem>> -> memref<1x4096xi32, #tpu.memory_space<vmem>>
    %dma_start3A_227 = tpu.memref_squeeze %dma_start3A_226 : memref<1x4096xi32, #tpu.memory_space<vmem>> -> memref<4096xi32, #tpu.memory_space<vmem>>
    tpu.enqueue_dma source(%dma_start3A_227 : memref<4096xi32, #tpu.memory_space<vmem>>) target(%dma_start3A_224 : memref<4096xi32, #tpu.memory_space<vmem_shared>>) target_semaphore(%arg13 : memref<!tpu.dma_semaphore, #tpu.memory_space<semaphore_mem>>)
    %mul3A_228 = arith.constant 2 : i32
    %mul3A_229 = arith.muli %arg1, %mul3A_228 : i32
    %mul3A_230 = arith.constant 4 : i32
    %mul3A_231 = arith.muli %mul3A_229, %mul3A_230 : i32
    %add3A_232 = arith.constant 0 : i32
    %add3A_233 = arith.addi %mul3A_231, %add3A_232 : i32
    %add3A_234 = arith.constant 2 : i32
    %add3A_235 = arith.addi %add3A_233, %add3A_234 : i32
    %mul3A_236 = arith.constant 4096 : i32
    %mul3A_237 = arith.muli %add3A_235, %mul3A_236 : i32
    %dma_start3A_238 = arith.constant 2 : i32
    %dma_start3A_239 = arith.constant 0 : i32
    %dma_start3A_240 = tpu.memref_slice %arg7[%dma_start3A_238, %dma_start3A_239] : memref<16x4096xi32, #tpu.memory_space<vmem>> -> memref<1x4096xi32, #tpu.memory_space<vmem>>
    %dma_start3A_241 = tpu.memref_squeeze %dma_start3A_240 : memref<1x4096xi32, #tpu.memory_space<vmem>> -> memref<4096xi32, #tpu.memory_space<vmem>>
    %dma_start3A_242 = tpu.memref_slice %arg10[%mul3A_237] : memref<524288xi32, #tpu.memory_space<vmem_shared>> -> memref<4096xi32, #tpu.memory_space<vmem_shared>>
    %dma_start3A_243 = tpu.memref_slice %arg10[%mul3A_237] : memref<524288xi32, #tpu.memory_space<vmem_shared>> -> memref<4096xi32, #tpu.memory_space<vmem_shared>>
    %dma_start3A_244 = arith.constant 0 : i32
    %dma_start3A_245 = tpu.memref_slice %arg7[%dma_start3A_238, %dma_start3A_244] : memref<16x4096xi32, #tpu.memory_space<vmem>> -> memref<1x4096xi32, #tpu.memory_space<vmem>>
    %dma_start3A_246 = tpu.memref_squeeze %dma_start3A_245 : memref<1x4096xi32, #tpu.memory_space<vmem>> -> memref<4096xi32, #tpu.memory_space<vmem>>
    tpu.enqueue_dma source(%dma_start3A_246 : memref<4096xi32, #tpu.memory_space<vmem>>) target(%dma_start3A_243 : memref<4096xi32, #tpu.memory_space<vmem_shared>>) target_semaphore(%arg13 : memref<!tpu.dma_semaphore, #tpu.memory_space<semaphore_mem>>)
    %mul3A_247 = arith.constant 2 : i32
    %mul3A_248 = arith.muli %arg1, %mul3A_247 : i32
    %mul3A_249 = arith.constant 4 : i32
    %mul3A_250 = arith.muli %mul3A_248, %mul3A_249 : i32
    %add3A_251 = arith.constant 0 : i32
    %add3A_252 = arith.addi %mul3A_250, %add3A_251 : i32
    %add3A_253 = arith.constant 3 : i32
    %add3A_254 = arith.addi %add3A_252, %add3A_253 : i32
    %mul3A_255 = arith.constant 4096 : i32
    %mul3A_256 = arith.muli %add3A_254, %mul3A_255 : i32
    %dma_start3A_257 = arith.constant 3 : i32
    %dma_start3A_258 = arith.constant 0 : i32
    %dma_start3A_259 = tpu.memref_slice %arg7[%dma_start3A_257, %dma_start3A_258] : memref<16x4096xi32, #tpu.memory_space<vmem>> -> memref<1x4096xi32, #tpu.memory_space<vmem>>
    %dma_start3A_260 = tpu.memref_squeeze %dma_start3A_259 : memref<1x4096xi32, #tpu.memory_space<vmem>> -> memref<4096xi32, #tpu.memory_space<vmem>>
    %dma_start3A_261 = tpu.memref_slice %arg10[%mul3A_256] : memref<524288xi32, #tpu.memory_space<vmem_shared>> -> memref<4096xi32, #tpu.memory_space<vmem_shared>>
    %dma_start3A_262 = tpu.memref_slice %arg10[%mul3A_256] : memref<524288xi32, #tpu.memory_space<vmem_shared>> -> memref<4096xi32, #tpu.memory_space<vmem_shared>>
    %dma_start3A_263 = arith.constant 0 : i32
    %dma_start3A_264 = tpu.memref_slice %arg7[%dma_start3A_257, %dma_start3A_263] : memref<16x4096xi32, #tpu.memory_space<vmem>> -> memref<1x4096xi32, #tpu.memory_space<vmem>>
    %dma_start3A_265 = tpu.memref_squeeze %dma_start3A_264 : memref<1x4096xi32, #tpu.memory_space<vmem>> -> memref<4096xi32, #tpu.memory_space<vmem>>
    tpu.enqueue_dma source(%dma_start3A_265 : memref<4096xi32, #tpu.memory_space<vmem>>) target(%dma_start3A_262 : memref<4096xi32, #tpu.memory_space<vmem_shared>>) target_semaphore(%arg13 : memref<!tpu.dma_semaphore, #tpu.memory_space<semaphore_mem>>)
    %mul3A_266 = arith.constant 2 : i32
    %mul3A_267 = arith.muli %arg1, %mul3A_266 : i32
    %mul3A_268 = arith.constant 4 : i32
    %mul3A_269 = arith.muli %mul3A_267, %mul3A_268 : i32
    %add3A_270 = arith.constant 4 : i32
    %add3A_271 = arith.addi %mul3A_269, %add3A_270 : i32
    %add3A_272 = arith.constant 0 : i32
    %add3A_273 = arith.addi %add3A_271, %add3A_272 : i32
    %mul3A_274 = arith.constant 4096 : i32
    %mul3A_275 = arith.muli %add3A_273, %mul3A_274 : i32
    %dma_start3A_276 = arith.constant 4 : i32
    %dma_start3A_277 = arith.constant 0 : i32
    %dma_start3A_278 = tpu.memref_slice %arg7[%dma_start3A_276, %dma_start3A_277] : memref<16x4096xi32, #tpu.memory_space<vmem>> -> memref<1x4096xi32, #tpu.memory_space<vmem>>
    %dma_start3A_279 = tpu.memref_squeeze %dma_start3A_278 : memref<1x4096xi32, #tpu.memory_space<vmem>> -> memref<4096xi32, #tpu.memory_space<vmem>>
    %dma_start3A_280 = tpu.memref_slice %arg10[%mul3A_275] : memref<524288xi32, #tpu.memory_space<vmem_shared>> -> memref<4096xi32, #tpu.memory_space<vmem_shared>>
    %dma_start3A_281 = tpu.memref_slice %arg10[%mul3A_275] : memref<524288xi32, #tpu.memory_space<vmem_shared>> -> memref<4096xi32, #tpu.memory_space<vmem_shared>>
    %dma_start3A_282 = arith.constant 0 : i32
    %dma_start3A_283 = tpu.memref_slice %arg7[%dma_start3A_276, %dma_start3A_282] : memref<16x4096xi32, #tpu.memory_space<vmem>> -> memref<1x4096xi32, #tpu.memory_space<vmem>>
    %dma_start3A_284 = tpu.memref_squeeze %dma_start3A_283 : memref<1x4096xi32, #tpu.memory_space<vmem>> -> memref<4096xi32, #tpu.memory_space<vmem>>
    tpu.enqueue_dma source(%dma_start3A_284 : memref<4096xi32, #tpu.memory_space<vmem>>) target(%dma_start3A_281 : memref<4096xi32, #tpu.memory_space<vmem_shared>>) target_semaphore(%arg14 : memref<!tpu.dma_semaphore, #tpu.memory_space<semaphore_mem>>)
    %mul3A_285 = arith.constant 2 : i32
    %mul3A_286 = arith.muli %arg1, %mul3A_285 : i32
    %mul3A_287 = arith.constant 4 : i32
    %mul3A_288 = arith.muli %mul3A_286, %mul3A_287 : i32
    %add3A_289 = arith.constant 4 : i32
    %add3A_290 = arith.addi %mul3A_288, %add3A_289 : i32
    %add3A_291 = arith.constant 1 : i32
    %add3A_292 = arith.addi %add3A_290, %add3A_291 : i32
    %mul3A_293 = arith.constant 4096 : i32
    %mul3A_294 = arith.muli %add3A_292, %mul3A_293 : i32
    %dma_start3A_295 = arith.constant 5 : i32
    %dma_start3A_296 = arith.constant 0 : i32
    %dma_start3A_297 = tpu.memref_slice %arg7[%dma_start3A_295, %dma_start3A_296] : memref<16x4096xi32, #tpu.memory_space<vmem>> -> memref<1x4096xi32, #tpu.memory_space<vmem>>
    %dma_start3A_298 = tpu.memref_squeeze %dma_start3A_297 : memref<1x4096xi32, #tpu.memory_space<vmem>> -> memref<4096xi32, #tpu.memory_space<vmem>>
    %dma_start3A_299 = tpu.memref_slice %arg10[%mul3A_294] : memref<524288xi32, #tpu.memory_space<vmem_shared>> -> memref<4096xi32, #tpu.memory_space<vmem_shared>>
    %dma_start3A_300 = tpu.memref_slice %arg10[%mul3A_294] : memref<524288xi32, #tpu.memory_space<vmem_shared>> -> memref<4096xi32, #tpu.memory_space<vmem_shared>>
    %dma_start3A_301 = arith.constant 0 : i32
    %dma_start3A_302 = tpu.memref_slice %arg7[%dma_start3A_295, %dma_start3A_301] : memref<16x4096xi32, #tpu.memory_space<vmem>> -> memref<1x4096xi32, #tpu.memory_space<vmem>>
    %dma_start3A_303 = tpu.memref_squeeze %dma_start3A_302 : memref<1x4096xi32, #tpu.memory_space<vmem>> -> memref<4096xi32, #tpu.memory_space<vmem>>
    tpu.enqueue_dma source(%dma_start3A_303 : memref<4096xi32, #tpu.memory_space<vmem>>) target(%dma_start3A_300 : memref<4096xi32, #tpu.memory_space<vmem_shared>>) target_semaphore(%arg14 : memref<!tpu.dma_semaphore, #tpu.memory_space<semaphore_mem>>)
    %mul3A_304 = arith.constant 2 : i32
    %mul3A_305 = arith.muli %arg1, %mul3A_304 : i32
    %mul3A_306 = arith.constant 4 : i32
    %mul3A_307 = arith.muli %mul3A_305, %mul3A_306 : i32
    %add3A_308 = arith.constant 4 : i32
    %add3A_309 = arith.addi %mul3A_307, %add3A_308 : i32
    %add3A_310 = arith.constant 2 : i32
    %add3A_311 = arith.addi %add3A_309, %add3A_310 : i32
    %mul3A_312 = arith.constant 4096 : i32
    %mul3A_313 = arith.muli %add3A_311, %mul3A_312 : i32
    %dma_start3A_314 = arith.constant 6 : i32
    %dma_start3A_315 = arith.constant 0 : i32
    %dma_start3A_316 = tpu.memref_slice %arg7[%dma_start3A_314, %dma_start3A_315] : memref<16x4096xi32, #tpu.memory_space<vmem>> -> memref<1x4096xi32, #tpu.memory_space<vmem>>
    %dma_start3A_317 = tpu.memref_squeeze %dma_start3A_316 : memref<1x4096xi32, #tpu.memory_space<vmem>> -> memref<4096xi32, #tpu.memory_space<vmem>>
    %dma_start3A_318 = tpu.memref_slice %arg10[%mul3A_313] : memref<524288xi32, #tpu.memory_space<vmem_shared>> -> memref<4096xi32, #tpu.memory_space<vmem_shared>>
    %dma_start3A_319 = tpu.memref_slice %arg10[%mul3A_313] : memref<524288xi32, #tpu.memory_space<vmem_shared>> -> memref<4096xi32, #tpu.memory_space<vmem_shared>>
    %dma_start3A_320 = arith.constant 0 : i32
    %dma_start3A_321 = tpu.memref_slice %arg7[%dma_start3A_314, %dma_start3A_320] : memref<16x4096xi32, #tpu.memory_space<vmem>> -> memref<1x4096xi32, #tpu.memory_space<vmem>>
    %dma_start3A_322 = tpu.memref_squeeze %dma_start3A_321 : memref<1x4096xi32, #tpu.memory_space<vmem>> -> memref<4096xi32, #tpu.memory_space<vmem>>
    tpu.enqueue_dma source(%dma_start3A_322 : memref<4096xi32, #tpu.memory_space<vmem>>) target(%dma_start3A_319 : memref<4096xi32, #tpu.memory_space<vmem_shared>>) target_semaphore(%arg14 : memref<!tpu.dma_semaphore, #tpu.memory_space<semaphore_mem>>)
    %mul3A_323 = arith.constant 2 : i32
    %mul3A_324 = arith.muli %arg1, %mul3A_323 : i32
    %mul3A_325 = arith.constant 4 : i32
    %mul3A_326 = arith.muli %mul3A_324, %mul3A_325 : i32
    %add3A_327 = arith.constant 4 : i32
    %add3A_328 = arith.addi %mul3A_326, %add3A_327 : i32
    %add3A_329 = arith.constant 3 : i32
    %add3A_330 = arith.addi %add3A_328, %add3A_329 : i32
    %mul3A_331 = arith.constant 4096 : i32
    %mul3A_332 = arith.muli %add3A_330, %mul3A_331 : i32
    %dma_start3A_333 = arith.constant 7 : i32
    %dma_start3A_334 = arith.constant 0 : i32
    %dma_start3A_335 = tpu.memref_slice %arg7[%dma_start3A_333, %dma_start3A_334] : memref<16x4096xi32, #tpu.memory_space<vmem>> -> memref<1x4096xi32, #tpu.memory_space<vmem>>
    %dma_start3A_336 = tpu.memref_squeeze %dma_start3A_335 : memref<1x4096xi32, #tpu.memory_space<vmem>> -> memref<4096xi32, #tpu.memory_space<vmem>>
    %dma_start3A_337 = tpu.memref_slice %arg10[%mul3A_332] : memref<524288xi32, #tpu.memory_space<vmem_shared>> -> memref<4096xi32, #tpu.memory_space<vmem_shared>>
    %dma_start3A_338 = tpu.memref_slice %arg10[%mul3A_332] : memref<524288xi32, #tpu.memory_space<vmem_shared>> -> memref<4096xi32, #tpu.memory_space<vmem_shared>>
    %dma_start3A_339 = arith.constant 0 : i32
    %dma_start3A_340 = tpu.memref_slice %arg7[%dma_start3A_333, %dma_start3A_339] : memref<16x4096xi32, #tpu.memory_space<vmem>> -> memref<1x4096xi32, #tpu.memory_space<vmem>>
    %dma_start3A_341 = tpu.memref_squeeze %dma_start3A_340 : memref<1x4096xi32, #tpu.memory_space<vmem>> -> memref<4096xi32, #tpu.memory_space<vmem>>
    tpu.enqueue_dma source(%dma_start3A_341 : memref<4096xi32, #tpu.memory_space<vmem>>) target(%dma_start3A_338 : memref<4096xi32, #tpu.memory_space<vmem_shared>>) target_semaphore(%arg14 : memref<!tpu.dma_semaphore, #tpu.memory_space<semaphore_mem>>)
    %dma_wait3A_342 = arith.constant 0 : i32
    %dma_wait3A_343 = arith.constant 0 : i32
    %dma_wait3A_344 = tpu.memref_slice %arg7[%dma_wait3A_342, %dma_wait3A_343] : memref<16x4096xi32, #tpu.memory_space<vmem>> -> memref<1x4096xi32, #tpu.memory_space<vmem>>
    %dma_wait3A_345 = tpu.memref_squeeze %dma_wait3A_344 : memref<1x4096xi32, #tpu.memory_space<vmem>> -> memref<4096xi32, #tpu.memory_space<vmem>>
    %dma_wait3A_346 = tpu.memref_slice %arg10[%mul3A_199] : memref<524288xi32, #tpu.memory_space<vmem_shared>> -> memref<4096xi32, #tpu.memory_space<vmem_shared>>
    %dma_wait3A_347 = tpu.memref_slice %arg10[%mul3A_199] : memref<524288xi32, #tpu.memory_space<vmem_shared>> -> memref<4096xi32, #tpu.memory_space<vmem_shared>>
    %dma_wait3A_348 = arith.constant 0 : i32
    %dma_wait3A_349 = tpu.memref_slice %arg7[%dma_wait3A_342, %dma_wait3A_348] : memref<16x4096xi32, #tpu.memory_space<vmem>> -> memref<1x4096xi32, #tpu.memory_space<vmem>>
    %dma_wait3A_350 = tpu.memref_squeeze %dma_wait3A_349 : memref<1x4096xi32, #tpu.memory_space<vmem>> -> memref<4096xi32, #tpu.memory_space<vmem>>
    tpu.wait_dma2 semaphore(%arg13 : memref<!tpu.dma_semaphore, #tpu.memory_space<semaphore_mem>>) src(%dma_wait3A_350 : memref<4096xi32, #tpu.memory_space<vmem>>) dst(%dma_wait3A_347 : memref<4096xi32, #tpu.memory_space<vmem_shared>>)
    %dma_wait3A_351 = arith.constant 1 : i32
    %dma_wait3A_352 = arith.constant 0 : i32
    %dma_wait3A_353 = tpu.memref_slice %arg7[%dma_wait3A_351, %dma_wait3A_352] : memref<16x4096xi32, #tpu.memory_space<vmem>> -> memref<1x4096xi32, #tpu.memory_space<vmem>>
    %dma_wait3A_354 = tpu.memref_squeeze %dma_wait3A_353 : memref<1x4096xi32, #tpu.memory_space<vmem>> -> memref<4096xi32, #tpu.memory_space<vmem>>
    %dma_wait3A_355 = tpu.memref_slice %arg10[%mul3A_218] : memref<524288xi32, #tpu.memory_space<vmem_shared>> -> memref<4096xi32, #tpu.memory_space<vmem_shared>>
    %dma_wait3A_356 = tpu.memref_slice %arg10[%mul3A_218] : memref<524288xi32, #tpu.memory_space<vmem_shared>> -> memref<4096xi32, #tpu.memory_space<vmem_shared>>
    %dma_wait3A_357 = arith.constant 0 : i32
    %dma_wait3A_358 = tpu.memref_slice %arg7[%dma_wait3A_351, %dma_wait3A_357] : memref<16x4096xi32, #tpu.memory_space<vmem>> -> memref<1x4096xi32, #tpu.memory_space<vmem>>
    %dma_wait3A_359 = tpu.memref_squeeze %dma_wait3A_358 : memref<1x4096xi32, #tpu.memory_space<vmem>> -> memref<4096xi32, #tpu.memory_space<vmem>>
    tpu.wait_dma2 semaphore(%arg13 : memref<!tpu.dma_semaphore, #tpu.memory_space<semaphore_mem>>) src(%dma_wait3A_359 : memref<4096xi32, #tpu.memory_space<vmem>>) dst(%dma_wait3A_356 : memref<4096xi32, #tpu.memory_space<vmem_shared>>)
    %dma_wait3A_360 = arith.constant 2 : i32
    %dma_wait3A_361 = arith.constant 0 : i32
    %dma_wait3A_362 = tpu.memref_slice %arg7[%dma_wait3A_360, %dma_wait3A_361] : memref<16x4096xi32, #tpu.memory_space<vmem>> -> memref<1x4096xi32, #tpu.memory_space<vmem>>
    %dma_wait3A_363 = tpu.memref_squeeze %dma_wait3A_362 : memref<1x4096xi32, #tpu.memory_space<vmem>> -> memref<4096xi32, #tpu.memory_space<vmem>>
    %dma_wait3A_364 = tpu.memref_slice %arg10[%mul3A_237] : memref<524288xi32, #tpu.memory_space<vmem_shared>> -> memref<4096xi32, #tpu.memory_space<vmem_shared>>
    %dma_wait3A_365 = tpu.memref_slice %arg10[%mul3A_237] : memref<524288xi32, #tpu.memory_space<vmem_shared>> -> memref<4096xi32, #tpu.memory_space<vmem_shared>>
    %dma_wait3A_366 = arith.constant 0 : i32
    %dma_wait3A_367 = tpu.memref_slice %arg7[%dma_wait3A_360, %dma_wait3A_366] : memref<16x4096xi32, #tpu.memory_space<vmem>> -> memref<1x4096xi32, #tpu.memory_space<vmem>>
    %dma_wait3A_368 = tpu.memref_squeeze %dma_wait3A_367 : memref<1x4096xi32, #tpu.memory_space<vmem>> -> memref<4096xi32, #tpu.memory_space<vmem>>
    tpu.wait_dma2 semaphore(%arg13 : memref<!tpu.dma_semaphore, #tpu.memory_space<semaphore_mem>>) src(%dma_wait3A_368 : memref<4096xi32, #tpu.memory_space<vmem>>) dst(%dma_wait3A_365 : memref<4096xi32, #tpu.memory_space<vmem_shared>>)
    %dma_wait3A_369 = arith.constant 3 : i32
    %dma_wait3A_370 = arith.constant 0 : i32
    %dma_wait3A_371 = tpu.memref_slice %arg7[%dma_wait3A_369, %dma_wait3A_370] : memref<16x4096xi32, #tpu.memory_space<vmem>> -> memref<1x4096xi32, #tpu.memory_space<vmem>>
    %dma_wait3A_372 = tpu.memref_squeeze %dma_wait3A_371 : memref<1x4096xi32, #tpu.memory_space<vmem>> -> memref<4096xi32, #tpu.memory_space<vmem>>
    %dma_wait3A_373 = tpu.memref_slice %arg10[%mul3A_256] : memref<524288xi32, #tpu.memory_space<vmem_shared>> -> memref<4096xi32, #tpu.memory_space<vmem_shared>>
    %dma_wait3A_374 = tpu.memref_slice %arg10[%mul3A_256] : memref<524288xi32, #tpu.memory_space<vmem_shared>> -> memref<4096xi32, #tpu.memory_space<vmem_shared>>
    %dma_wait3A_375 = arith.constant 0 : i32
    %dma_wait3A_376 = tpu.memref_slice %arg7[%dma_wait3A_369, %dma_wait3A_375] : memref<16x4096xi32, #tpu.memory_space<vmem>> -> memref<1x4096xi32, #tpu.memory_space<vmem>>
    %dma_wait3A_377 = tpu.memref_squeeze %dma_wait3A_376 : memref<1x4096xi32, #tpu.memory_space<vmem>> -> memref<4096xi32, #tpu.memory_space<vmem>>
    tpu.wait_dma2 semaphore(%arg13 : memref<!tpu.dma_semaphore, #tpu.memory_space<semaphore_mem>>) src(%dma_wait3A_377 : memref<4096xi32, #tpu.memory_space<vmem>>) dst(%dma_wait3A_374 : memref<4096xi32, #tpu.memory_space<vmem_shared>>)
    %dma_start3A_378 = arith.constant 0 : i32
    %dma_start3A_379 = tpu.memref_slice %arg9[%dma_start3A_378] : memref<8192xi32, #tpu.memory_space<vmem>> -> memref<2048xi32, #tpu.memory_space<vmem>>
    %dma_start3A_380 = arith.constant 0 : i32
    %dma_start3A_381 = tpu.memref_slice %arg8[%dma_start3A_380] : memref<8192xi32, #tpu.memory_space<vmem>> -> memref<2048xi32, #tpu.memory_space<vmem>>
    %dma_start3A_382 = arith.constant 0 : i32
    %dma_start3A_383 = tpu.memref_slice %arg10[%dma_start3A_382] : memref<524288xi32, #tpu.memory_space<vmem_shared>> -> memref<524288xi32, #tpu.memory_space<vmem_shared>>
    tpu.enqueue_indirect_dma source(%dma_start3A_383 : memref<524288xi32, #tpu.memory_space<vmem_shared>>) target(%dma_start3A_379 : memref<2048xi32, #tpu.memory_space<vmem>>) offsets(%dma_start3A_381 : memref<2048xi32, #tpu.memory_space<vmem>>) semaphore(%arg15 : memref<!tpu.dma_semaphore, #tpu.memory_space<semaphore_mem>>)
    %dma_wait3A_384 = arith.constant 8 : i32
    %dma_wait3A_385 = arith.constant 0 : i32
    %dma_wait3A_386 = tpu.memref_slice %arg7[%dma_wait3A_384, %dma_wait3A_385] : memref<16x4096xi32, #tpu.memory_space<vmem>> -> memref<8x4096xi32, #tpu.memory_space<vmem>>
    %dma_wait3A_387 = arith.constant 8 : i32
    %dma_wait3A_388 = tpu.memref_slice %arg5[%dma_wait3A_387] : memref<16xi32, #tpu.memory_space<vmem>> -> memref<8xi32, #tpu.memory_space<vmem>>
    %dma_wait3A_389 = arith.constant 0 : i32
    %dma_wait3A_390 = arith.constant 0 : i32
    %dma_wait3A_391 = tpu.memref_slice %arg2[%dma_wait3A_389, %dma_wait3A_390] : memref<4096x4096xi32, #tpu.memory_space<hbm>> -> memref<4096x4096xi32, #tpu.memory_space<hbm>>
    tpu.wait_indirect_dma semaphore(%arg12 : memref<!tpu.dma_semaphore, #tpu.memory_space<semaphore_mem>>) src(%dma_wait3A_391 : memref<4096x4096xi32, #tpu.memory_space<hbm>>) dst(%dma_wait3A_386 : memref<8x4096xi32, #tpu.memory_space<vmem>>)
    %dma_wait3A_392 = arith.constant 0 : i32
    %dma_wait3A_393 = tpu.memref_slice %arg9[%dma_wait3A_392] : memref<8192xi32, #tpu.memory_space<vmem>> -> memref<2048xi32, #tpu.memory_space<vmem>>
    %dma_wait3A_394 = arith.constant 0 : i32
    %dma_wait3A_395 = tpu.memref_slice %arg8[%dma_wait3A_394] : memref<8192xi32, #tpu.memory_space<vmem>> -> memref<2048xi32, #tpu.memory_space<vmem>>
    %dma_wait3A_396 = arith.constant 0 : i32
    %dma_wait3A_397 = tpu.memref_slice %arg10[%dma_wait3A_396] : memref<524288xi32, #tpu.memory_space<vmem_shared>> -> memref<524288xi32, #tpu.memory_space<vmem_shared>>
    tpu.wait_indirect_dma semaphore(%arg15 : memref<!tpu.dma_semaphore, #tpu.memory_space<semaphore_mem>>) src(%dma_wait3A_397 : memref<524288xi32, #tpu.memory_space<vmem_shared>>) dst(%dma_wait3A_393 : memref<2048xi32, #tpu.memory_space<vmem>>)
    %mul3A_398 = arith.constant 512 : i32
    %mul3A_399 = arith.muli %mul3A_2, %mul3A_398 : i32
    %add3A_400 = arith.constant 0 : i32
    %add3A_401 = arith.addi %mul3A_399, %add3A_400 : i32
    %dma_start3A_402 = arith.constant 0 : i32
    %dma_start3A_403 = tpu.memref_slice %arg9[%dma_start3A_402] : memref<8192xi32, #tpu.memory_space<vmem>> -> memref<2048xi32, #tpu.memory_space<vmem>>
    %dma_start3A_404 = tpu.memref_slice %arg4[%add3A_401] : memref<262144xi32, #tpu.memory_space<hbm>> -> memref<2048xi32, #tpu.memory_space<hbm>>
    %dma_start3A_405 = tpu.memref_slice %arg4[%add3A_401] : memref<262144xi32, #tpu.memory_space<hbm>> -> memref<2048xi32, #tpu.memory_space<hbm>>
    %dma_start3A_406 = arith.constant 0 : i32
    %dma_start3A_407 = tpu.memref_slice %arg9[%dma_start3A_406] : memref<8192xi32, #tpu.memory_space<vmem>> -> memref<2048xi32, #tpu.memory_space<vmem>>
    tpu.enqueue_dma source(%dma_start3A_407 : memref<2048xi32, #tpu.memory_space<vmem>>) target(%dma_start3A_405 : memref<2048xi32, #tpu.memory_space<hbm>>) target_semaphore(%arg16 : memref<!tpu.dma_semaphore, #tpu.memory_space<semaphore_mem>>)
    %mul3A_408 = arith.constant 2 : i32
    %mul3A_409 = arith.muli %arg1, %mul3A_408 : i32
    %mul3A_410 = arith.constant 4 : i32
    %mul3A_411 = arith.muli %mul3A_409, %mul3A_410 : i32
    %add3A_412 = arith.constant 0 : i32
    %add3A_413 = arith.addi %mul3A_411, %add3A_412 : i32
    %add3A_414 = arith.constant 0 : i32
    %add3A_415 = arith.addi %add3A_413, %add3A_414 : i32
    %mul3A_416 = arith.constant 4096 : i32
    %mul3A_417 = arith.muli %add3A_415, %mul3A_416 : i32
    %dma_start3A_418 = arith.constant 8 : i32
    %dma_start3A_419 = arith.constant 0 : i32
    %dma_start3A_420 = tpu.memref_slice %arg7[%dma_start3A_418, %dma_start3A_419] : memref<16x4096xi32, #tpu.memory_space<vmem>> -> memref<1x4096xi32, #tpu.memory_space<vmem>>
    %dma_start3A_421 = tpu.memref_squeeze %dma_start3A_420 : memref<1x4096xi32, #tpu.memory_space<vmem>> -> memref<4096xi32, #tpu.memory_space<vmem>>
    %dma_start3A_422 = tpu.memref_slice %arg10[%mul3A_417] : memref<524288xi32, #tpu.memory_space<vmem_shared>> -> memref<4096xi32, #tpu.memory_space<vmem_shared>>
    %dma_start3A_423 = tpu.memref_slice %arg10[%mul3A_417] : memref<524288xi32, #tpu.memory_space<vmem_shared>> -> memref<4096xi32, #tpu.memory_space<vmem_shared>>
    %dma_start3A_424 = arith.constant 0 : i32
    %dma_start3A_425 = tpu.memref_slice %arg7[%dma_start3A_418, %dma_start3A_424] : memref<16x4096xi32, #tpu.memory_space<vmem>> -> memref<1x4096xi32, #tpu.memory_space<vmem>>
    %dma_start3A_426 = tpu.memref_squeeze %dma_start3A_425 : memref<1x4096xi32, #tpu.memory_space<vmem>> -> memref<4096xi32, #tpu.memory_space<vmem>>
    tpu.enqueue_dma source(%dma_start3A_426 : memref<4096xi32, #tpu.memory_space<vmem>>) target(%dma_start3A_423 : memref<4096xi32, #tpu.memory_space<vmem_shared>>) target_semaphore(%arg13 : memref<!tpu.dma_semaphore, #tpu.memory_space<semaphore_mem>>)
    %mul3A_427 = arith.constant 2 : i32
    %mul3A_428 = arith.muli %arg1, %mul3A_427 : i32
    %mul3A_429 = arith.constant 4 : i32
    %mul3A_430 = arith.muli %mul3A_428, %mul3A_429 : i32
    %add3A_431 = arith.constant 0 : i32
    %add3A_432 = arith.addi %mul3A_430, %add3A_431 : i32
    %add3A_433 = arith.constant 1 : i32
    %add3A_434 = arith.addi %add3A_432, %add3A_433 : i32
    %mul3A_435 = arith.constant 4096 : i32
    %mul3A_436 = arith.muli %add3A_434, %mul3A_435 : i32
    %dma_start3A_437 = arith.constant 9 : i32
    %dma_start3A_438 = arith.constant 0 : i32
    %dma_start3A_439 = tpu.memref_slice %arg7[%dma_start3A_437, %dma_start3A_438] : memref<16x4096xi32, #tpu.memory_space<vmem>> -> memref<1x4096xi32, #tpu.memory_space<vmem>>
    %dma_start3A_440 = tpu.memref_squeeze %dma_start3A_439 : memref<1x4096xi32, #tpu.memory_space<vmem>> -> memref<4096xi32, #tpu.memory_space<vmem>>
    %dma_start3A_441 = tpu.memref_slice %arg10[%mul3A_436] : memref<524288xi32, #tpu.memory_space<vmem_shared>> -> memref<4096xi32, #tpu.memory_space<vmem_shared>>
    %dma_start3A_442 = tpu.memref_slice %arg10[%mul3A_436] : memref<524288xi32, #tpu.memory_space<vmem_shared>> -> memref<4096xi32, #tpu.memory_space<vmem_shared>>
    %dma_start3A_443 = arith.constant 0 : i32
    %dma_start3A_444 = tpu.memref_slice %arg7[%dma_start3A_437, %dma_start3A_443] : memref<16x4096xi32, #tpu.memory_space<vmem>> -> memref<1x4096xi32, #tpu.memory_space<vmem>>
    %dma_start3A_445 = tpu.memref_squeeze %dma_start3A_444 : memref<1x4096xi32, #tpu.memory_space<vmem>> -> memref<4096xi32, #tpu.memory_space<vmem>>
    tpu.enqueue_dma source(%dma_start3A_445 : memref<4096xi32, #tpu.memory_space<vmem>>) target(%dma_start3A_442 : memref<4096xi32, #tpu.memory_space<vmem_shared>>) target_semaphore(%arg13 : memref<!tpu.dma_semaphore, #tpu.memory_space<semaphore_mem>>)
    %mul3A_446 = arith.constant 2 : i32
    %mul3A_447 = arith.muli %arg1, %mul3A_446 : i32
    %mul3A_448 = arith.constant 4 : i32
    %mul3A_449 = arith.muli %mul3A_447, %mul3A_448 : i32
    %add3A_450 = arith.constant 0 : i32
    %add3A_451 = arith.addi %mul3A_449, %add3A_450 : i32
    %add3A_452 = arith.constant 2 : i32
    %add3A_453 = arith.addi %add3A_451, %add3A_452 : i32
    %mul3A_454 = arith.constant 4096 : i32
    %mul3A_455 = arith.muli %add3A_453, %mul3A_454 : i32
    %dma_start3A_456 = arith.constant 10 : i32
    %dma_start3A_457 = arith.constant 0 : i32
    %dma_start3A_458 = tpu.memref_slice %arg7[%dma_start3A_456, %dma_start3A_457] : memref<16x4096xi32, #tpu.memory_space<vmem>> -> memref<1x4096xi32, #tpu.memory_space<vmem>>
    %dma_start3A_459 = tpu.memref_squeeze %dma_start3A_458 : memref<1x4096xi32, #tpu.memory_space<vmem>> -> memref<4096xi32, #tpu.memory_space<vmem>>
    %dma_start3A_460 = tpu.memref_slice %arg10[%mul3A_455] : memref<524288xi32, #tpu.memory_space<vmem_shared>> -> memref<4096xi32, #tpu.memory_space<vmem_shared>>
    %dma_start3A_461 = tpu.memref_slice %arg10[%mul3A_455] : memref<524288xi32, #tpu.memory_space<vmem_shared>> -> memref<4096xi32, #tpu.memory_space<vmem_shared>>
    %dma_start3A_462 = arith.constant 0 : i32
    %dma_start3A_463 = tpu.memref_slice %arg7[%dma_start3A_456, %dma_start3A_462] : memref<16x4096xi32, #tpu.memory_space<vmem>> -> memref<1x4096xi32, #tpu.memory_space<vmem>>
    %dma_start3A_464 = tpu.memref_squeeze %dma_start3A_463 : memref<1x4096xi32, #tpu.memory_space<vmem>> -> memref<4096xi32, #tpu.memory_space<vmem>>
    tpu.enqueue_dma source(%dma_start3A_464 : memref<4096xi32, #tpu.memory_space<vmem>>) target(%dma_start3A_461 : memref<4096xi32, #tpu.memory_space<vmem_shared>>) target_semaphore(%arg13 : memref<!tpu.dma_semaphore, #tpu.memory_space<semaphore_mem>>)
    %mul3A_465 = arith.constant 2 : i32
    %mul3A_466 = arith.muli %arg1, %mul3A_465 : i32
    %mul3A_467 = arith.constant 4 : i32
    %mul3A_468 = arith.muli %mul3A_466, %mul3A_467 : i32
    %add3A_469 = arith.constant 0 : i32
    %add3A_470 = arith.addi %mul3A_468, %add3A_469 : i32
    %add3A_471 = arith.constant 3 : i32
    %add3A_472 = arith.addi %add3A_470, %add3A_471 : i32
    %mul3A_473 = arith.constant 4096 : i32
    %mul3A_474 = arith.muli %add3A_472, %mul3A_473 : i32
    %dma_start3A_475 = arith.constant 11 : i32
    %dma_start3A_476 = arith.constant 0 : i32
    %dma_start3A_477 = tpu.memref_slice %arg7[%dma_start3A_475, %dma_start3A_476] : memref<16x4096xi32, #tpu.memory_space<vmem>> -> memref<1x4096xi32, #tpu.memory_space<vmem>>
    %dma_start3A_478 = tpu.memref_squeeze %dma_start3A_477 : memref<1x4096xi32, #tpu.memory_space<vmem>> -> memref<4096xi32, #tpu.memory_space<vmem>>
    %dma_start3A_479 = tpu.memref_slice %arg10[%mul3A_474] : memref<524288xi32, #tpu.memory_space<vmem_shared>> -> memref<4096xi32, #tpu.memory_space<vmem_shared>>
    %dma_start3A_480 = tpu.memref_slice %arg10[%mul3A_474] : memref<524288xi32, #tpu.memory_space<vmem_shared>> -> memref<4096xi32, #tpu.memory_space<vmem_shared>>
    %dma_start3A_481 = arith.constant 0 : i32
    %dma_start3A_482 = tpu.memref_slice %arg7[%dma_start3A_475, %dma_start3A_481] : memref<16x4096xi32, #tpu.memory_space<vmem>> -> memref<1x4096xi32, #tpu.memory_space<vmem>>
    %dma_start3A_483 = tpu.memref_squeeze %dma_start3A_482 : memref<1x4096xi32, #tpu.memory_space<vmem>> -> memref<4096xi32, #tpu.memory_space<vmem>>
    tpu.enqueue_dma source(%dma_start3A_483 : memref<4096xi32, #tpu.memory_space<vmem>>) target(%dma_start3A_480 : memref<4096xi32, #tpu.memory_space<vmem_shared>>) target_semaphore(%arg13 : memref<!tpu.dma_semaphore, #tpu.memory_space<semaphore_mem>>)
    %dma_wait3A_484 = arith.constant 4 : i32
    %dma_wait3A_485 = arith.constant 0 : i32
    %dma_wait3A_486 = tpu.memref_slice %arg7[%dma_wait3A_484, %dma_wait3A_485] : memref<16x4096xi32, #tpu.memory_space<vmem>> -> memref<1x4096xi32, #tpu.memory_space<vmem>>
    %dma_wait3A_487 = tpu.memref_squeeze %dma_wait3A_486 : memref<1x4096xi32, #tpu.memory_space<vmem>> -> memref<4096xi32, #tpu.memory_space<vmem>>
    %dma_wait3A_488 = tpu.memref_slice %arg10[%mul3A_275] : memref<524288xi32, #tpu.memory_space<vmem_shared>> -> memref<4096xi32, #tpu.memory_space<vmem_shared>>
    %dma_wait3A_489 = tpu.memref_slice %arg10[%mul3A_275] : memref<524288xi32, #tpu.memory_space<vmem_shared>> -> memref<4096xi32, #tpu.memory_space<vmem_shared>>
    %dma_wait3A_490 = arith.constant 0 : i32
    %dma_wait3A_491 = tpu.memref_slice %arg7[%dma_wait3A_484, %dma_wait3A_490] : memref<16x4096xi32, #tpu.memory_space<vmem>> -> memref<1x4096xi32, #tpu.memory_space<vmem>>
    %dma_wait3A_492 = tpu.memref_squeeze %dma_wait3A_491 : memref<1x4096xi32, #tpu.memory_space<vmem>> -> memref<4096xi32, #tpu.memory_space<vmem>>
    tpu.wait_dma2 semaphore(%arg14 : memref<!tpu.dma_semaphore, #tpu.memory_space<semaphore_mem>>) src(%dma_wait3A_492 : memref<4096xi32, #tpu.memory_space<vmem>>) dst(%dma_wait3A_489 : memref<4096xi32, #tpu.memory_space<vmem_shared>>)
    %dma_wait3A_493 = arith.constant 5 : i32
    %dma_wait3A_494 = arith.constant 0 : i32
    %dma_wait3A_495 = tpu.memref_slice %arg7[%dma_wait3A_493, %dma_wait3A_494] : memref<16x4096xi32, #tpu.memory_space<vmem>> -> memref<1x4096xi32, #tpu.memory_space<vmem>>
    %dma_wait3A_496 = tpu.memref_squeeze %dma_wait3A_495 : memref<1x4096xi32, #tpu.memory_space<vmem>> -> memref<4096xi32, #tpu.memory_space<vmem>>
    %dma_wait3A_497 = tpu.memref_slice %arg10[%mul3A_294] : memref<524288xi32, #tpu.memory_space<vmem_shared>> -> memref<4096xi32, #tpu.memory_space<vmem_shared>>
    %dma_wait3A_498 = tpu.memref_slice %arg10[%mul3A_294] : memref<524288xi32, #tpu.memory_space<vmem_shared>> -> memref<4096xi32, #tpu.memory_space<vmem_shared>>
    %dma_wait3A_499 = arith.constant 0 : i32
    %dma_wait3A_500 = tpu.memref_slice %arg7[%dma_wait3A_493, %dma_wait3A_499] : memref<16x4096xi32, #tpu.memory_space<vmem>> -> memref<1x4096xi32, #tpu.memory_space<vmem>>
    %dma_wait3A_501 = tpu.memref_squeeze %dma_wait3A_500 : memref<1x4096xi32, #tpu.memory_space<vmem>> -> memref<4096xi32, #tpu.memory_space<vmem>>
    tpu.wait_dma2 semaphore(%arg14 : memref<!tpu.dma_semaphore, #tpu.memory_space<semaphore_mem>>) src(%dma_wait3A_501 : memref<4096xi32, #tpu.memory_space<vmem>>) dst(%dma_wait3A_498 : memref<4096xi32, #tpu.memory_space<vmem_shared>>)
    %dma_wait3A_502 = arith.constant 6 : i32
    %dma_wait3A_503 = arith.constant 0 : i32
    %dma_wait3A_504 = tpu.memref_slice %arg7[%dma_wait3A_502, %dma_wait3A_503] : memref<16x4096xi32, #tpu.memory_space<vmem>> -> memref<1x4096xi32, #tpu.memory_space<vmem>>
    %dma_wait3A_505 = tpu.memref_squeeze %dma_wait3A_504 : memref<1x4096xi32, #tpu.memory_space<vmem>> -> memref<4096xi32, #tpu.memory_space<vmem>>
    %dma_wait3A_506 = tpu.memref_slice %arg10[%mul3A_313] : memref<524288xi32, #tpu.memory_space<vmem_shared>> -> memref<4096xi32, #tpu.memory_space<vmem_shared>>
    %dma_wait3A_507 = tpu.memref_slice %arg10[%mul3A_313] : memref<524288xi32, #tpu.memory_space<vmem_shared>> -> memref<4096xi32, #tpu.memory_space<vmem_shared>>
    %dma_wait3A_508 = arith.constant 0 : i32
    %dma_wait3A_509 = tpu.memref_slice %arg7[%dma_wait3A_502, %dma_wait3A_508] : memref<16x4096xi32, #tpu.memory_space<vmem>> -> memref<1x4096xi32, #tpu.memory_space<vmem>>
    %dma_wait3A_510 = tpu.memref_squeeze %dma_wait3A_509 : memref<1x4096xi32, #tpu.memory_space<vmem>> -> memref<4096xi32, #tpu.memory_space<vmem>>
    tpu.wait_dma2 semaphore(%arg14 : memref<!tpu.dma_semaphore, #tpu.memory_space<semaphore_mem>>) src(%dma_wait3A_510 : memref<4096xi32, #tpu.memory_space<vmem>>) dst(%dma_wait3A_507 : memref<4096xi32, #tpu.memory_space<vmem_shared>>)
    %dma_wait3A_511 = arith.constant 7 : i32
    %dma_wait3A_512 = arith.constant 0 : i32
    %dma_wait3A_513 = tpu.memref_slice %arg7[%dma_wait3A_511, %dma_wait3A_512] : memref<16x4096xi32, #tpu.memory_space<vmem>> -> memref<1x4096xi32, #tpu.memory_space<vmem>>
    %dma_wait3A_514 = tpu.memref_squeeze %dma_wait3A_513 : memref<1x4096xi32, #tpu.memory_space<vmem>> -> memref<4096xi32, #tpu.memory_space<vmem>>
    %dma_wait3A_515 = tpu.memref_slice %arg10[%mul3A_332] : memref<524288xi32, #tpu.memory_space<vmem_shared>> -> memref<4096xi32, #tpu.memory_space<vmem_shared>>
    %dma_wait3A_516 = tpu.memref_slice %arg10[%mul3A_332] : memref<524288xi32, #tpu.memory_space<vmem_shared>> -> memref<4096xi32, #tpu.memory_space<vmem_shared>>
    %dma_wait3A_517 = arith.constant 0 : i32
    %dma_wait3A_518 = tpu.memref_slice %arg7[%dma_wait3A_511, %dma_wait3A_517] : memref<16x4096xi32, #tpu.memory_space<vmem>> -> memref<1x4096xi32, #tpu.memory_space<vmem>>
    %dma_wait3A_519 = tpu.memref_squeeze %dma_wait3A_518 : memref<1x4096xi32, #tpu.memory_space<vmem>> -> memref<4096xi32, #tpu.memory_space<vmem>>
    tpu.wait_dma2 semaphore(%arg14 : memref<!tpu.dma_semaphore, #tpu.memory_space<semaphore_mem>>) src(%dma_wait3A_519 : memref<4096xi32, #tpu.memory_space<vmem>>) dst(%dma_wait3A_516 : memref<4096xi32, #tpu.memory_space<vmem_shared>>)
    %dma_start3A_520 = arith.constant 2048 : i32
    %dma_start3A_521 = tpu.memref_slice %arg9[%dma_start3A_520] : memref<8192xi32, #tpu.memory_space<vmem>> -> memref<2048xi32, #tpu.memory_space<vmem>>
    %dma_start3A_522 = arith.constant 2048 : i32
    %dma_start3A_523 = tpu.memref_slice %arg8[%dma_start3A_522] : memref<8192xi32, #tpu.memory_space<vmem>> -> memref<2048xi32, #tpu.memory_space<vmem>>
    %dma_start3A_524 = arith.constant 0 : i32
    %dma_start3A_525 = tpu.memref_slice %arg10[%dma_start3A_524] : memref<524288xi32, #tpu.memory_space<vmem_shared>> -> memref<524288xi32, #tpu.memory_space<vmem_shared>>
    tpu.enqueue_indirect_dma source(%dma_start3A_525 : memref<524288xi32, #tpu.memory_space<vmem_shared>>) target(%dma_start3A_521 : memref<2048xi32, #tpu.memory_space<vmem>>) offsets(%dma_start3A_523 : memref<2048xi32, #tpu.memory_space<vmem>>) semaphore(%arg15 : memref<!tpu.dma_semaphore, #tpu.memory_space<semaphore_mem>>)
    %dma_wait3A_526 = arith.constant 2048 : i32
    %dma_wait3A_527 = tpu.memref_slice %arg9[%dma_wait3A_526] : memref<8192xi32, #tpu.memory_space<vmem>> -> memref<2048xi32, #tpu.memory_space<vmem>>
    %dma_wait3A_528 = arith.constant 2048 : i32
    %dma_wait3A_529 = tpu.memref_slice %arg8[%dma_wait3A_528] : memref<8192xi32, #tpu.memory_space<vmem>> -> memref<2048xi32, #tpu.memory_space<vmem>>
    %dma_wait3A_530 = arith.constant 0 : i32
    %dma_wait3A_531 = tpu.memref_slice %arg10[%dma_wait3A_530] : memref<524288xi32, #tpu.memory_space<vmem_shared>> -> memref<524288xi32, #tpu.memory_space<vmem_shared>>
    tpu.wait_indirect_dma semaphore(%arg15 : memref<!tpu.dma_semaphore, #tpu.memory_space<semaphore_mem>>) src(%dma_wait3A_531 : memref<524288xi32, #tpu.memory_space<vmem_shared>>) dst(%dma_wait3A_527 : memref<2048xi32, #tpu.memory_space<vmem>>)
    %mul3A_532 = arith.constant 512 : i32
    %mul3A_533 = arith.muli %mul3A_2, %mul3A_532 : i32
    %add3A_534 = arith.constant 2048 : i32
    %add3A_535 = arith.addi %mul3A_533, %add3A_534 : i32
    %dma_start3A_536 = arith.constant 2048 : i32
    %dma_start3A_537 = tpu.memref_slice %arg9[%dma_start3A_536] : memref<8192xi32, #tpu.memory_space<vmem>> -> memref<2048xi32, #tpu.memory_space<vmem>>
    %dma_start3A_538 = tpu.memref_slice %arg4[%add3A_535] : memref<262144xi32, #tpu.memory_space<hbm>> -> memref<2048xi32, #tpu.memory_space<hbm>>
    %dma_start3A_539 = tpu.memref_slice %arg4[%add3A_535] : memref<262144xi32, #tpu.memory_space<hbm>> -> memref<2048xi32, #tpu.memory_space<hbm>>
    %dma_start3A_540 = arith.constant 2048 : i32
    %dma_start3A_541 = tpu.memref_slice %arg9[%dma_start3A_540] : memref<8192xi32, #tpu.memory_space<vmem>> -> memref<2048xi32, #tpu.memory_space<vmem>>
    tpu.enqueue_dma source(%dma_start3A_541 : memref<2048xi32, #tpu.memory_space<vmem>>) target(%dma_start3A_539 : memref<2048xi32, #tpu.memory_space<hbm>>) target_semaphore(%arg16 : memref<!tpu.dma_semaphore, #tpu.memory_space<semaphore_mem>>)
    %mul3A_542 = arith.constant 2 : i32
    %mul3A_543 = arith.muli %arg1, %mul3A_542 : i32
    %mul3A_544 = arith.constant 4 : i32
    %mul3A_545 = arith.muli %mul3A_543, %mul3A_544 : i32
    %add3A_546 = arith.constant 4 : i32
    %add3A_547 = arith.addi %mul3A_545, %add3A_546 : i32
    %add3A_548 = arith.constant 0 : i32
    %add3A_549 = arith.addi %add3A_547, %add3A_548 : i32
    %mul3A_550 = arith.constant 4096 : i32
    %mul3A_551 = arith.muli %add3A_549, %mul3A_550 : i32
    %dma_start3A_552 = arith.constant 12 : i32
    %dma_start3A_553 = arith.constant 0 : i32
    %dma_start3A_554 = tpu.memref_slice %arg7[%dma_start3A_552, %dma_start3A_553] : memref<16x4096xi32, #tpu.memory_space<vmem>> -> memref<1x4096xi32, #tpu.memory_space<vmem>>
    %dma_start3A_555 = tpu.memref_squeeze %dma_start3A_554 : memref<1x4096xi32, #tpu.memory_space<vmem>> -> memref<4096xi32, #tpu.memory_space<vmem>>
    %dma_start3A_556 = tpu.memref_slice %arg10[%mul3A_551] : memref<524288xi32, #tpu.memory_space<vmem_shared>> -> memref<4096xi32, #tpu.memory_space<vmem_shared>>
    %dma_start3A_557 = tpu.memref_slice %arg10[%mul3A_551] : memref<524288xi32, #tpu.memory_space<vmem_shared>> -> memref<4096xi32, #tpu.memory_space<vmem_shared>>
    %dma_start3A_558 = arith.constant 0 : i32
    %dma_start3A_559 = tpu.memref_slice %arg7[%dma_start3A_552, %dma_start3A_558] : memref<16x4096xi32, #tpu.memory_space<vmem>> -> memref<1x4096xi32, #tpu.memory_space<vmem>>
    %dma_start3A_560 = tpu.memref_squeeze %dma_start3A_559 : memref<1x4096xi32, #tpu.memory_space<vmem>> -> memref<4096xi32, #tpu.memory_space<vmem>>
    tpu.enqueue_dma source(%dma_start3A_560 : memref<4096xi32, #tpu.memory_space<vmem>>) target(%dma_start3A_557 : memref<4096xi32, #tpu.memory_space<vmem_shared>>) target_semaphore(%arg14 : memref<!tpu.dma_semaphore, #tpu.memory_space<semaphore_mem>>)
    %mul3A_561 = arith.constant 2 : i32
    %mul3A_562 = arith.muli %arg1, %mul3A_561 : i32
    %mul3A_563 = arith.constant 4 : i32
    %mul3A_564 = arith.muli %mul3A_562, %mul3A_563 : i32
    %add3A_565 = arith.constant 4 : i32
    %add3A_566 = arith.addi %mul3A_564, %add3A_565 : i32
    %add3A_567 = arith.constant 1 : i32
    %add3A_568 = arith.addi %add3A_566, %add3A_567 : i32
    %mul3A_569 = arith.constant 4096 : i32
    %mul3A_570 = arith.muli %add3A_568, %mul3A_569 : i32
    %dma_start3A_571 = arith.constant 13 : i32
    %dma_start3A_572 = arith.constant 0 : i32
    %dma_start3A_573 = tpu.memref_slice %arg7[%dma_start3A_571, %dma_start3A_572] : memref<16x4096xi32, #tpu.memory_space<vmem>> -> memref<1x4096xi32, #tpu.memory_space<vmem>>
    %dma_start3A_574 = tpu.memref_squeeze %dma_start3A_573 : memref<1x4096xi32, #tpu.memory_space<vmem>> -> memref<4096xi32, #tpu.memory_space<vmem>>
    %dma_start3A_575 = tpu.memref_slice %arg10[%mul3A_570] : memref<524288xi32, #tpu.memory_space<vmem_shared>> -> memref<4096xi32, #tpu.memory_space<vmem_shared>>
    %dma_start3A_576 = tpu.memref_slice %arg10[%mul3A_570] : memref<524288xi32, #tpu.memory_space<vmem_shared>> -> memref<4096xi32, #tpu.memory_space<vmem_shared>>
    %dma_start3A_577 = arith.constant 0 : i32
    %dma_start3A_578 = tpu.memref_slice %arg7[%dma_start3A_571, %dma_start3A_577] : memref<16x4096xi32, #tpu.memory_space<vmem>> -> memref<1x4096xi32, #tpu.memory_space<vmem>>
    %dma_start3A_579 = tpu.memref_squeeze %dma_start3A_578 : memref<1x4096xi32, #tpu.memory_space<vmem>> -> memref<4096xi32, #tpu.memory_space<vmem>>
    tpu.enqueue_dma source(%dma_start3A_579 : memref<4096xi32, #tpu.memory_space<vmem>>) target(%dma_start3A_576 : memref<4096xi32, #tpu.memory_space<vmem_shared>>) target_semaphore(%arg14 : memref<!tpu.dma_semaphore, #tpu.memory_space<semaphore_mem>>)
    %mul3A_580 = arith.constant 2 : i32
    %mul3A_581 = arith.muli %arg1, %mul3A_580 : i32
    %mul3A_582 = arith.constant 4 : i32
    %mul3A_583 = arith.muli %mul3A_581, %mul3A_582 : i32
    %add3A_584 = arith.constant 4 : i32
    %add3A_585 = arith.addi %mul3A_583, %add3A_584 : i32
    %add3A_586 = arith.constant 2 : i32
    %add3A_587 = arith.addi %add3A_585, %add3A_586 : i32
    %mul3A_588 = arith.constant 4096 : i32
    %mul3A_589 = arith.muli %add3A_587, %mul3A_588 : i32
    %dma_start3A_590 = arith.constant 14 : i32
    %dma_start3A_591 = arith.constant 0 : i32
    %dma_start3A_592 = tpu.memref_slice %arg7[%dma_start3A_590, %dma_start3A_591] : memref<16x4096xi32, #tpu.memory_space<vmem>> -> memref<1x4096xi32, #tpu.memory_space<vmem>>
    %dma_start3A_593 = tpu.memref_squeeze %dma_start3A_592 : memref<1x4096xi32, #tpu.memory_space<vmem>> -> memref<4096xi32, #tpu.memory_space<vmem>>
    %dma_start3A_594 = tpu.memref_slice %arg10[%mul3A_589] : memref<524288xi32, #tpu.memory_space<vmem_shared>> -> memref<4096xi32, #tpu.memory_space<vmem_shared>>
    %dma_start3A_595 = tpu.memref_slice %arg10[%mul3A_589] : memref<524288xi32, #tpu.memory_space<vmem_shared>> -> memref<4096xi32, #tpu.memory_space<vmem_shared>>
    %dma_start3A_596 = arith.constant 0 : i32
    %dma_start3A_597 = tpu.memref_slice %arg7[%dma_start3A_590, %dma_start3A_596] : memref<16x4096xi32, #tpu.memory_space<vmem>> -> memref<1x4096xi32, #tpu.memory_space<vmem>>
    %dma_start3A_598 = tpu.memref_squeeze %dma_start3A_597 : memref<1x4096xi32, #tpu.memory_space<vmem>> -> memref<4096xi32, #tpu.memory_space<vmem>>
    tpu.enqueue_dma source(%dma_start3A_598 : memref<4096xi32, #tpu.memory_space<vmem>>) target(%dma_start3A_595 : memref<4096xi32, #tpu.memory_space<vmem_shared>>) target_semaphore(%arg14 : memref<!tpu.dma_semaphore, #tpu.memory_space<semaphore_mem>>)
    %mul3A_599 = arith.constant 2 : i32
    %mul3A_600 = arith.muli %arg1, %mul3A_599 : i32
    %mul3A_601 = arith.constant 4 : i32
    %mul3A_602 = arith.muli %mul3A_600, %mul3A_601 : i32
    %add3A_603 = arith.constant 4 : i32
    %add3A_604 = arith.addi %mul3A_602, %add3A_603 : i32
    %add3A_605 = arith.constant 3 : i32
    %add3A_606 = arith.addi %add3A_604, %add3A_605 : i32
    %mul3A_607 = arith.constant 4096 : i32
    %mul3A_608 = arith.muli %add3A_606, %mul3A_607 : i32
    %dma_start3A_609 = arith.constant 15 : i32
    %dma_start3A_610 = arith.constant 0 : i32
    %dma_start3A_611 = tpu.memref_slice %arg7[%dma_start3A_609, %dma_start3A_610] : memref<16x4096xi32, #tpu.memory_space<vmem>> -> memref<1x4096xi32, #tpu.memory_space<vmem>>
    %dma_start3A_612 = tpu.memref_squeeze %dma_start3A_611 : memref<1x4096xi32, #tpu.memory_space<vmem>> -> memref<4096xi32, #tpu.memory_space<vmem>>
    %dma_start3A_613 = tpu.memref_slice %arg10[%mul3A_608] : memref<524288xi32, #tpu.memory_space<vmem_shared>> -> memref<4096xi32, #tpu.memory_space<vmem_shared>>
    %dma_start3A_614 = tpu.memref_slice %arg10[%mul3A_608] : memref<524288xi32, #tpu.memory_space<vmem_shared>> -> memref<4096xi32, #tpu.memory_space<vmem_shared>>
    %dma_start3A_615 = arith.constant 0 : i32
    %dma_start3A_616 = tpu.memref_slice %arg7[%dma_start3A_609, %dma_start3A_615] : memref<16x4096xi32, #tpu.memory_space<vmem>> -> memref<1x4096xi32, #tpu.memory_space<vmem>>
    %dma_start3A_617 = tpu.memref_squeeze %dma_start3A_616 : memref<1x4096xi32, #tpu.memory_space<vmem>> -> memref<4096xi32, #tpu.memory_space<vmem>>
    tpu.enqueue_dma source(%dma_start3A_617 : memref<4096xi32, #tpu.memory_space<vmem>>) target(%dma_start3A_614 : memref<4096xi32, #tpu.memory_space<vmem_shared>>) target_semaphore(%arg14 : memref<!tpu.dma_semaphore, #tpu.memory_space<semaphore_mem>>)
    %dma_wait3A_618 = arith.constant 8 : i32
    %dma_wait3A_619 = arith.constant 0 : i32
    %dma_wait3A_620 = tpu.memref_slice %arg7[%dma_wait3A_618, %dma_wait3A_619] : memref<16x4096xi32, #tpu.memory_space<vmem>> -> memref<1x4096xi32, #tpu.memory_space<vmem>>
    %dma_wait3A_621 = tpu.memref_squeeze %dma_wait3A_620 : memref<1x4096xi32, #tpu.memory_space<vmem>> -> memref<4096xi32, #tpu.memory_space<vmem>>
    %dma_wait3A_622 = tpu.memref_slice %arg10[%mul3A_417] : memref<524288xi32, #tpu.memory_space<vmem_shared>> -> memref<4096xi32, #tpu.memory_space<vmem_shared>>
    %dma_wait3A_623 = tpu.memref_slice %arg10[%mul3A_417] : memref<524288xi32, #tpu.memory_space<vmem_shared>> -> memref<4096xi32, #tpu.memory_space<vmem_shared>>
    %dma_wait3A_624 = arith.constant 0 : i32
    %dma_wait3A_625 = tpu.memref_slice %arg7[%dma_wait3A_618, %dma_wait3A_624] : memref<16x4096xi32, #tpu.memory_space<vmem>> -> memref<1x4096xi32, #tpu.memory_space<vmem>>
    %dma_wait3A_626 = tpu.memref_squeeze %dma_wait3A_625 : memref<1x4096xi32, #tpu.memory_space<vmem>> -> memref<4096xi32, #tpu.memory_space<vmem>>
    tpu.wait_dma2 semaphore(%arg13 : memref<!tpu.dma_semaphore, #tpu.memory_space<semaphore_mem>>) src(%dma_wait3A_626 : memref<4096xi32, #tpu.memory_space<vmem>>) dst(%dma_wait3A_623 : memref<4096xi32, #tpu.memory_space<vmem_shared>>)
    %dma_wait3A_627 = arith.constant 9 : i32
    %dma_wait3A_628 = arith.constant 0 : i32
    %dma_wait3A_629 = tpu.memref_slice %arg7[%dma_wait3A_627, %dma_wait3A_628] : memref<16x4096xi32, #tpu.memory_space<vmem>> -> memref<1x4096xi32, #tpu.memory_space<vmem>>
    %dma_wait3A_630 = tpu.memref_squeeze %dma_wait3A_629 : memref<1x4096xi32, #tpu.memory_space<vmem>> -> memref<4096xi32, #tpu.memory_space<vmem>>
    %dma_wait3A_631 = tpu.memref_slice %arg10[%mul3A_436] : memref<524288xi32, #tpu.memory_space<vmem_shared>> -> memref<4096xi32, #tpu.memory_space<vmem_shared>>
    %dma_wait3A_632 = tpu.memref_slice %arg10[%mul3A_436] : memref<524288xi32, #tpu.memory_space<vmem_shared>> -> memref<4096xi32, #tpu.memory_space<vmem_shared>>
    %dma_wait3A_633 = arith.constant 0 : i32
    %dma_wait3A_634 = tpu.memref_slice %arg7[%dma_wait3A_627, %dma_wait3A_633] : memref<16x4096xi32, #tpu.memory_space<vmem>> -> memref<1x4096xi32, #tpu.memory_space<vmem>>
    %dma_wait3A_635 = tpu.memref_squeeze %dma_wait3A_634 : memref<1x4096xi32, #tpu.memory_space<vmem>> -> memref<4096xi32, #tpu.memory_space<vmem>>
    tpu.wait_dma2 semaphore(%arg13 : memref<!tpu.dma_semaphore, #tpu.memory_space<semaphore_mem>>) src(%dma_wait3A_635 : memref<4096xi32, #tpu.memory_space<vmem>>) dst(%dma_wait3A_632 : memref<4096xi32, #tpu.memory_space<vmem_shared>>)
    %dma_wait3A_636 = arith.constant 10 : i32
    %dma_wait3A_637 = arith.constant 0 : i32
    %dma_wait3A_638 = tpu.memref_slice %arg7[%dma_wait3A_636, %dma_wait3A_637] : memref<16x4096xi32, #tpu.memory_space<vmem>> -> memref<1x4096xi32, #tpu.memory_space<vmem>>
    %dma_wait3A_639 = tpu.memref_squeeze %dma_wait3A_638 : memref<1x4096xi32, #tpu.memory_space<vmem>> -> memref<4096xi32, #tpu.memory_space<vmem>>
    %dma_wait3A_640 = tpu.memref_slice %arg10[%mul3A_455] : memref<524288xi32, #tpu.memory_space<vmem_shared>> -> memref<4096xi32, #tpu.memory_space<vmem_shared>>
    %dma_wait3A_641 = tpu.memref_slice %arg10[%mul3A_455] : memref<524288xi32, #tpu.memory_space<vmem_shared>> -> memref<4096xi32, #tpu.memory_space<vmem_shared>>
    %dma_wait3A_642 = arith.constant 0 : i32
    %dma_wait3A_643 = tpu.memref_slice %arg7[%dma_wait3A_636, %dma_wait3A_642] : memref<16x4096xi32, #tpu.memory_space<vmem>> -> memref<1x4096xi32, #tpu.memory_space<vmem>>
    %dma_wait3A_644 = tpu.memref_squeeze %dma_wait3A_643 : memref<1x4096xi32, #tpu.memory_space<vmem>> -> memref<4096xi32, #tpu.memory_space<vmem>>
    tpu.wait_dma2 semaphore(%arg13 : memref<!tpu.dma_semaphore, #tpu.memory_space<semaphore_mem>>) src(%dma_wait3A_644 : memref<4096xi32, #tpu.memory_space<vmem>>) dst(%dma_wait3A_641 : memref<4096xi32, #tpu.memory_space<vmem_shared>>)
    %dma_wait3A_645 = arith.constant 11 : i32
    %dma_wait3A_646 = arith.constant 0 : i32
    %dma_wait3A_647 = tpu.memref_slice %arg7[%dma_wait3A_645, %dma_wait3A_646] : memref<16x4096xi32, #tpu.memory_space<vmem>> -> memref<1x4096xi32, #tpu.memory_space<vmem>>
    %dma_wait3A_648 = tpu.memref_squeeze %dma_wait3A_647 : memref<1x4096xi32, #tpu.memory_space<vmem>> -> memref<4096xi32, #tpu.memory_space<vmem>>
    %dma_wait3A_649 = tpu.memref_slice %arg10[%mul3A_474] : memref<524288xi32, #tpu.memory_space<vmem_shared>> -> memref<4096xi32, #tpu.memory_space<vmem_shared>>
    %dma_wait3A_650 = tpu.memref_slice %arg10[%mul3A_474] : memref<524288xi32, #tpu.memory_space<vmem_shared>> -> memref<4096xi32, #tpu.memory_space<vmem_shared>>
    %dma_wait3A_651 = arith.constant 0 : i32
    %dma_wait3A_652 = tpu.memref_slice %arg7[%dma_wait3A_645, %dma_wait3A_651] : memref<16x4096xi32, #tpu.memory_space<vmem>> -> memref<1x4096xi32, #tpu.memory_space<vmem>>
    %dma_wait3A_653 = tpu.memref_squeeze %dma_wait3A_652 : memref<1x4096xi32, #tpu.memory_space<vmem>> -> memref<4096xi32, #tpu.memory_space<vmem>>
    tpu.wait_dma2 semaphore(%arg13 : memref<!tpu.dma_semaphore, #tpu.memory_space<semaphore_mem>>) src(%dma_wait3A_653 : memref<4096xi32, #tpu.memory_space<vmem>>) dst(%dma_wait3A_650 : memref<4096xi32, #tpu.memory_space<vmem_shared>>)
    %dma_start3A_654 = arith.constant 4096 : i32
    %dma_start3A_655 = tpu.memref_slice %arg9[%dma_start3A_654] : memref<8192xi32, #tpu.memory_space<vmem>> -> memref<2048xi32, #tpu.memory_space<vmem>>
    %dma_start3A_656 = arith.constant 4096 : i32
    %dma_start3A_657 = tpu.memref_slice %arg8[%dma_start3A_656] : memref<8192xi32, #tpu.memory_space<vmem>> -> memref<2048xi32, #tpu.memory_space<vmem>>
    %dma_start3A_658 = arith.constant 0 : i32
    %dma_start3A_659 = tpu.memref_slice %arg10[%dma_start3A_658] : memref<524288xi32, #tpu.memory_space<vmem_shared>> -> memref<524288xi32, #tpu.memory_space<vmem_shared>>
    tpu.enqueue_indirect_dma source(%dma_start3A_659 : memref<524288xi32, #tpu.memory_space<vmem_shared>>) target(%dma_start3A_655 : memref<2048xi32, #tpu.memory_space<vmem>>) offsets(%dma_start3A_657 : memref<2048xi32, #tpu.memory_space<vmem>>) semaphore(%arg15 : memref<!tpu.dma_semaphore, #tpu.memory_space<semaphore_mem>>)
    %dma_wait3A_660 = arith.constant 4096 : i32
    %dma_wait3A_661 = tpu.memref_slice %arg9[%dma_wait3A_660] : memref<8192xi32, #tpu.memory_space<vmem>> -> memref<2048xi32, #tpu.memory_space<vmem>>
    %dma_wait3A_662 = arith.constant 4096 : i32
    %dma_wait3A_663 = tpu.memref_slice %arg8[%dma_wait3A_662] : memref<8192xi32, #tpu.memory_space<vmem>> -> memref<2048xi32, #tpu.memory_space<vmem>>
    %dma_wait3A_664 = arith.constant 0 : i32
    %dma_wait3A_665 = tpu.memref_slice %arg10[%dma_wait3A_664] : memref<524288xi32, #tpu.memory_space<vmem_shared>> -> memref<524288xi32, #tpu.memory_space<vmem_shared>>
    tpu.wait_indirect_dma semaphore(%arg15 : memref<!tpu.dma_semaphore, #tpu.memory_space<semaphore_mem>>) src(%dma_wait3A_665 : memref<524288xi32, #tpu.memory_space<vmem_shared>>) dst(%dma_wait3A_661 : memref<2048xi32, #tpu.memory_space<vmem>>)
    %mul3A_666 = arith.constant 512 : i32
    %mul3A_667 = arith.muli %mul3A_2, %mul3A_666 : i32
    %add3A_668 = arith.constant 4096 : i32
    %add3A_669 = arith.addi %mul3A_667, %add3A_668 : i32
    %dma_start3A_670 = arith.constant 4096 : i32
    %dma_start3A_671 = tpu.memref_slice %arg9[%dma_start3A_670] : memref<8192xi32, #tpu.memory_space<vmem>> -> memref<2048xi32, #tpu.memory_space<vmem>>
    %dma_start3A_672 = tpu.memref_slice %arg4[%add3A_669] : memref<262144xi32, #tpu.memory_space<hbm>> -> memref<2048xi32, #tpu.memory_space<hbm>>
    %dma_start3A_673 = tpu.memref_slice %arg4[%add3A_669] : memref<262144xi32, #tpu.memory_space<hbm>> -> memref<2048xi32, #tpu.memory_space<hbm>>
    %dma_start3A_674 = arith.constant 4096 : i32
    %dma_start3A_675 = tpu.memref_slice %arg9[%dma_start3A_674] : memref<8192xi32, #tpu.memory_space<vmem>> -> memref<2048xi32, #tpu.memory_space<vmem>>
    tpu.enqueue_dma source(%dma_start3A_675 : memref<2048xi32, #tpu.memory_space<vmem>>) target(%dma_start3A_673 : memref<2048xi32, #tpu.memory_space<hbm>>) target_semaphore(%arg16 : memref<!tpu.dma_semaphore, #tpu.memory_space<semaphore_mem>>)
    %dma_wait3A_676 = arith.constant 12 : i32
    %dma_wait3A_677 = arith.constant 0 : i32
    %dma_wait3A_678 = tpu.memref_slice %arg7[%dma_wait3A_676, %dma_wait3A_677] : memref<16x4096xi32, #tpu.memory_space<vmem>> -> memref<1x4096xi32, #tpu.memory_space<vmem>>
    %dma_wait3A_679 = tpu.memref_squeeze %dma_wait3A_678 : memref<1x4096xi32, #tpu.memory_space<vmem>> -> memref<4096xi32, #tpu.memory_space<vmem>>
    %dma_wait3A_680 = tpu.memref_slice %arg10[%mul3A_551] : memref<524288xi32, #tpu.memory_space<vmem_shared>> -> memref<4096xi32, #tpu.memory_space<vmem_shared>>
    %dma_wait3A_681 = tpu.memref_slice %arg10[%mul3A_551] : memref<524288xi32, #tpu.memory_space<vmem_shared>> -> memref<4096xi32, #tpu.memory_space<vmem_shared>>
    %dma_wait3A_682 = arith.constant 0 : i32
    %dma_wait3A_683 = tpu.memref_slice %arg7[%dma_wait3A_676, %dma_wait3A_682] : memref<16x4096xi32, #tpu.memory_space<vmem>> -> memref<1x4096xi32, #tpu.memory_space<vmem>>
    %dma_wait3A_684 = tpu.memref_squeeze %dma_wait3A_683 : memref<1x4096xi32, #tpu.memory_space<vmem>> -> memref<4096xi32, #tpu.memory_space<vmem>>
    tpu.wait_dma2 semaphore(%arg14 : memref<!tpu.dma_semaphore, #tpu.memory_space<semaphore_mem>>) src(%dma_wait3A_684 : memref<4096xi32, #tpu.memory_space<vmem>>) dst(%dma_wait3A_681 : memref<4096xi32, #tpu.memory_space<vmem_shared>>)
    %dma_wait3A_685 = arith.constant 13 : i32
    %dma_wait3A_686 = arith.constant 0 : i32
    %dma_wait3A_687 = tpu.memref_slice %arg7[%dma_wait3A_685, %dma_wait3A_686] : memref<16x4096xi32, #tpu.memory_space<vmem>> -> memref<1x4096xi32, #tpu.memory_space<vmem>>
    %dma_wait3A_688 = tpu.memref_squeeze %dma_wait3A_687 : memref<1x4096xi32, #tpu.memory_space<vmem>> -> memref<4096xi32, #tpu.memory_space<vmem>>
    %dma_wait3A_689 = tpu.memref_slice %arg10[%mul3A_570] : memref<524288xi32, #tpu.memory_space<vmem_shared>> -> memref<4096xi32, #tpu.memory_space<vmem_shared>>
    %dma_wait3A_690 = tpu.memref_slice %arg10[%mul3A_570] : memref<524288xi32, #tpu.memory_space<vmem_shared>> -> memref<4096xi32, #tpu.memory_space<vmem_shared>>
    %dma_wait3A_691 = arith.constant 0 : i32
    %dma_wait3A_692 = tpu.memref_slice %arg7[%dma_wait3A_685, %dma_wait3A_691] : memref<16x4096xi32, #tpu.memory_space<vmem>> -> memref<1x4096xi32, #tpu.memory_space<vmem>>
    %dma_wait3A_693 = tpu.memref_squeeze %dma_wait3A_692 : memref<1x4096xi32, #tpu.memory_space<vmem>> -> memref<4096xi32, #tpu.memory_space<vmem>>
    tpu.wait_dma2 semaphore(%arg14 : memref<!tpu.dma_semaphore, #tpu.memory_space<semaphore_mem>>) src(%dma_wait3A_693 : memref<4096xi32, #tpu.memory_space<vmem>>) dst(%dma_wait3A_690 : memref<4096xi32, #tpu.memory_space<vmem_shared>>)
    %dma_wait3A_694 = arith.constant 14 : i32
    %dma_wait3A_695 = arith.constant 0 : i32
    %dma_wait3A_696 = tpu.memref_slice %arg7[%dma_wait3A_694, %dma_wait3A_695] : memref<16x4096xi32, #tpu.memory_space<vmem>> -> memref<1x4096xi32, #tpu.memory_space<vmem>>
    %dma_wait3A_697 = tpu.memref_squeeze %dma_wait3A_696 : memref<1x4096xi32, #tpu.memory_space<vmem>> -> memref<4096xi32, #tpu.memory_space<vmem>>
    %dma_wait3A_698 = tpu.memref_slice %arg10[%mul3A_589] : memref<524288xi32, #tpu.memory_space<vmem_shared>> -> memref<4096xi32, #tpu.memory_space<vmem_shared>>
    %dma_wait3A_699 = tpu.memref_slice %arg10[%mul3A_589] : memref<524288xi32, #tpu.memory_space<vmem_shared>> -> memref<4096xi32, #tpu.memory_space<vmem_shared>>
    %dma_wait3A_700 = arith.constant 0 : i32
    %dma_wait3A_701 = tpu.memref_slice %arg7[%dma_wait3A_694, %dma_wait3A_700] : memref<16x4096xi32, #tpu.memory_space<vmem>> -> memref<1x4096xi32, #tpu.memory_space<vmem>>
    %dma_wait3A_702 = tpu.memref_squeeze %dma_wait3A_701 : memref<1x4096xi32, #tpu.memory_space<vmem>> -> memref<4096xi32, #tpu.memory_space<vmem>>
    tpu.wait_dma2 semaphore(%arg14 : memref<!tpu.dma_semaphore, #tpu.memory_space<semaphore_mem>>) src(%dma_wait3A_702 : memref<4096xi32, #tpu.memory_space<vmem>>) dst(%dma_wait3A_699 : memref<4096xi32, #tpu.memory_space<vmem_shared>>)
    %dma_wait3A_703 = arith.constant 15 : i32
    %dma_wait3A_704 = arith.constant 0 : i32
    %dma_wait3A_705 = tpu.memref_slice %arg7[%dma_wait3A_703, %dma_wait3A_704] : memref<16x4096xi32, #tpu.memory_space<vmem>> -> memref<1x4096xi32, #tpu.memory_space<vmem>>
    %dma_wait3A_706 = tpu.memref_squeeze %dma_wait3A_705 : memref<1x4096xi32, #tpu.memory_space<vmem>> -> memref<4096xi32, #tpu.memory_space<vmem>>
    %dma_wait3A_707 = tpu.memref_slice %arg10[%mul3A_608] : memref<524288xi32, #tpu.memory_space<vmem_shared>> -> memref<4096xi32, #tpu.memory_space<vmem_shared>>
    %dma_wait3A_708 = tpu.memref_slice %arg10[%mul3A_608] : memref<524288xi32, #tpu.memory_space<vmem_shared>> -> memref<4096xi32, #tpu.memory_space<vmem_shared>>
    %dma_wait3A_709 = arith.constant 0 : i32
    %dma_wait3A_710 = tpu.memref_slice %arg7[%dma_wait3A_703, %dma_wait3A_709] : memref<16x4096xi32, #tpu.memory_space<vmem>> -> memref<1x4096xi32, #tpu.memory_space<vmem>>
    %dma_wait3A_711 = tpu.memref_squeeze %dma_wait3A_710 : memref<1x4096xi32, #tpu.memory_space<vmem>> -> memref<4096xi32, #tpu.memory_space<vmem>>
    tpu.wait_dma2 semaphore(%arg14 : memref<!tpu.dma_semaphore, #tpu.memory_space<semaphore_mem>>) src(%dma_wait3A_711 : memref<4096xi32, #tpu.memory_space<vmem>>) dst(%dma_wait3A_708 : memref<4096xi32, #tpu.memory_space<vmem_shared>>)
    %dma_start3A_712 = arith.constant 6144 : i32
    %dma_start3A_713 = tpu.memref_slice %arg9[%dma_start3A_712] : memref<8192xi32, #tpu.memory_space<vmem>> -> memref<2048xi32, #tpu.memory_space<vmem>>
    %dma_start3A_714 = arith.constant 6144 : i32
    %dma_start3A_715 = tpu.memref_slice %arg8[%dma_start3A_714] : memref<8192xi32, #tpu.memory_space<vmem>> -> memref<2048xi32, #tpu.memory_space<vmem>>
    %dma_start3A_716 = arith.constant 0 : i32
    %dma_start3A_717 = tpu.memref_slice %arg10[%dma_start3A_716] : memref<524288xi32, #tpu.memory_space<vmem_shared>> -> memref<524288xi32, #tpu.memory_space<vmem_shared>>
    tpu.enqueue_indirect_dma source(%dma_start3A_717 : memref<524288xi32, #tpu.memory_space<vmem_shared>>) target(%dma_start3A_713 : memref<2048xi32, #tpu.memory_space<vmem>>) offsets(%dma_start3A_715 : memref<2048xi32, #tpu.memory_space<vmem>>) semaphore(%arg15 : memref<!tpu.dma_semaphore, #tpu.memory_space<semaphore_mem>>)
    %dma_wait3A_718 = arith.constant 6144 : i32
    %dma_wait3A_719 = tpu.memref_slice %arg9[%dma_wait3A_718] : memref<8192xi32, #tpu.memory_space<vmem>> -> memref<2048xi32, #tpu.memory_space<vmem>>
    %dma_wait3A_720 = arith.constant 6144 : i32
    %dma_wait3A_721 = tpu.memref_slice %arg8[%dma_wait3A_720] : memref<8192xi32, #tpu.memory_space<vmem>> -> memref<2048xi32, #tpu.memory_space<vmem>>
    %dma_wait3A_722 = arith.constant 0 : i32
    %dma_wait3A_723 = tpu.memref_slice %arg10[%dma_wait3A_722] : memref<524288xi32, #tpu.memory_space<vmem_shared>> -> memref<524288xi32, #tpu.memory_space<vmem_shared>>
    tpu.wait_indirect_dma semaphore(%arg15 : memref<!tpu.dma_semaphore, #tpu.memory_space<semaphore_mem>>) src(%dma_wait3A_723 : memref<524288xi32, #tpu.memory_space<vmem_shared>>) dst(%dma_wait3A_719 : memref<2048xi32, #tpu.memory_space<vmem>>)
    %mul3A_724 = arith.constant 512 : i32
    %mul3A_725 = arith.muli %mul3A_2, %mul3A_724 : i32
    %add3A_726 = arith.constant 6144 : i32
    %add3A_727 = arith.addi %mul3A_725, %add3A_726 : i32
    %dma_start3A_728 = arith.constant 6144 : i32
    %dma_start3A_729 = tpu.memref_slice %arg9[%dma_start3A_728] : memref<8192xi32, #tpu.memory_space<vmem>> -> memref<2048xi32, #tpu.memory_space<vmem>>
    %dma_start3A_730 = tpu.memref_slice %arg4[%add3A_727] : memref<262144xi32, #tpu.memory_space<hbm>> -> memref<2048xi32, #tpu.memory_space<hbm>>
    %dma_start3A_731 = tpu.memref_slice %arg4[%add3A_727] : memref<262144xi32, #tpu.memory_space<hbm>> -> memref<2048xi32, #tpu.memory_space<hbm>>
    %dma_start3A_732 = arith.constant 6144 : i32
    %dma_start3A_733 = tpu.memref_slice %arg9[%dma_start3A_732] : memref<8192xi32, #tpu.memory_space<vmem>> -> memref<2048xi32, #tpu.memory_space<vmem>>
    tpu.enqueue_dma source(%dma_start3A_733 : memref<2048xi32, #tpu.memory_space<vmem>>) target(%dma_start3A_731 : memref<2048xi32, #tpu.memory_space<hbm>>) target_semaphore(%arg16 : memref<!tpu.dma_semaphore, #tpu.memory_space<semaphore_mem>>)
    %dma_wait3A_734 = arith.constant 0 : i32
    %dma_wait3A_735 = tpu.memref_slice %arg9[%dma_wait3A_734] : memref<8192xi32, #tpu.memory_space<vmem>> -> memref<2048xi32, #tpu.memory_space<vmem>>
    %dma_wait3A_736 = tpu.memref_slice %arg4[%add3A_401] : memref<262144xi32, #tpu.memory_space<hbm>> -> memref<2048xi32, #tpu.memory_space<hbm>>
    %dma_wait3A_737 = tpu.memref_slice %arg4[%add3A_401] : memref<262144xi32, #tpu.memory_space<hbm>> -> memref<2048xi32, #tpu.memory_space<hbm>>
    %dma_wait3A_738 = arith.constant 0 : i32
    %dma_wait3A_739 = tpu.memref_slice %arg9[%dma_wait3A_738] : memref<8192xi32, #tpu.memory_space<vmem>> -> memref<2048xi32, #tpu.memory_space<vmem>>
    tpu.wait_dma2 semaphore(%arg16 : memref<!tpu.dma_semaphore, #tpu.memory_space<semaphore_mem>>) src(%dma_wait3A_739 : memref<2048xi32, #tpu.memory_space<vmem>>) dst(%dma_wait3A_737 : memref<2048xi32, #tpu.memory_space<hbm>>)
    %dma_wait3A_740 = arith.constant 2048 : i32
    %dma_wait3A_741 = tpu.memref_slice %arg9[%dma_wait3A_740] : memref<8192xi32, #tpu.memory_space<vmem>> -> memref<2048xi32, #tpu.memory_space<vmem>>
    %dma_wait3A_742 = tpu.memref_slice %arg4[%add3A_535] : memref<262144xi32, #tpu.memory_space<hbm>> -> memref<2048xi32, #tpu.memory_space<hbm>>
    %dma_wait3A_743 = tpu.memref_slice %arg4[%add3A_535] : memref<262144xi32, #tpu.memory_space<hbm>> -> memref<2048xi32, #tpu.memory_space<hbm>>
    %dma_wait3A_744 = arith.constant 2048 : i32
    %dma_wait3A_745 = tpu.memref_slice %arg9[%dma_wait3A_744] : memref<8192xi32, #tpu.memory_space<vmem>> -> memref<2048xi32, #tpu.memory_space<vmem>>
    tpu.wait_dma2 semaphore(%arg16 : memref<!tpu.dma_semaphore, #tpu.memory_space<semaphore_mem>>) src(%dma_wait3A_745 : memref<2048xi32, #tpu.memory_space<vmem>>) dst(%dma_wait3A_743 : memref<2048xi32, #tpu.memory_space<hbm>>)
    %dma_wait3A_746 = arith.constant 4096 : i32
    %dma_wait3A_747 = tpu.memref_slice %arg9[%dma_wait3A_746] : memref<8192xi32, #tpu.memory_space<vmem>> -> memref<2048xi32, #tpu.memory_space<vmem>>
    %dma_wait3A_748 = tpu.memref_slice %arg4[%add3A_669] : memref<262144xi32, #tpu.memory_space<hbm>> -> memref<2048xi32, #tpu.memory_space<hbm>>
    %dma_wait3A_749 = tpu.memref_slice %arg4[%add3A_669] : memref<262144xi32, #tpu.memory_space<hbm>> -> memref<2048xi32, #tpu.memory_space<hbm>>
    %dma_wait3A_750 = arith.constant 4096 : i32
    %dma_wait3A_751 = tpu.memref_slice %arg9[%dma_wait3A_750] : memref<8192xi32, #tpu.memory_space<vmem>> -> memref<2048xi32, #tpu.memory_space<vmem>>
    tpu.wait_dma2 semaphore(%arg16 : memref<!tpu.dma_semaphore, #tpu.memory_space<semaphore_mem>>) src(%dma_wait3A_751 : memref<2048xi32, #tpu.memory_space<vmem>>) dst(%dma_wait3A_749 : memref<2048xi32, #tpu.memory_space<hbm>>)
    %dma_wait3A_752 = arith.constant 6144 : i32
    %dma_wait3A_753 = tpu.memref_slice %arg9[%dma_wait3A_752] : memref<8192xi32, #tpu.memory_space<vmem>> -> memref<2048xi32, #tpu.memory_space<vmem>>
    %dma_wait3A_754 = tpu.memref_slice %arg4[%add3A_727] : memref<262144xi32, #tpu.memory_space<hbm>> -> memref<2048xi32, #tpu.memory_space<hbm>>
    %dma_wait3A_755 = tpu.memref_slice %arg4[%add3A_727] : memref<262144xi32, #tpu.memory_space<hbm>> -> memref<2048xi32, #tpu.memory_space<hbm>>
    %dma_wait3A_756 = arith.constant 6144 : i32
    %dma_wait3A_757 = tpu.memref_slice %arg9[%dma_wait3A_756] : memref<8192xi32, #tpu.memory_space<vmem>> -> memref<2048xi32, #tpu.memory_space<vmem>>
    tpu.wait_dma2 semaphore(%arg16 : memref<!tpu.dma_semaphore, #tpu.memory_space<semaphore_mem>>) src(%dma_wait3A_757 : memref<2048xi32, #tpu.memory_space<vmem>>) dst(%dma_wait3A_755 : memref<2048xi32, #tpu.memory_space<hbm>>)
    return
  }
}

module attributes {stable_mosaic.version = 14 : i64} {
  func.func @_tc_combine_body(%arg0: memref<512x512xf32, #tpu.memory_space<vmem>>, %arg1: memref<512x1xf32, #tpu.memory_space<vmem>>, %arg2: memref<1x512xi32, #tpu.memory_space<vmem>>, %arg3: memref<262144xi32, #tpu.memory_space<vmem>>, %arg4: memref<1x1xf32, #tpu.memory_space<vmem>>) attributes {dimension_semantics = [], scalar_prefetch = 0 : i64, scratch_operands = 0 : i64, tpu.core_type = #tpu.core_type<tc>} {
    %get3A = arith.constant 0 : index
    %get3A_0 = arith.constant 0 : index
    %get3A_1 = vector.load %arg2[%get3A, %get3A_0] : memref<1x512xi32, #tpu.memory_space<vmem>>, vector<1x512xi32>
    %reshape3A = vector.shape_cast %get3A_1 : vector<1x512xi32> to vector<512x1xi32>
    %eq3A = vector.broadcast %reshape3A : vector<512x1xi32> to vector<512x512xi32>
    %eq3A_2 = vector.broadcast %get3A_1 : vector<1x512xi32> to vector<512x512xi32>
    %eq3A_3 = arith.cmpi eq, %eq3A, %eq3A_2 : vector<512x512xi32>
    %iota3A = tpu.iota {dimensions = array<i32: 0>} : vector<512x512xi32>
    %iota3A_4 = tpu.iota {dimensions = array<i32: 1>} : vector<512x512xi32>
    %lt3A = arith.cmpi slt, %iota3A, %iota3A_4 : vector<512x512xi32>
    %and3A = arith.andi %eq3A_3, %lt3A : vector<512x512xi1>
    %jit3A = arith.constant 1.000000e+00 : f32
    %jit3A_5 = arith.constant 0.000000e+00 : f32
    %broadcast_in_dim3A = vector.broadcast %jit3A : f32 to vector<512x512xf32>
    %broadcast_in_dim3A_6 = vector.broadcast %jit3A_5 : f32 to vector<512x512xf32>
    %select_n3A = arith.select %and3A, %broadcast_in_dim3A, %broadcast_in_dim3A_6 : vector<512x512xi1>, vector<512x512xf32>
    %reduce_max3A = arith.constant dense<0xFF800000> : vector<512xf32>
    %reduce_max3A_7 = vector.multi_reduction <maximumf>, %select_n3A, %reduce_max3A [0] : vector<512x512xf32> to vector<512xf32>
    %broadcast_in_dim3A_8 = vector.shape_cast %reduce_max3A_7 : vector<512xf32> to vector<1x512xf32>
    %get3A_9 = arith.constant 0 : index
    %get3A_10 = vector.load %arg3[%get3A_9] : memref<262144xi32, #tpu.memory_space<vmem>>, vector<262144xi32>
    %reshape3A_11 = vector.shape_cast %get3A_10 : vector<262144xi32> to vector<512x512xi32>
    %ne3A = arith.constant 0 : i32
    %ne3A_12 = vector.broadcast %ne3A : i32 to vector<512x512xi32>
    %ne3A_13 = arith.cmpi ne, %reshape3A_11, %ne3A_12 : vector<512x512xi32>
    %jit3A_14 = arith.constant 1.000000e+00 : f32
    %jit3A_15 = arith.constant 0.000000e+00 : f32
    %broadcast_in_dim3A_16 = vector.broadcast %jit3A_14 : f32 to vector<512x512xf32>
    %broadcast_in_dim3A_17 = vector.broadcast %jit3A_15 : f32 to vector<512x512xf32>
    %select_n3A_18 = arith.select %ne3A_13, %broadcast_in_dim3A_16, %broadcast_in_dim3A_17 : vector<512x512xi1>, vector<512x512xf32>
    %sub3A = arith.constant 1.000000e+00 : f32
    %sub3A_19 = vector.broadcast %sub3A : f32 to vector<1x512xf32>
    %sub3A_20 = arith.subf %sub3A_19, %broadcast_in_dim3A_8 : vector<1x512xf32>
    %mul3A = vector.broadcast %sub3A_20 : vector<1x512xf32> to vector<512x512xf32>
    %mul3A_21 = arith.mulf %select_n3A_18, %mul3A : vector<512x512xf32>
    %reduce_sum3A = arith.constant dense<0.000000e+00> : vector<512xf32>
    %reduce_sum3A_22 = vector.multi_reduction <add>, %mul3A_21, %reduce_sum3A [1] : vector<512x512xf32> to vector<512xf32>
    %broadcast_in_dim3A_23 = vector.shape_cast %reduce_sum3A_22 : vector<512xf32> to vector<512x1xf32>
    %max3A = arith.constant 1.000000e+00 : f32
    %max3A_24 = vector.broadcast %max3A : f32 to vector<512x1xf32>
    %max3A_25 = arith.maximumf %broadcast_in_dim3A_23, %max3A_24 : vector<512x1xf32>
    %get3A_26 = arith.constant 0 : index
    %get3A_27 = arith.constant 0 : index
    %get3A_28 = vector.load %arg0[%get3A_26, %get3A_27] : memref<512x512xf32, #tpu.memory_space<vmem>>, vector<512x512xf32>
    %mul3A_29 = arith.mulf %mul3A_21, %get3A_28 : vector<512x512xf32>
    %reduce_sum3A_30 = arith.constant dense<0.000000e+00> : vector<512xf32>
    %reduce_sum3A_31 = vector.multi_reduction <add>, %mul3A_29, %reduce_sum3A_30 [1] : vector<512x512xf32> to vector<512xf32>
    %broadcast_in_dim3A_32 = vector.shape_cast %reduce_sum3A_31 : vector<512xf32> to vector<512x1xf32>
    %div3A = arith.divf %broadcast_in_dim3A_32, %max3A_25 : vector<512x1xf32>
    %get3A_33 = arith.constant 0 : index
    %get3A_34 = arith.constant 0 : index
    %get3A_35 = vector.load %arg1[%get3A_33, %get3A_34] : memref<512x1xf32, #tpu.memory_space<vmem>>, vector<512x1xf32>
    %mul3A_36 = arith.constant -2.000000e-01 : f32
    %mul3A_37 = vector.broadcast %mul3A_36 : f32 to vector<512x1xf32>
    %mul3A_38 = arith.mulf %mul3A_37, %get3A_35 : vector<512x1xf32>
    %mul3A_39 = arith.constant 8.000000e-01 : f32
    %mul3A_40 = vector.broadcast %mul3A_39 : f32 to vector<512x1xf32>
    %mul3A_41 = arith.mulf %mul3A_40, %div3A : vector<512x1xf32>
    %sub3A_42 = arith.subf %mul3A_38, %mul3A_41 : vector<512x1xf32>
    %reduce_sum3A_43 = vector.shape_cast %sub3A_42 : vector<512x1xf32> to vector<1x512x1xf32>
    %reduce_sum3A_44 = arith.constant dense<0.000000e+00> : vector<1xf32>
    %reduce_sum3A_45 = vector.multi_reduction <add>, %reduce_sum3A_43, %reduce_sum3A_44 [1, 2] : vector<1x512x1xf32> to vector<1xf32>
    %reduce_sum3A_46 = vector.shape_cast %reduce_sum3A_45 : vector<1xf32> to vector<1x1x1xf32>
    %reduce_sum3A_47 = vector.extract %reduce_sum3A_46[0, 0, 0] : f32 from vector<1x1x1xf32>
    %div3A_48 = arith.constant 5.120000e+02 : f32
    %div3A_49 = arith.divf %reduce_sum3A_47, %div3A_48 : f32
    %reshape3A_50 = vector.broadcast %div3A_49 : f32 to vector<1x1xf32>
    %swap3A = arith.constant 0 : index
    %swap3A_51 = arith.constant 0 : index
    %swap3A_52 = vector.load %arg4[%swap3A, %swap3A_51] : memref<1x1xf32, #tpu.memory_space<vmem>>, vector<1x1xf32>
    tpu.vector_store %arg4[%swap3A, %swap3A_51], %reshape3A_50 {strides = array<i32>} : memref<1x1xf32, #tpu.memory_space<vmem>>, vector<1x1xf32>,
    return
  }
}

module attributes {stable_mosaic.version = 14 : i64} {
  func.func @_tc_dense_body(%arg0: memref<512x4096xf32, #tpu.memory_space<vmem>>, %arg1: memref<512x1xi32, #tpu.memory_space<vmem>>, %arg2: memref<512x512xf32, #tpu.memory_space<vmem>>, %arg3: memref<512x1xf32, #tpu.memory_space<vmem>>) attributes {dimension_semantics = [], scalar_prefetch = 0 : i64, scratch_operands = 0 : i64, tpu.core_type = #tpu.core_type<tc>} {
    %get3A = arith.constant 0 : index
    %get3A_0 = arith.constant 0 : index
    %get3A_1 = vector.load %arg0[%get3A, %get3A_0] : memref<512x4096xf32, #tpu.memory_space<vmem>>, vector<512x4096xf32>
    %reduce_max3A = arith.constant dense<0xFF800000> : vector<512xf32>
    %reduce_max3A_2 = vector.multi_reduction <maximumf>, %get3A_1, %reduce_max3A [1] : vector<512x4096xf32> to vector<512xf32>
    %broadcast_in_dim3A = vector.shape_cast %reduce_max3A_2 : vector<512xf32> to vector<512x1xf32>
    %sub3A = vector.broadcast %broadcast_in_dim3A : vector<512x1xf32> to vector<512x4096xf32>
    %sub3A_3 = arith.subf %get3A_1, %sub3A : vector<512x4096xf32>
    %exp3A = math.exp %sub3A_3 : vector<512x4096xf32>
    %reduce_sum3A = arith.constant dense<0.000000e+00> : vector<512xf32>
    %reduce_sum3A_4 = vector.multi_reduction <add>, %exp3A, %reduce_sum3A [1] : vector<512x4096xf32> to vector<512xf32>
    %broadcast_in_dim3A_5 = vector.shape_cast %reduce_sum3A_4 : vector<512xf32> to vector<512x1xf32>
    %log3A = math.log %broadcast_in_dim3A_5 : vector<512x1xf32>
    %add3A = arith.addf %broadcast_in_dim3A, %log3A : vector<512x1xf32>
    %div3A = vector.broadcast %broadcast_in_dim3A_5 : vector<512x1xf32> to vector<512x4096xf32>
    %div3A_6 = arith.divf %exp3A, %div3A : vector<512x4096xf32>
    %sub3A_7 = vector.broadcast %add3A : vector<512x1xf32> to vector<512x4096xf32>
    %sub3A_8 = arith.subf %get3A_1, %sub3A_7 : vector<512x4096xf32>
    %convert_element_type3A = arith.truncf %sub3A_8 : vector<512x4096xf32> to vector<512x4096xbf16>
    %convert_element_type3A_9 = arith.truncf %div3A_6 : vector<512x4096xf32> to vector<512x4096xbf16>
    %dot_general3A = arith.constant dense<0.000000e+00> : vector<512x512xf32>
    %dot_general3A_10 = tpu.matmul %convert_element_type3A, %convert_element_type3A_9, %dot_general3A {dimension_numbers = #tpu.dot_dimension_numbers<[1], [1], [0], [0], [0, 0, 1, 0], [], []>, transpose_lhs_hint = false} : vector<512x4096xbf16>, vector<512x4096xbf16>, vector<512x512xf32> -> vector<512x512xf32>
    %swap3A = arith.constant 0 : index
    %swap3A_11 = arith.constant 0 : index
    %swap3A_12 = vector.load %arg2[%swap3A, %swap3A_11] : memref<512x512xf32, #tpu.memory_space<vmem>>, vector<512x512xf32>
    tpu.vector_store %arg2[%swap3A, %swap3A_11], %dot_general3A_10 {strides = array<i32>} : memref<512x512xf32, #tpu.memory_space<vmem>>, vector<512x512xf32>,
    %iota3A = tpu.iota {dimensions = array<i32: 1>} : vector<512x4096xi32>
    %get3A_13 = arith.constant 0 : index
    %get3A_14 = arith.constant 0 : index
    %get3A_15 = vector.load %arg1[%get3A_13, %get3A_14] : memref<512x1xi32, #tpu.memory_space<vmem>>, vector<512x1xi32>
    %eq3A = vector.broadcast %get3A_15 : vector<512x1xi32> to vector<512x4096xi32>
    %eq3A_16 = arith.cmpi eq, %iota3A, %eq3A : vector<512x4096xi32>
    %jit3A = arith.constant 0.000000e+00 : f32
    %broadcast_in_dim3A_17 = vector.broadcast %jit3A : f32 to vector<512x4096xf32>
    %select_n3A = arith.select %eq3A_16, %get3A_1, %broadcast_in_dim3A_17 : vector<512x4096xi1>, vector<512x4096xf32>
    %reduce_sum3A_18 = arith.constant dense<0.000000e+00> : vector<512xf32>
    %reduce_sum3A_19 = vector.multi_reduction <add>, %select_n3A, %reduce_sum3A_18 [1] : vector<512x4096xf32> to vector<512xf32>
    %broadcast_in_dim3A_20 = vector.shape_cast %reduce_sum3A_19 : vector<512xf32> to vector<512x1xf32>
    %sub3A_21 = arith.subf %broadcast_in_dim3A_20, %add3A : vector<512x1xf32>
    %swap3A_22 = arith.constant 0 : index
    %swap3A_23 = arith.constant 0 : index
    %swap3A_24 = vector.load %arg3[%swap3A_22, %swap3A_23] : memref<512x1xf32, #tpu.memory_space<vmem>>, vector<512x1xf32>
    tpu.vector_store %arg3[%swap3A_22, %swap3A_23], %sub3A_21 {strides = array<i32>} : memref<512x1xf32, #tpu.memory_space<vmem>>, vector<512x1xf32>,
    return
  }
}

</mosaic_0001>

<sc_bundles>
// kernel: kernel.5.cloned.1.call-start
scs
__scs_entry_jumppad:
0x0: {  	(pc) =	sbr.rel $0x88, $3  }
0x1: {  	(tag) =	ssettag $0x0;
	lr =	simm.s32 $0x1  }
0x2: {  	[smem:$0x3F9D] =	sst lr;
	_ =	strace $0xD0000000  }
0x3: {  	_ = 	snop  }
0x4: {  	_ = 	snop  }
0x5: {  	_ = 	snop  }
0x6: {  	_ = 	snop  }
0x7: {  	_ = 	snop  }
__scs_overlays_trampoline_lowered:
0x8: {  	[smem:$0x3FAC] =	sst s0  }
0x9: {  	[smem:$0x3FAD] =	sst s1  }
0xa: {  	[smem:$0x3FAE] =	sst s2  }
0xb: {  	[smem:$0x3FAF] =	sst s3  }
0xc: {  	[smem:$0x3FB0] =	sst s4  }
0xd: {  	[smem:$0x3FB1] =	sst s5  }
0xe: {  	[smem:$0x3FB2] =	sst s6  }
0xf: {  	[smem:$0x3FB3] =	sst s7  }
0x10: {  	[smem:$0x3FB4] =	sst s8  }
0x11: {  	[smem:$0x3FB5] =	sst s9;
	s0 =	simm.s32 @!p0 $0x0  }
0x12: {  	s1 =	sld [smem:$0x3F9B];
	s0 =	simm.s32 @p0 $0x1  }
0x13: {  	[smem:$0x3FB6] =	sst s0;
	s0 =	simm.s32 @!p1 $0x0  }
0x14: {  	s2 =	sld [smem:$0x3F9A];
	s0 =	simm.s32 @p1 $0x1  }
0x15: {  	[smem:$0x3FB7] =	sst s0;
	s0 =	simm.s32 @!p2 $0x0  }
0x16: {  	s3 =	sld [smem:$0x3FDB];
	s0 =	simm.s32 @p2 $0x1  }
0x17: {  	s4 =	simm.s32 $0x1BF5;
	[smem:$0x3FB9] =	sst s0  }
0x18: {  	s0 =	sld [smem:$0x3F9C];
	_ =	swait.ge [sflag:s4], $0x0  }
0x19: {  	s7 =	sld [smem:$0x3F9D]  }
0x1a: {  	s8 =	sadd.s32 $0xFFFFE003, lr  }
0x1b: {  	s9 =	sadd.s32 $0xFFFFFEF7, lr;
	s5 =	simm.s32 $0xFFFFFFFF;
	p2 =	slt.u32 s8, $0xFFFFF086  }
0x1c: {  	p1 =	slt.u32 s9, $0xF7A;
	s5 =	simm.s32 @!p2 $0x0  }
0x1d: {  	s5 =	simm.s32 @p1 $0x1;
	p0 =	seq.s32 s7, s2  }
0x1e: {  	s7 =	smul.u32 @!p0 $0xF7A, s2;
	p2 =	seq.s32 @!p0 s5, $0x0  }
0x1f: {  	s9 =	smul.u32 $0xF7A, s1;
	s8 =	simm.s32 @!p0 $0x1BF5;
	p2 =	por !p2, p0  }
0x20: {  	[sflag:s8] =	ssyncset.s32 @!p0 $0xFFFFF086;
	s6 =	sadd.s32 @!p0 s3, s7;
	s7 =	simm.s32 @!p0 $0x108  }
0x21: {  	s3 =	sadd.s32 s3, s9;
	s6 =	sadd.s32 @!p0 $0x88, s6;
	s7 =	simm.s32 @p2 $0x1082  }
0x22: {  	[simem:s7], [sflag:s8] =	dma.local @!p0 [hbm:s6], $0xF7A  }
0x23: {  	s9 =	sor.u32 $0xD0000000, s2;
	s6 =	simm.s32 $0x108;
	_ =	swait.ge @!p0 [sflag:s8], $0x0  }
0x24: {  	s3 =	sadd.s32 $0x88, s3;
	s6 =	simm.s32 @!p1 $0x1082;
	[sflag:s4] =	ssyncset.s32 $0xFFFFF086  }
0x25: {  	[simem:s6], [sflag:s4] =	dma.local [hbm:s3], $0xF7A  }
0x26: {  	[smem:$0x3F9D] =	sst s1;
	(tag) =	ssettag s2;
	_ =	strace s9  }
0x27: {  	s1 =	sld [smem:$0x3FAD]  }
0x28: {  	s2 =	sld [smem:$0x3FAE]  }
0x29: {  	s4 =	sld [smem:$0x3FB0]  }
0x2a: {  	p0 =	seq.s32 s5, $0x0;
	s5 =	sld [smem:$0x3FB1]  }
0x2b: {  	s6 =	sld [smem:$0x3FB2]  }
0x2c: {  	s7 =	sld [smem:$0x3FB3]  }
0x2d: {  	s3 =	simm.s32 $0x108;
	s8 =	sld [smem:$0x3FB4]  }
0x2e: {  	s3 =	simm.s32 @!p0 $0x1082;
	s9 =	sld [smem:$0x3FB5]  }
0x2f: {  	lr =	sadd.s32 s0, s3;
	s0 =	sld [smem:$0x3FAC]  }
0x30: {  	s3 =	sld [smem:$0x3FAF]  }
0x31: {  	[smem:$0x3FB8] =	sst s10  }
0x32: {  	s10 =	sld [smem:$0x3FB6];
	_ =	sdelay $0x3  }
0x33: {  	p0 =	seq.s32 s10, $0x1;
	s10 =	sld [smem:$0x3FB8];
	_ =	sdelay $0x3  }
0x34: {  	[smem:$0x3FB8] =	sst s10  }
0x35: {  	s10 =	sld [smem:$0x3FB7];
	_ =	sdelay $0x3  }
0x36: {  	p1 =	seq.s32 s10, $0x1;
	s10 =	sld [smem:$0x3FB8];
	_ =	sdelay $0x3  }
0x37: {  	[smem:$0x3FB8] =	sst s10  }
0x38: {  	s10 =	sld [smem:$0x3FB9]  }
0x39: {  	_ = 	snop;
	(pc) =	sbr.ind lr, $3  }
0x3a: {  	_ = 	snop  }
0x3b: {  	_ = 	snop  }
0x3c: {  	p2 =	seq.s32 s10, $0x1;
	s10 =	sld [smem:$0x3FB8]  }
0x3d: {  	_ =	shalt  }
0x3e: {  	_ =	shalt  }
0x3f: {  	_ =	shalt  }
0x40: {  	_ =	shalt  }
0x41: {  	_ =	shalt  }
0x42: {  	_ =	shalt  }
0x43: {  	_ =	shalt  }
0x44: {  	_ =	shalt  }
0x45: {  	_ =	shalt  }
0x46: {  	_ =	shalt  }
0x47: {  	_ =	shalt  }
0x48: {  	_ =	shalt  }
0x49: {  	_ =	shalt  }
0x4a: {  	_ =	shalt  }
0x4b: {  	_ =	shalt  }
0x4c: {  	_ =	shalt  }
0x4d: {  	_ =	shalt  }
0x4e: {  	_ =	shalt  }
0x4f: {  	_ =	shalt  }
0x50: {  	_ =	shalt  }
0x51: {  	_ =	shalt  }
0x52: {  	_ =	shalt  }
0x53: {  	_ =	shalt  }
0x54: {  	_ =	shalt  }
0x55: {  	_ =	shalt  }
0x56: {  	_ =	shalt  }
0x57: {  	_ =	shalt  }
0x58: {  	_ =	shalt  }
0x59: {  	_ =	shalt  }
0x5a: {  	_ =	shalt  }
0x5b: {  	_ =	shalt  }
0x5c: {  	_ =	shalt  }
0x5d: {  	_ =	shalt  }
0x5e: {  	_ =	shalt  }
0x5f: {  	_ =	shalt  }
0x60: {  	_ =	shalt  }
0x61: {  	_ =	shalt  }
0x62: {  	_ =	shalt  }
0x63: {  	_ =	shalt  }
0x64: {  	_ =	shalt  }
0x65: {  	_ =	shalt  }
0x66: {  	_ =	shalt  }
0x67: {  	_ =	shalt  }
0x68: {  	_ =	shalt  }
0x69: {  	_ =	shalt  }
0x6a: {  	_ =	shalt  }
0x6b: {  	_ =	shalt  }
0x6c: {  	_ =	shalt  }
0x6d: {  	_ =	shalt  }
0x6e: {  	_ =	shalt  }
0x6f: {  	_ =	shalt  }
0x70: {  	_ =	shalt  }
0x71: {  	_ =	shalt  }
0x72: {  	_ =	shalt  }
0x73: {  	_ =	shalt  }
0x74: {  	_ =	shalt  }
0x75: {  	_ =	shalt  }
0x76: {  	_ =	shalt  }
0x77: {  	_ =	shalt  }
0x78: {  	_ =	shalt  }
0x79: {  	_ =	shalt  }
0x7a: {  	_ =	shalt  }
0x7b: {  	_ =	shalt  }
0x7c: {  	_ =	shalt  }
0x7d: {  	_ =	shalt  }
0x7e: {  	_ =	shalt  }
0x7f: {  	_ =	shalt  }
0x80: {  	_ =	shalt  }
0x81: {  	_ =	shalt  }
0x82: {  	_ =	shalt  }
0x83: {  	_ =	shalt  }
0x84: {  	_ =	shalt  }
0x85: {  	_ =	shalt  }
0x86: {  	_ =	shalt  }
0x87: {  	_ =	shalt  }
.Lfunc_end0:
.L_simem_size_0:
called_computation_lowered:
.L_overlay_start_0:
0x88: {  	s2 =	sld [smem:$0x3FD9]  }
0x89: {  	s3 =	sld [smem:$0x3FFE];
	_ =	sdelay $0x1  }
0x8a: {  	s1 =	srdreg.scid  }
0x8b: {  	s0 =	sand.u32 $0x1, s1  }
0x8c: {  	s17 =	sshll.u32 s0, $0xA;
	s2 =	sadd.s32 s3, s2  }
0x8d: {  	s2 =	sadd.s32 s2, s17  }
0x8e: {  	[smem:$0x3FC4] =	sst s2  }
0x8f: {  	_ = 	snop  }
0x90: {  	s2 =	sld [smem:$0x3FC7]  }
0x91: {  	s18 =	sld [smem:$0x3FC6];
	(tm) =	ssettm $0x1  }
0x92: {  	s4 =	sld [smem:$0x3FFB];
	_ =	sdelay $0x3  }
0x93: {  	_ =	strace s4  }
0x94: {  	s4 =	sld [smem:$0x3FFC];
	_ =	sdelay $0x3  }
0x95: {  	_ =	strace s4  }
0x96: {  	s4 =	sld [smem:$0x3FFD];
	_ =	sdelay $0x3  }
0x97: {  	_ =	strace s4  }
0x98: {  	_ =	strace $0x8FFFFFFF  }
0x99: {  	s19 =	sld [smem:$0x3FDB];
	_ =	sdelay $0x1  }
0x9a: {  	s5 =	simm.s32 $_scs_section_size  }
0x9b: {  	s6 =	simm.s32 $_size__tile_overlayer_lowered;
	s7 =	simm.s32 $_tile_overlayer_lowered  }
0x9c: {  	s22 =	simm.s32 $0x1BFF;
	s21 =	sshll.u32 s7, $0x1;
	s4 =	sadd.s32 s5, s19  }
0x9d: {  	s8 =	simm.s32 $0x0;
	s20 =	sshll.u32 s6, $0x1;
	s6 =	sadd.s32 s21, s4  }
0x9e: {  	[timem:s8], [sflag:s22] =	dma.local [hbm:s6], s20  }
0x9f: {  	_ =	swait.ge [sflag:s22], s20  }
0xa0: {  	s5 =	ssub.s32 $0x0, s20;
	[sflag:s22] =	ssyncset.done $0x0  }
0xa1: {  	[sflag:s22] =	ssyncadd.s32 s5;
	_ =	sdelay $0x1  }
0xa2: {  	s23 =	simm.s32 $0x1B8B  }
0xa3: {  	_ =	swait.ge [sflag:s23], $0x1  }
0xa4: {  	[sflag:s23] =	ssyncset.done $0x0  }
0xa5: {  	s25 =	simm.s32 $0x1B8E;
	s24 =	sld [smem:$0x3FFE];
	[sflag:s23] =	ssyncadd.s32 $0xFFFFFFFF  }
0xa6: {  	s26 =	simm.s32 $execute0_lowered;
	[smem:$0x3FD2] =	sst s25  }
0xa7: {  	s6 =	sshll.u32 s26, $0x1;
	_ =	strace $0x80000046;
	[dreg:$0x1] =	wrdreg $0xFFFFFFFF  }
0xa8: {  	s28 =	simm.s32 $_size_execute0_lowered;
	s4 =	sadd.s32 s4, s6;
	[dreg:$0x0] =	wrdreg $0x0  }
0xa9: {  	s6 =	sshll.u32 s28, $0x1;
	[dreg:$0x2] =	wrdreg s4  }
0xaa: {  	[dreg:$0x3] =	wrdreg s6  }
0xab: {  	[dreg:$0x4] =	wrdreg $0xC0  }
0xac: {  	_ =	task [dreg:s8], $0x5FFFF  }
0xad: {  	[dreg:$0x1] =	wrdreg $0xFFFFFFFF  }
0xae: {  	[dreg:$0x0] =	wrdreg $0x60  }
0xaf: {  	[dreg:$0x2] =	wrdreg s18  }
0xb0: {  	[dreg:$0x3] =	wrdreg s2  }
0xb1: {  	[dreg:$0x4] =	wrdreg s24  }
0xb2: {  	[dreg:$0x5] =	wrdreg $0x142800  }
0xb3: {  	[dreg:$0x6] =	wrdreg $0x9  }
0xb4: {  	_ =	task.clear_ibuf [dreg:s8], $0x7FFFF;
	_ =	strace $0x90000046  }
0xb5: {  	s29 =	simm.s32 $0x9;
	_ =	strace $0x80000048  }
0xb6: {  	_ =	swait.ge [sflag:s29], $0x1  }
0xb7: {  	[sflag:s29] =	ssyncadd.s32 $0xFFFFFFFF  }
0xb8: {  	_ =	strace $0x90000048  }
0xb9: {  	_ =	sfence  }
0xba: {  	s30 =	sld [smem:$0x0];
	_ =	sdelay $0x2  }
0xbb: {  	s31 =	sshll.u32 s1, $0xD;
	s1 =	sshrl.u32 s1, $0x2  }
0xbc: {  	s3 =	sand.u32 $0x4000, s31;
	s1 =	sadd.s32 s1, s30  }
0xbd: {  	s0 =	sor.u32 s3, s0;
	s1 =	sshll.u32 s1, $0x11  }
0xbe: {  	s0 =	sor.u32 s1, s0  }
0xbf: {  	s0 =	sadd.s32 $0x8F2B, s0  }
0xc0: {  	[sflag:s0] =	ssyncadd.remote.s32 $0x1  }
0xc1: {  	_ =	sfence.sel $0xFFFF  }
0xc2: {  	[dreg:$0x0] =	wrdreg $0xFFFFFFFF;
	(pc) =	sbr.abs _section_cstart, $3  }
0xc3: {  	[dreg:$0x1] =	wrdreg $0xFFFFFFFF  }
0xc4: {  	_ =	task.clear_ibuf [dreg:s8], $0x2FFFF;
	_ =	strace $0x9FFFFFFF  }
0xc5: {  	(tm) =	ssettm $0x7FFFFFFF  }
tec
execute0_lowered:
.L_overlay_start_1:
0x0: {  	(tag) =	ssettag $0x1  }
0x1: {  	s6 =	rddreg [dreg:$0x0]  }
0x2: {  	s7 =	rddreg [dreg:$0x1]  }
0x3: {  	s0 =	rddreg [dreg:$0x2]  }
0x4: {  	s9 =	rddreg [dreg:$0x3];
	s5 =	simm.s32 $0x0  }
0x5: {  	[smem:$0x7FF] =	sst s5;
	s29 =	sadd.s32 $0x100, s6  }
0x6: {  	s30 =	sadd.s32 $0x200, s6;
	_ =	strace $0x80000047;
	[dreg:$0x6] =	wrdreg s29  }
0x7: {  	s31 =	sadd.s32 $0x300, s6;
	[dreg:$0x7] =	wrdreg s30  }
0x8: {  	s10 =	sadd.s32 $0x700, s6;
	[dreg:$0x8] =	wrdreg s31  }
0x9: {  	s11 =	sadd.s32 $0x800, s6;
	[dreg:$0xc] =	wrdreg s10  }
0xa: {  	s12 =	sadd.s32 $0x900, s6;
	[dreg:$0xd] =	wrdreg s11  }
0xb: {  	s1 =	srdreg.scid;
	s13 =	sadd.s32 $0xA00, s6;
	[dreg:$0xe] =	wrdreg s12  }
0xc: {  	s8 =	stileid.u32;
	s14 =	sadd.s32 $0xB00, s6;
	[dreg:$0xf] =	wrdreg s13  }
0xd: {  	s1 =	sand.u32 $0x1, s1;
	s15 =	sadd.s32 $0xC00, s6;
	[dreg:$0x10] =	wrdreg s14  }
0xe: {  	s2 =	sshll.u32 s8, $0x1;
	s16 =	sadd.s32 $0xD00, s6;
	[dreg:$0x11] =	wrdreg s15  }
0xf: {  	s17 =	sadd.s32 $0xE00, s6;
	s22 =	sadd.s32 $0xF00, s6;
	[dreg:$0x12] =	wrdreg s16  }
0x10: {  	s2 =	sor.u32 s1, s2;
	s1 =	ssub.s32 $0x2, s1;
	[dreg:$0x13] =	wrdreg s17  }
0x11: {  	s29 =	sshll.u32 s8, $0xF;
	s3 =	sshll.u32 s2, $0xA;
	s2 =	sshll.u32 s2, $0x1  }
0x12: {  	[dreg:$0x19] =	wrdreg s22;
	s4 =	sshrl.u32 s1, $0x1;
	s2 =	sadd.s32 s7, s2  }
0x13: {  	s0 =	sadd.s32 s3, s0;
	s3 =	sadd.s32 $0x400, s6;
	[dreg:$0x5] =	wrdreg s2  }
0x14: {  	s1 =	ssub.s32 s1, s4;
	s4 =	sadd.s32 $0x500, s6;
	[dreg:$0x9] =	wrdreg s3  }
0x15: {  	s15 =	sor.u32 $0x5000, s29;
	s7 =	sadd.s32 $0x600, s6;
	[dreg:$0xa] =	wrdreg s4  }
0x16: {  	s13 =	sor.u32 $0x7000, s29;
	s6 =	sadd.s32 s15, s9;
	[dreg:$0xb] =	wrdreg s7  }
0x17: {  	s10 =	sadd.s32 s13, s9;
	[dreg:$0x1f] =	wrdreg s6  }
0x18: {  	s18 =	sadd.s32 $0xE00, s0;
	[smem:$0x7FC] =	sst s10  }
0x19: {  	s19 =	sadd.s32 $0xF00, s0;
	[dreg:$0x14] =	wrdreg s18  }
0x1a: {  	s20 =	sadd.s32 $0x1000, s0;
	[dreg:$0x15] =	wrdreg s19  }
0x1b: {  	s0 =	sadd.s32 $0x1100, s0;
	[dreg:$0x16] =	wrdreg s20  }
0x1c: {  	s25 =	sor.u32 $0x2000, s29;
	s21 =	smax.u32 s1, $0x1;
	[dreg:$0x17] =	wrdreg s0  }
0x1d: {  	s28 =	sor.u32 $0x3000, s29;
	s2 =	sadd.s32 s25, s9;
	[dreg:$0x18] =	wrdreg s21  }
0x1e: {  	s14 =	sor.u32 $0x4000, s29;
	s3 =	sadd.s32 s28, s9;
	[dreg:$0x1c] =	wrdreg s2  }
0x1f: {  	s11 =	sor.u32 $0x6000, s29;
	s4 =	sadd.s32 s14, s9;
	[dreg:$0x1d] =	wrdreg s3  }
0x20: {  	s7 =	sadd.s32 s11, s9;
	[dreg:$0x1e] =	wrdreg s4  }
0x21: {  	s0 =	sadd.s32 s29, s9;
	[smem:$0x7DC] =	sst s7  }
0x22: {  	s23 =	sadd.s32 $0x80, s0;
	[dreg:$0x1a] =	wrdreg s0  }
0x23: {  	s24 =	sadd.s32 $0x100, s0;
	[smem:$0x704] =	sst s23  }
0x24: {  	s26 =	sadd.s32 $0x180, s0;
	[smem:$0x705] =	sst s24  }
0x25: {  	s30 =	sadd.s32 $0x200, s0;
	[smem:$0x706] =	sst s26  }
0x26: {  	s18 =	sor.u32 $0x1000, s29;
	s31 =	sadd.s32 $0x280, s0;
	[smem:$0x707] =	sst s30  }
0x27: {  	s1 =	sadd.s32 s18, s9;
	s9 =	sadd.s32 $0x300, s0;
	[smem:$0x708] =	sst s31  }
0x28: {  	s12 =	sadd.s32 $0x380, s0;
	[smem:$0x709] =	sst s9  }
0x29: {  	s16 =	sadd.s32 $0x400, s0;
	[smem:$0x70A] =	sst s12  }
0x2a: {  	s17 =	sadd.s32 $0x480, s0;
	[smem:$0x70B] =	sst s16  }
0x2b: {  	s19 =	sadd.s32 $0x500, s0;
	[smem:$0x70C] =	sst s17  }
0x2c: {  	s20 =	sadd.s32 $0x580, s0;
	[smem:$0x70D] =	sst s19  }
0x2d: {  	s21 =	sadd.s32 $0x600, s0;
	[smem:$0x70E] =	sst s20  }
0x2e: {  	s22 =	sadd.s32 $0x680, s0;
	[smem:$0x70F] =	sst s21  }
0x2f: {  	[smem:$0x710] =	sst s22  }
0x30: {  	s23 =	sadd.s32 $0x700, s0;
	[dreg:$0x1b] =	wrdreg s1  }
0x31: {  	s24 =	sadd.s32 $0x780, s0;
	[smem:$0x711] =	sst s23  }
0x32: {  	s26 =	sadd.s32 $0x800, s0;
	[smem:$0x712] =	sst s24  }
0x33: {  	s30 =	sadd.s32 $0x880, s0;
	[smem:$0x713] =	sst s26  }
0x34: {  	s31 =	sadd.s32 $0x900, s0;
	[smem:$0x714] =	sst s30  }
0x35: {  	s9 =	sadd.s32 $0x980, s0;
	[smem:$0x715] =	sst s31  }
0x36: {  	s12 =	sadd.s32 $0xA00, s0;
	[smem:$0x716] =	sst s9  }
0x37: {  	s16 =	sadd.s32 $0xA80, s0;
	[smem:$0x717] =	sst s12  }
0x38: {  	s17 =	sadd.s32 $0xB00, s0;
	[smem:$0x718] =	sst s16  }
0x39: {  	s19 =	sadd.s32 $0xB80, s0;
	[smem:$0x719] =	sst s17  }
0x3a: {  	s20 =	sadd.s32 $0xC00, s0;
	[smem:$0x71A] =	sst s19  }
0x3b: {  	s21 =	sadd.s32 $0xC80, s0;
	[smem:$0x71B] =	sst s20  }
0x3c: {  	s22 =	sadd.s32 $0xD00, s0;
	[smem:$0x71C] =	sst s21  }
0x3d: {  	s8 =	sadd.s32 $0x100, s1;
	[smem:$0x71D] =	sst s22  }
0x3e: {  	s23 =	sadd.s32 $0xD80, s0;
	[smem:$0x724] =	sst s8  }
0x3f: {  	s24 =	sadd.s32 $0xE00, s0;
	[smem:$0x71E] =	sst s23  }
0x40: {  	s26 =	sadd.s32 $0xE80, s0;
	[smem:$0x71F] =	sst s24  }
0x41: {  	s30 =	sadd.s32 $0xF00, s0;
	[smem:$0x720] =	sst s26  }
0x42: {  	s0 =	sadd.s32 $0xF80, s0;
	[smem:$0x721] =	sst s30  }
0x43: {  	s31 =	sadd.s32 $0x80, s1;
	[smem:$0x722] =	sst s0  }
0x44: {  	s9 =	sadd.s32 $0x180, s1;
	[smem:$0x723] =	sst s31  }
0x45: {  	s12 =	sadd.s32 $0x200, s1;
	[smem:$0x725] =	sst s9  }
0x46: {  	s16 =	sadd.s32 $0x280, s1;
	[smem:$0x726] =	sst s12  }
0x47: {  	s17 =	sadd.s32 $0x300, s1;
	[smem:$0x727] =	sst s16  }
0x48: {  	s19 =	sadd.s32 $0x380, s1;
	[smem:$0x728] =	sst s17  }
0x49: {  	s20 =	sadd.s32 $0x400, s1;
	[smem:$0x729] =	sst s19  }
0x4a: {  	s21 =	sadd.s32 $0x480, s1;
	[smem:$0x72A] =	sst s20  }
0x4b: {  	s22 =	sadd.s32 $0x500, s1;
	[smem:$0x72B] =	sst s21  }
0x4c: {  	s8 =	sadd.s32 $0x800, s1;
	[smem:$0x72C] =	sst s22  }
0x4d: {  	s23 =	sadd.s32 $0x580, s1;
	[smem:$0x732] =	sst s8  }
0x4e: {  	s24 =	sadd.s32 $0x600, s1;
	[smem:$0x72D] =	sst s23  }
0x4f: {  	s26 =	sadd.s32 $0x680, s1;
	[smem:$0x72E] =	sst s24  }
0x50: {  	s30 =	sadd.s32 $0x700, s1;
	[smem:$0x72F] =	sst s26  }
0x51: {  	s31 =	sadd.s32 $0x780, s1;
	[smem:$0x730] =	sst s30  }
0x52: {  	s9 =	sadd.s32 $0x880, s1;
	[smem:$0x731] =	sst s31  }
0x53: {  	s12 =	sadd.s32 $0x900, s1;
	[smem:$0x733] =	sst s9  }
0x54: {  	s16 =	sadd.s32 $0x980, s1;
	[smem:$0x734] =	sst s12  }
0x55: {  	s17 =	sadd.s32 $0xA00, s1;
	[smem:$0x735] =	sst s16  }
0x56: {  	s19 =	sadd.s32 $0xA80, s1;
	[smem:$0x736] =	sst s17  }
0x57: {  	s20 =	sadd.s32 $0xB00, s1;
	[smem:$0x737] =	sst s19  }
0x58: {  	s21 =	sadd.s32 $0xB80, s1;
	[smem:$0x738] =	sst s20  }
0x59: {  	s22 =	sadd.s32 $0xC00, s1;
	[smem:$0x739] =	sst s21  }
0x5a: {  	s8 =	sadd.s32 $0xF00, s1;
	[smem:$0x73A] =	sst s22  }
0x5b: {  	s23 =	sadd.s32 $0xC80, s1;
	[smem:$0x740] =	sst s8  }
0x5c: {  	s24 =	sadd.s32 $0xD00, s1;
	[smem:$0x73B] =	sst s23  }
0x5d: {  	s26 =	sadd.s32 $0xD80, s1;
	[smem:$0x73C] =	sst s24  }
0x5e: {  	s30 =	sadd.s32 $0xE00, s1;
	[smem:$0x73D] =	sst s26  }
0x5f: {  	s31 =	sadd.s32 $0xE80, s1;
	[smem:$0x73E] =	sst s30  }
0x60: {  	s9 =	sadd.s32 $0xF80, s1;
	[smem:$0x73F] =	sst s31  }
0x61: {  	s12 =	sadd.s32 $0x80, s2;
	[smem:$0x741] =	sst s9  }
0x62: {  	s16 =	sadd.s32 $0x100, s2;
	[smem:$0x742] =	sst s12  }
0x63: {  	s17 =	sadd.s32 $0x180, s2;
	[smem:$0x743] =	sst s16  }
0x64: {  	s19 =	sadd.s32 $0x200, s2;
	[smem:$0x744] =	sst s17  }
0x65: {  	s20 =	sadd.s32 $0x280, s2;
	[smem:$0x745] =	sst s19  }
0x66: {  	s21 =	sadd.s32 $0x300, s2;
	[smem:$0x746] =	sst s20  }
0x67: {  	s22 =	sadd.s32 $0x380, s2;
	[smem:$0x747] =	sst s21  }
0x68: {  	s1 =	sadd.s32 $0x680, s2;
	[smem:$0x748] =	sst s22  }
0x69: {  	s8 =	sadd.s32 $0x700, s2;
	[smem:$0x74E] =	sst s1  }
0x6a: {  	s23 =	sadd.s32 $0x400, s2;
	[smem:$0x74F] =	sst s8  }
0x6b: {  	s24 =	sadd.s32 $0x480, s2;
	[smem:$0x749] =	sst s23  }
0x6c: {  	s26 =	sadd.s32 $0x500, s2;
	[smem:$0x74A] =	sst s24  }
0x6d: {  	s30 =	sadd.s32 $0x580, s2;
	[smem:$0x74B] =	sst s26  }
0x6e: {  	s31 =	sadd.s32 $0x600, s2;
	[smem:$0x74C] =	sst s30  }
0x6f: {  	s9 =	sadd.s32 $0x780, s2;
	[smem:$0x74D] =	sst s31  }
0x70: {  	s12 =	sadd.s32 $0x800, s2;
	[smem:$0x750] =	sst s9  }
0x71: {  	s16 =	sadd.s32 $0x880, s2;
	[smem:$0x751] =	sst s12  }
0x72: {  	s17 =	sadd.s32 $0x900, s2;
	[smem:$0x752] =	sst s16  }
0x73: {  	s19 =	sadd.s32 $0x980, s2;
	[smem:$0x753] =	sst s17  }
0x74: {  	s20 =	sadd.s32 $0xA00, s2;
	[smem:$0x754] =	sst s19  }
0x75: {  	s21 =	sadd.s32 $0xA80, s2;
	[smem:$0x755] =	sst s20  }
0x76: {  	s22 =	sadd.s32 $0xB00, s2;
	[smem:$0x756] =	sst s21  }
0x77: {  	s1 =	sadd.s32 $0xE00, s2;
	[smem:$0x757] =	sst s22  }
0x78: {  	s8 =	sadd.s32 $0xE80, s2;
	[smem:$0x75D] =	sst s1  }
0x79: {  	s23 =	sadd.s32 $0xB80, s2;
	[smem:$0x75E] =	sst s8  }
0x7a: {  	s24 =	sadd.s32 $0xC00, s2;
	[smem:$0x758] =	sst s23  }
0x7b: {  	s26 =	sadd.s32 $0xC80, s2;
	[smem:$0x759] =	sst s24  }
0x7c: {  	s30 =	sadd.s32 $0xD00, s2;
	[smem:$0x75A] =	sst s26  }
0x7d: {  	s31 =	sadd.s32 $0xD80, s2;
	[smem:$0x75B] =	sst s30  }
0x7e: {  	s9 =	sadd.s32 $0xF00, s2;
	[smem:$0x75C] =	sst s31  }
0x7f: {  	s12 =	sadd.s32 $0xF80, s2;
	[smem:$0x75F] =	sst s9  }
0x80: {  	s16 =	sadd.s32 $0x80, s3;
	[smem:$0x760] =	sst s12  }
0x81: {  	s17 =	sadd.s32 $0x100, s3;
	[smem:$0x761] =	sst s16  }
0x82: {  	s19 =	sadd.s32 $0x180, s3;
	[smem:$0x762] =	sst s17  }
0x83: {  	s20 =	sadd.s32 $0x200, s3;
	[smem:$0x763] =	sst s19  }
0x84: {  	s21 =	sadd.s32 $0x280, s3;
	[smem:$0x764] =	sst s20  }
0x85: {  	s22 =	sadd.s32 $0x300, s3;
	[smem:$0x765] =	sst s21  }
0x86: {  	s1 =	sadd.s32 $0x600, s3;
	[smem:$0x766] =	sst s22  }
0x87: {  	s2 =	sadd.s32 $0x680, s3;
	[smem:$0x76C] =	sst s1  }
0x88: {  	s8 =	sadd.s32 $0x700, s3;
	[smem:$0x76D] =	sst s2  }
0x89: {  	s23 =	sadd.s32 $0x380, s3;
	[smem:$0x76E] =	sst s8  }
0x8a: {  	s24 =	sadd.s32 $0x400, s3;
	[smem:$0x767] =	sst s23  }
0x8b: {  	s26 =	sadd.s32 $0x480, s3;
	[smem:$0x768] =	sst s24  }
0x8c: {  	s30 =	sadd.s32 $0x500, s3;
	[smem:$0x769] =	sst s26  }
0x8d: {  	s31 =	sadd.s32 $0x580, s3;
	[smem:$0x76A] =	sst s30  }
0x8e: {  	s9 =	sadd.s32 $0x780, s3;
	[smem:$0x76B] =	sst s31  }
0x8f: {  	s12 =	sadd.s32 $0x800, s3;
	[smem:$0x76F] =	sst s9  }
0x90: {  	s16 =	sadd.s32 $0x880, s3;
	[smem:$0x770] =	sst s12  }
0x91: {  	s17 =	sadd.s32 $0x900, s3;
	[smem:$0x771] =	sst s16  }
0x92: {  	s19 =	sadd.s32 $0x980, s3;
	[smem:$0x772] =	sst s17  }
0x93: {  	s20 =	sadd.s32 $0xA00, s3;
	[smem:$0x773] =	sst s19  }
0x94: {  	s21 =	sadd.s32 $0xA80, s3;
	[smem:$0x774] =	sst s20  }
0x95: {  	s22 =	sadd.s32 $0xB00, s3;
	[smem:$0x775] =	sst s21  }
0x96: {  	s1 =	sadd.s32 $0xE00, s3;
	[smem:$0x776] =	sst s22  }
0x97: {  	s2 =	sadd.s32 $0xE80, s3;
	[smem:$0x77C] =	sst s1  }
0x98: {  	s8 =	sadd.s32 $0xF00, s3;
	[smem:$0x77D] =	sst s2  }
0x99: {  	s23 =	sadd.s32 $0xB80, s3;
	[smem:$0x77E] =	sst s8  }
0x9a: {  	s24 =	sadd.s32 $0xC00, s3;
	[smem:$0x777] =	sst s23  }
0x9b: {  	s26 =	sadd.s32 $0xC80, s3;
	[smem:$0x778] =	sst s24  }
0x9c: {  	s30 =	sadd.s32 $0xD00, s3;
	[smem:$0x779] =	sst s26  }
0x9d: {  	s31 =	sadd.s32 $0xD80, s3;
	[smem:$0x77A] =	sst s30  }
0x9e: {  	s9 =	sadd.s32 $0xF80, s3;
	[smem:$0x77B] =	sst s31  }
0x9f: {  	s12 =	sadd.s32 $0x80, s4;
	[smem:$0x77F] =	sst s9  }
0xa0: {  	s16 =	sadd.s32 $0x100, s4;
	[smem:$0x780] =	sst s12  }
0xa1: {  	s17 =	sadd.s32 $0x180, s4;
	[smem:$0x781] =	sst s16  }
0xa2: {  	s19 =	sadd.s32 $0x200, s4;
	[smem:$0x782] =	sst s17  }
0xa3: {  	s20 =	sadd.s32 $0x280, s4;
	[smem:$0x783] =	sst s19  }
0xa4: {  	s21 =	sadd.s32 $0x300, s4;
	[smem:$0x784] =	sst s20  }
0xa5: {  	s22 =	sadd.s32 $0x380, s4;
	[smem:$0x785] =	sst s21  }
0xa6: {  	s1 =	sadd.s32 $0x680, s4;
	[smem:$0x786] =	sst s22  }
0xa7: {  	s2 =	sadd.s32 $0x700, s4;
	[smem:$0x78C] =	sst s1  }
0xa8: {  	s3 =	sadd.s32 $0x780, s4;
	[smem:$0x78D] =	sst s2  }
0xa9: {  	s8 =	sadd.s32 $0x800, s4;
	[smem:$0x78E] =	sst s3  }
0xaa: {  	s23 =	sadd.s32 $0x400, s4;
	[smem:$0x78F] =	sst s8  }
0xab: {  	s24 =	sadd.s32 $0x480, s4;
	[smem:$0x787] =	sst s23  }
0xac: {  	s26 =	sadd.s32 $0x500, s4;
	[smem:$0x788] =	sst s24  }
0xad: {  	s30 =	sadd.s32 $0x580, s4;
	[smem:$0x789] =	sst s26  }
0xae: {  	s31 =	sadd.s32 $0x600, s4;
	[smem:$0x78A] =	sst s30  }
0xaf: {  	s9 =	sadd.s32 $0x880, s4;
	[smem:$0x78B] =	sst s31  }
0xb0: {  	s12 =	sadd.s32 $0x900, s4;
	[smem:$0x790] =	sst s9  }
0xb1: {  	s16 =	sadd.s32 $0x980, s4;
	[smem:$0x791] =	sst s12  }
0xb2: {  	s17 =	sadd.s32 $0xA00, s4;
	[smem:$0x792] =	sst s16  }
0xb3: {  	s19 =	sadd.s32 $0xA80, s4;
	[smem:$0x793] =	sst s17  }
0xb4: {  	s20 =	sadd.s32 $0xB00, s4;
	[smem:$0x794] =	sst s19  }
0xb5: {  	s21 =	sadd.s32 $0xB80, s4;
	[smem:$0x795] =	sst s20  }
0xb6: {  	s22 =	sadd.s32 $0xC00, s4;
	[smem:$0x796] =	sst s21  }
0xb7: {  	s1 =	sadd.s32 $0xF00, s4;
	[smem:$0x797] =	sst s22  }
0xb8: {  	s2 =	sadd.s32 $0xF80, s4;
	[smem:$0x79D] =	sst s1  }
0xb9: {  	s3 =	sadd.s32 $0x80, s6;
	[smem:$0x79E] =	sst s2  }
0xba: {  	s8 =	sadd.s32 $0x180, s6;
	[smem:$0x79F] =	sst s3  }
0xbb: {  	s23 =	sadd.s32 $0xC80, s4;
	[smem:$0x7A1] =	sst s8  }
0xbc: {  	s24 =	sadd.s32 $0xD00, s4;
	[smem:$0x798] =	sst s23  }
0xbd: {  	s26 =	sadd.s32 $0xD80, s4;
	[smem:$0x799] =	sst s24  }
0xbe: {  	s30 =	sadd.s32 $0xE00, s4;
	[smem:$0x79A] =	sst s26  }
0xbf: {  	s31 =	sadd.s32 $0xE80, s4;
	[smem:$0x79B] =	sst s30  }
0xc0: {  	s4 =	sadd.s32 $0x100, s6;
	[smem:$0x79C] =	sst s31  }
0xc1: {  	s9 =	sadd.s32 $0x200, s6;
	[smem:$0x7A0] =	sst s4  }
0xc2: {  	s12 =	sadd.s32 $0x280, s6;
	[smem:$0x7A2] =	sst s9  }
0xc3: {  	s16 =	sadd.s32 $0x300, s6;
	[smem:$0x7A3] =	sst s12  }
0xc4: {  	s17 =	sadd.s32 $0x380, s6;
	[smem:$0x7A4] =	sst s16  }
0xc5: {  	s19 =	sadd.s32 $0x400, s6;
	[smem:$0x7A5] =	sst s17  }
0xc6: {  	s20 =	sadd.s32 $0x480, s6;
	[smem:$0x7A6] =	sst s19  }
0xc7: {  	s21 =	sadd.s32 $0x500, s6;
	[smem:$0x7A7] =	sst s20  }
0xc8: {  	s22 =	sadd.s32 $0x580, s6;
	[smem:$0x7A8] =	sst s21  }
0xc9: {  	s1 =	sadd.s32 $0x880, s6;
	[smem:$0x7A9] =	sst s22  }
0xca: {  	s2 =	sadd.s32 $0x900, s6;
	[smem:$0x7AF] =	sst s1  }
0xcb: {  	s3 =	sadd.s32 $0x980, s6;
	[smem:$0x7B0] =	sst s2  }
0xcc: {  	s8 =	sadd.s32 $0xA80, s6;
	[smem:$0x7B1] =	sst s3  }
0xcd: {  	s23 =	sadd.s32 $0x600, s6;
	[smem:$0x7B3] =	sst s8  }
0xce: {  	s24 =	sadd.s32 $0x680, s6;
	[smem:$0x7AA] =	sst s23  }
0xcf: {  	s26 =	sadd.s32 $0x700, s6;
	[smem:$0x7AB] =	sst s24  }
0xd0: {  	s30 =	sadd.s32 $0x780, s6;
	[smem:$0x7AC] =	sst s26  }
0xd1: {  	s31 =	sadd.s32 $0x800, s6;
	[smem:$0x7AD] =	sst s30  }
0xd2: {  	s4 =	sadd.s32 $0xA00, s6;
	[smem:$0x7AE] =	sst s31  }
0xd3: {  	s9 =	sadd.s32 $0xB00, s6;
	[smem:$0x7B2] =	sst s4  }
0xd4: {  	s12 =	sadd.s32 $0xB80, s6;
	[smem:$0x7B4] =	sst s9  }
0xd5: {  	s16 =	sadd.s32 $0xC00, s6;
	[smem:$0x7B5] =	sst s12  }
0xd6: {  	s17 =	sadd.s32 $0xC80, s6;
	[smem:$0x7B6] =	sst s16  }
0xd7: {  	s19 =	sadd.s32 $0xD00, s6;
	[smem:$0x7B7] =	sst s17  }
0xd8: {  	s20 =	sadd.s32 $0xD80, s6;
	[smem:$0x7B8] =	sst s19  }
0xd9: {  	s21 =	sadd.s32 $0xE00, s6;
	[smem:$0x7B9] =	sst s20  }
0xda: {  	s22 =	sadd.s32 $0xE80, s6;
	[smem:$0x7BA] =	sst s21  }
0xdb: {  	s1 =	sadd.s32 $0x200, s7;
	[smem:$0x7BB] =	sst s22  }
0xdc: {  	s2 =	sadd.s32 $0x280, s7;
	[smem:$0x7C1] =	sst s1  }
0xdd: {  	s3 =	sadd.s32 $0x300, s7;
	[smem:$0x7C2] =	sst s2  }
0xde: {  	s8 =	sadd.s32 $0x480, s7;
	[smem:$0x7C3] =	sst s3  }
0xdf: {  	s23 =	sadd.s32 $0xF00, s6;
	[smem:$0x7C6] =	sst s8  }
0xe0: {  	s24 =	sadd.s32 $0xF80, s6;
	[smem:$0x7BC] =	sst s23  }
0xe1: {  	s26 =	sadd.s32 $0x80, s7;
	[smem:$0x7BD] =	sst s24  }
0xe2: {  	s30 =	sadd.s32 $0x100, s7;
	[smem:$0x7BE] =	sst s26  }
0xe3: {  	s31 =	sadd.s32 $0x180, s7;
	[smem:$0x7BF] =	sst s30  }
0xe4: {  	s4 =	sadd.s32 $0x380, s7;
	[smem:$0x7C0] =	sst s31  }
0xe5: {  	s6 =	sadd.s32 $0x400, s7;
	[smem:$0x7C4] =	sst s4  }
0xe6: {  	s9 =	sadd.s32 $0x500, s7;
	[smem:$0x7C5] =	sst s6  }
0xe7: {  	s12 =	sadd.s32 $0x580, s7;
	[smem:$0x7C7] =	sst s9  }
0xe8: {  	s16 =	sadd.s32 $0x600, s7;
	[smem:$0x7C8] =	sst s12  }
0xe9: {  	s17 =	sadd.s32 $0x680, s7;
	[smem:$0x7C9] =	sst s16  }
0xea: {  	s19 =	sadd.s32 $0x700, s7;
	[smem:$0x7CA] =	sst s17  }
0xeb: {  	s20 =	sadd.s32 $0x780, s7;
	[smem:$0x7CB] =	sst s19  }
0xec: {  	s21 =	sadd.s32 $0x800, s7;
	[smem:$0x7CC] =	sst s20  }
0xed: {  	s22 =	sadd.s32 $0x880, s7;
	[smem:$0x7CD] =	sst s21  }
0xee: {  	s1 =	sadd.s32 $0xB80, s7;
	[smem:$0x7CE] =	sst s22  }
0xef: {  	s2 =	sadd.s32 $0xC00, s7;
	[smem:$0x7D4] =	sst s1  }
0xf0: {  	s3 =	sadd.s32 $0xC80, s7;
	[smem:$0x7D5] =	sst s2  }
0xf1: {  	s8 =	sadd.s32 $0xE00, s7;
	[smem:$0x7D6] =	sst s3  }
0xf2: {  	s23 =	sadd.s32 $0x900, s7;
	[smem:$0x7D9] =	sst s8  }
0xf3: {  	s24 =	sadd.s32 $0x980, s7;
	[smem:$0x7CF] =	sst s23  }
0xf4: {  	s26 =	sadd.s32 $0xA00, s7;
	[smem:$0x7D0] =	sst s24  }
0xf5: {  	s30 =	sadd.s32 $0xA80, s7;
	[smem:$0x7D1] =	sst s26  }
0xf6: {  	s31 =	sadd.s32 $0xB00, s7;
	[smem:$0x7D2] =	sst s30  }
0xf7: {  	s4 =	sadd.s32 $0xD00, s7;
	[smem:$0x7D3] =	sst s31  }
0xf8: {  	s6 =	sadd.s32 $0xD80, s7;
	[smem:$0x7D7] =	sst s4  }
0xf9: {  	s9 =	sadd.s32 $0xE80, s7;
	[smem:$0x7D8] =	sst s6  }
0xfa: {  	s12 =	sadd.s32 $0xF00, s7;
	[smem:$0x7DA] =	sst s9  }
0xfb: {  	s16 =	sadd.s32 $0xF80, s7;
	[smem:$0x7DB] =	sst s12  }
0xfc: {  	s17 =	sadd.s32 $0x80, s10;
	[smem:$0x7DD] =	sst s16  }
0xfd: {  	s19 =	sadd.s32 $0x100, s10;
	[smem:$0x7DE] =	sst s17  }
0xfe: {  	s20 =	sadd.s32 $0x180, s10;
	[smem:$0x7DF] =	sst s19  }
0xff: {  	s21 =	sadd.s32 $0x200, s10;
	[smem:$0x7E0] =	sst s20  }
0x100: {  	s22 =	sadd.s32 $0x280, s10;
	[smem:$0x7E1] =	sst s21  }
0x101: {  	s1 =	sadd.s32 $0x580, s10;
	[smem:$0x7E2] =	sst s22  }
0x102: {  	s2 =	sadd.s32 $0x600, s10;
	[smem:$0x7E8] =	sst s1  }
0x103: {  	s3 =	sadd.s32 $0x680, s10;
	[smem:$0x7E9] =	sst s2  }
0x104: {  	s7 =	sadd.s32 $0x800, s10;
	[smem:$0x7EA] =	sst s3  }
0x105: {  	s8 =	sadd.s32 $0x880, s10;
	[smem:$0x7ED] =	sst s7  }
0x106: {  	s23 =	sadd.s32 $0x300, s10;
	[smem:$0x7EE] =	sst s8  }
0x107: {  	s24 =	sadd.s32 $0x380, s10;
	[smem:$0x7E3] =	sst s23  }
0x108: {  	s26 =	sadd.s32 $0x400, s10;
	[smem:$0x7E4] =	sst s24  }
0x109: {  	s30 =	sadd.s32 $0x480, s10;
	[smem:$0x7E5] =	sst s26  }
0x10a: {  	s31 =	sadd.s32 $0x500, s10;
	[smem:$0x7E6] =	sst s30  }
0x10b: {  	s4 =	sadd.s32 $0x700, s10;
	s6 =	sadd.s32 $0x780, s10;
	[smem:$0x7E7] =	sst s31  }
0x10c: {  	s22 =	simm.s32 $0x6280;
	s21 =	simm.s32 $0x5A80;
	[smem:$0x7EB] =	sst s4  }
0x10d: {  	s20 =	simm.s32 $0x4A80;
	s9 =	sadd.s32 $0x900, s10;
	[smem:$0x7EC] =	sst s6  }
0x10e: {  	s19 =	simm.s32 $0x4280;
	s12 =	sadd.s32 $0xF80, s10;
	[smem:$0x7EF] =	sst s9  }
0x10f: {  	s17 =	simm.s32 $0x3A80;
	s8 =	sadd.s32 $0xE00, s10;
	[smem:$0x7F0] =	sst s12  }
0x110: {  	s16 =	simm.s32 $0x3280;
	s30 =	sadd.s32 $0xF00, s10;
	[smem:$0x7F3] =	sst s8  }
0x111: {  	s2 =	simm.s32 $0x2280;
	s31 =	sadd.s32 $0xE80, s10;
	[smem:$0x7F1] =	sst s30  }
0x112: {  	s1 =	simm.s32 $0x1A80;
	s9 =	sadd.s32 $0xD80, s10;
	[smem:$0x7F2] =	sst s31  }
0x113: {  	s3 =	simm.s32 $0x1280;
	s12 =	sadd.s32 $0xD00, s10;
	[smem:$0x7F4] =	sst s9  }
0x114: {  	s7 =	simm.s32 $0x280;
	s8 =	sadd.s32 $0xB80, s10;
	[smem:$0x7F5] =	sst s12  }
0x115: {  	s24 =	simm.s32 $0x7280;
	s30 =	sadd.s32 $0xC80, s10;
	[smem:$0x7F8] =	sst s8  }
0x116: {  	s23 =	simm.s32 $0x6A80;
	s31 =	sadd.s32 $0xC00, s10;
	[smem:$0x7F6] =	sst s30  }
0x117: {  	v8 =	vlaneseq.u32;
	s26 =	simm.s32 $0x5280;
	s9 =	sadd.s32 $0xB00, s10;
	[smem:$0x7F7] =	sst s31  }
0x118: {  	vm0 =	vmmov $0xffff;
	v9 =	vshrl.u32 v8, $0x3;
	v8 =	vand.u32 $0x7, v8;
	s6 =	simm.s32 $0x2A80;
	s12 =	sadd.s32 $0xA80, s10;
	[smem:$0x7F9] =	sst s9  }
0x119: {  	v9 =	vmul.u32 $0x8, v9;
	v0 =	vmov s29;
	v2 =	vmov s25;
	s4 =	simm.s32 $0xA80;
	[smem:$0x7FA] =	sst s12;
	s30 =	sadd.s32 $0xA00, s10  }
0x11a: {  	v3 =	vmov s28;
	v4 =	vmov s14;
	v5 =	vmov s15;
	s8 =	simm.s32 $0x0;
	s31 =	sadd.s32 $0x980, s10;
	[smem:$0x7FB] =	sst s30  }
0x11b: {  	v6 =	vmov s11;
	v7 =	vmov s13;
	v1 =	vmov s18;
	s10 =	simm.s32 $0x3;
	s12 =	simm.s32 $0x4;
	[smem:$0x7FD] =	sst s31  }
.LBB2_1:
0x11c: {  	[smem:$0x703] =	sst s8  }
0x11d: {  	s0 =	rddreg [dreg:$0x5];
	s14 =	simm.s32 $0x7  }
0x11e: {  	[tilespmem:s5], [sflag:$0x7] =	stream.linear.gather [hbm4b:s0+s5], $0x10, $0x38;
	[tilespmem:$0x1C280] =	vst v63  }
0x11f: {  	_ =	swait.ge [sflag:s14], $0x10  }
0x120: {  	[sflag:s14] =	ssyncset.done $0x0  }
0x121: {  	[sflag:s14] =	ssyncadd.s32 $0xFFFFFFF0  }
0x122: {  	s28 =	simm.s32 $0x80;
	s15 =	rddreg [dreg:$0x1]  }
0x123: {  	[tilespmem:s28], [sflag:$0x7] =	stream.linear.gather [hbm4b:s15+s5], $0x200, $0x38;
	[tilespmem:$0x1C280] =	vst v63  }
0x124: {  	_ =	swait.ge [sflag:s14], $0x200  }
0x125: {  	[sflag:s14] =	ssyncset.done $0x0  }
0x126: {  	[sflag:s14] =	ssyncadd.s32 $0xFFFFFE00  }
0x127: {  	v10 =	vld.msk [tilespmem:$0x0], $0xff;
	_ =	sdelay $0x4  }
0x128: {  	v11 =	vshll.u32 v10, $0x5  }
0x129: {  	v10 =	vand.u32 $0x7, v10;
	v11 =	vand.u32 $0xFFFFFF00, v11  }
0x12a: {  	v10 =	vor.u32 v10, v11  }
0x12b: {  	v10 =	vperm.xlane v10, v8;
	_ =	sdelay $0x1  }
0x12c: {  	v10 =	vadd.s32 v9, v10;
	_ =	sdelay $0x3  }
0x12d: {  	s0 =	rddreg [dreg:$0x0]  }
0x12e: {  	[tilespmem:s7], [sflag:$0x1] =	stream.indirect_vreg.gather [hbm4b:s0+s5], $0x80, v10, vm0, $0xb8;
	[tilespmem:$0x1C280] =	vst v63  }
0x12f: {  	s29 =	rddreg [dreg:$0x6]  }
0x130: {  	[tilespmem:s4], [sflag:$0x1] =	stream.indirect_vreg.gather [hbm4b:s29+s5], $0x80, v10, vm0, $0xb8;
	[tilespmem:$0x1C280] =	vst v63  }
0x131: {  	s30 =	rddreg [dreg:$0x7]  }
0x132: {  	[tilespmem:s3], [sflag:$0x1] =	stream.indirect_vreg.gather [hbm4b:s30+s5], $0x80, v10, vm0, $0xb8;
	[tilespmem:$0x1C280] =	vst v63  }
0x133: {  	s31 =	rddreg [dreg:$0x8]  }
0x134: {  	[tilespmem:s1], [sflag:$0x1] =	stream.indirect_vreg.gather [hbm4b:s31+s5], $0x80, v10, vm0, $0xb8;
	[tilespmem:$0x1C280] =	vst v63  }
0x135: {  	s3 =	rddreg [dreg:$0x9]  }
0x136: {  	[tilespmem:s2], [sflag:$0x1] =	stream.indirect_vreg.gather [hbm4b:s3+s5], $0x80, v10, vm0, $0xb8;
	[tilespmem:$0x1C280] =	vst v63  }
0x137: {  	s2 =	rddreg [dreg:$0xa]  }
0x138: {  	[tilespmem:s6], [sflag:$0x1] =	stream.indirect_vreg.gather [hbm4b:s2+s5], $0x80, v10, vm0, $0xb8;
	[tilespmem:$0x1C280] =	vst v63  }
0x139: {  	s6 =	rddreg [dreg:$0xb]  }
0x13a: {  	[tilespmem:s16], [sflag:$0x1] =	stream.indirect_vreg.gather [hbm4b:s6+s5], $0x80, v10, vm0, $0xb8;
	[tilespmem:$0x1C280] =	vst v63  }
0x13b: {  	s16 =	rddreg [dreg:$0xc]  }
0x13c: {  	[tilespmem:s17], [sflag:$0x1] =	stream.indirect_vreg.gather [hbm4b:s16+s5], $0x80, v10, vm0, $0xb8;
	[tilespmem:$0x1C280] =	vst v63  }
0x13d: {  	s17 =	rddreg [dreg:$0xd]  }
0x13e: {  	[tilespmem:s19], [sflag:$0x1] =	stream.indirect_vreg.gather [hbm4b:s17+s5], $0x80, v10, vm0, $0xb8;
	[tilespmem:$0x1C280] =	vst v63  }
0x13f: {  	s19 =	rddreg [dreg:$0xe]  }
0x140: {  	[tilespmem:s20], [sflag:$0x1] =	stream.indirect_vreg.gather [hbm4b:s19+s5], $0x80, v10, vm0, $0xb8;
	[tilespmem:$0x1C280] =	vst v63  }
0x141: {  	s20 =	rddreg [dreg:$0xf]  }
0x142: {  	[tilespmem:s26], [sflag:$0x1] =	stream.indirect_vreg.gather [hbm4b:s20+s5], $0x80, v10, vm0, $0xb8;
	[tilespmem:$0x1C280] =	vst v63  }
0x143: {  	s26 =	rddreg [dreg:$0x10]  }
0x144: {  	[tilespmem:s21], [sflag:$0x1] =	stream.indirect_vreg.gather [hbm4b:s26+s5], $0x80, v10, vm0, $0xb8;
	[tilespmem:$0x1C280] =	vst v63  }
0x145: {  	s21 =	rddreg [dreg:$0x11]  }
0x146: {  	[tilespmem:s22], [sflag:$0x1] =	stream.indirect_vreg.gather [hbm4b:s21+s5], $0x80, v10, vm0, $0xb8;
	[tilespmem:$0x1C280] =	vst v63  }
0x147: {  	s22 =	rddreg [dreg:$0x12]  }
0x148: {  	[tilespmem:s23], [sflag:$0x1] =	stream.indirect_vreg.gather [hbm4b:s22+s5], $0x80, v10, vm0, $0xb8;
	[tilespmem:$0x1C280] =	vst v63  }
0x149: {  	s23 =	rddreg [dreg:$0x13]  }
0x14a: {  	[tilespmem:s24], [sflag:$0x1] =	stream.indirect_vreg.gather [hbm4b:s23+s5], $0x80, v10, vm0, $0xb8;
	[tilespmem:$0x1C280] =	vst v63  }
0x14b: {  	s11 =	simm.s32 $0x7A80;
	s24 =	rddreg [dreg:$0x19]  }
0x14c: {  	[tilespmem:s11], [sflag:$0x1] =	stream.indirect_vreg.gather [hbm4b:s24+s5], $0x80, v10, vm0, $0xb8;
	[tilespmem:$0x1C280] =	vst v63  }
0x14d: {  	v10 =	vld.msk [tilespmem:$0x8], $0xff;
	_ =	sdelay $0x4  }
0x14e: {  	v11 =	vshll.u32 v10, $0x5  }
0x14f: {  	v10 =	vand.u32 $0x7, v10;
	v11 =	vand.u32 $0xFFFFFF00, v11  }
0x150: {  	v10 =	vor.u32 v10, v11  }
0x151: {  	v10 =	vperm.xlane v10, v8;
	_ =	sdelay $0x1  }
0x152: {  	v10 =	vadd.s32 v9, v10;
	_ =	sdelay $0x3  }
0x153: {  	s9 =	simm.s32 $0x8280  }
0x154: {  	[tilespmem:s9], [sflag:$0x2] =	stream.indirect_vreg.gather [hbm4b:s0+s5], $0x80, v10, vm0, $0xb8;
	[tilespmem:$0x1C280] =	vst v63  }
0x155: {  	s8 =	simm.s32 $0x8A80  }
0x156: {  	[tilespmem:s8], [sflag:$0x2] =	stream.indirect_vreg.gather [hbm4b:s29+s5], $0x80, v10, vm0, $0xb8;
	[tilespmem:$0x1C280] =	vst v63  }
0x157: {  	s7 =	simm.s32 $0x9280  }
0x158: {  	[tilespmem:s7], [sflag:$0x2] =	stream.indirect_vreg.gather [hbm4b:s30+s5], $0x80, v10, vm0, $0xb8;
	[tilespmem:$0x1C280] =	vst v63  }
0x159: {  	s4 =	simm.s32 $0x9A80  }
0x15a: {  	[tilespmem:s4], [sflag:$0x2] =	stream.indirect_vreg.gather [hbm4b:s31+s5], $0x80, v10, vm0, $0xb8;
	[tilespmem:$0x1C280] =	vst v63  }
0x15b: {  	s1 =	simm.s32 $0xA280  }
0x15c: {  	[tilespmem:s1], [sflag:$0x2] =	stream.indirect_vreg.gather [hbm4b:s3+s5], $0x80, v10, vm0, $0xb8;
	[tilespmem:$0x1C280] =	vst v63  }
0x15d: {  	s18 =	simm.s32 $0xAA80  }
0x15e: {  	[tilespmem:s18], [sflag:$0x2] =	stream.indirect_vreg.gather [hbm4b:s2+s5], $0x80, v10, vm0, $0xb8;
	[tilespmem:$0x1C280] =	vst v63  }
0x15f: {  	s14 =	simm.s32 $0xB280  }
0x160: {  	[tilespmem:s14], [sflag:$0x2] =	stream.indirect_vreg.gather [hbm4b:s6+s5], $0x80, v10, vm0, $0xb8;
	[tilespmem:$0x1C280] =	vst v63  }
0x161: {  	s13 =	simm.s32 $0xBA80  }
0x162: {  	[tilespmem:s13], [sflag:$0x2] =	stream.indirect_vreg.gather [hbm4b:s16+s5], $0x80, v10, vm0, $0xb8;
	[tilespmem:$0x1C280] =	vst v63  }
0x163: {  	s25 =	simm.s32 $0xC280  }
0x164: {  	[tilespmem:s25], [sflag:$0x2] =	stream.indirect_vreg.gather [hbm4b:s17+s5], $0x80, v10, vm0, $0xb8;
	[tilespmem:$0x1C280] =	vst v63  }
0x165: {  	s15 =	simm.s32 $0xCA80  }
0x166: {  	[tilespmem:s15], [sflag:$0x2] =	stream.indirect_vreg.gather [hbm4b:s19+s5], $0x80, v10, vm0, $0xb8;
	[tilespmem:$0x1C280] =	vst v63  }
0x167: {  	s18 =	simm.s32 $0xD280  }
0x168: {  	[tilespmem:s18], [sflag:$0x2] =	stream.indirect_vreg.gather [hbm4b:s20+s5], $0x80, v10, vm0, $0xb8;
	[tilespmem:$0x1C280] =	vst v63  }
0x169: {  	s19 =	simm.s32 $0xDA80  }
0x16a: {  	[tilespmem:s19], [sflag:$0x2] =	stream.indirect_vreg.gather [hbm4b:s26+s5], $0x80, v10, vm0, $0xb8;
	[tilespmem:$0x1C280] =	vst v63  }
0x16b: {  	s20 =	simm.s32 $0xE280  }
0x16c: {  	[tilespmem:s20], [sflag:$0x2] =	stream.indirect_vreg.gather [hbm4b:s21+s5], $0x80, v10, vm0, $0xb8;
	[tilespmem:$0x1C280] =	vst v63  }
0x16d: {  	s21 =	simm.s32 $0xEA80  }
0x16e: {  	[tilespmem:s21], [sflag:$0x2] =	stream.indirect_vreg.gather [hbm4b:s22+s5], $0x80, v10, vm0, $0xb8;
	[tilespmem:$0x1C280] =	vst v63  }
0x16f: {  	s22 =	simm.s32 $0xF280  }
0x170: {  	[tilespmem:s22], [sflag:$0x2] =	stream.indirect_vreg.gather [hbm4b:s23+s5], $0x80, v10, vm0, $0xb8;
	[tilespmem:$0x1C280] =	vst v63  }
0x171: {  	s25 =	simm.s32 $0xFA80  }
0x172: {  	[tilespmem:s25], [sflag:$0x2] =	stream.indirect_vreg.gather [hbm4b:s24+s5], $0x80, v10, vm0, $0xb8;
	[tilespmem:$0x1C280] =	vst v63  }
0x173: {  	v10 =	vld [tilespmem:s28+$0x0];
	_ =	sdelay $0x4  }
0x174: {  	s29 =	sand.u32 $0x1F0, s5;
	s26 =	simm.s32 $0x10280;
	v12 =	vadd.s32 v0, v10  }
0x175: {  	s30 =	simm.s32 $0x10;
	s31 =	simm.s32 $0x10280;
	s2 =	simm.s32 $0x10280;
	v11 =	vadd.s32 v6, v10;
	v13 =	vadd.s32 v7, v10;
	[tilespmem:s26+$0x0] =	vst v12  }
.LBB2_2:
0x176: {  	p0 =	sne.s32 s30, $0x1F0;
	[tilespmem:s29+$0x12080] =	vst v13;
	s28 =	sadd.s32 $0x10, s28;
	s31 =	sadd.s32 $0x10, s31  }
0x177: {  	v14 =	vadd.s32 v5, v10;
	s0 =	smov.u32 s30;
	s30 =	sadd.s32 $0x10, s30;
	[tilespmem:s29+$0x11E80] =	vst v11  }
0x178: {  	v15 =	vadd.s32 v4, v10;
	[tilespmem:s29+$0x11C80] =	vst v14  }
0x179: {  	v16 =	vadd.s32 v3, v10;
	[tilespmem:s29+$0x11A80] =	vst v15  }
0x17a: {  	v17 =	vadd.s32 v1, v10;
	v10 =	vadd.s32 v2, v10;
	[tilespmem:s29+$0x11880] =	vst v16  }
0x17b: {  	[tilespmem:s29+$0x11680] =	vst v10  }
0x17c: {  	[tilespmem:s29+$0x11280] =	vst v12  }
0x17d: {  	[tilespmem:s29+$0x11080] =	vst v13  }
0x17e: {  	[tilespmem:s29+$0x10E80] =	vst v11  }
0x17f: {  	[tilespmem:s29+$0x11480] =	vst v17  }
0x180: {  	[tilespmem:s29+$0x10680] =	vst v10  }
0x181: {  	[tilespmem:s29+$0x10880] =	vst v16  }
0x182: {  	[tilespmem:s29+$0x10C80] =	vst v14  }
0x183: {  	[tilespmem:s29+$0x10A80] =	vst v15  }
0x184: {  	[tilespmem:s29+$0x10480] =	vst v17  }
0x185: {  	v10 =	vld [tilespmem:s28+$0x0];
	_ =	sdelay $0x1  }
.Ltmp0:
0x186: {  	(pc) =	sbr.rel @p0 .LBB2_2-.Ltmp0, $3  }
0x187: {  	_ =	sdelay $0x1  }
0x188: {  	v12 =	vadd.s32 v0, v10;
	v11 =	vadd.s32 v6, v10  }
0x189: {  	s29 =	sand.u32 $0x1F0, s0;
	v13 =	vadd.s32 v7, v10;
	[tilespmem:s31+$0x0] =	vst v12  }
0x18a: {  	[tilespmem:s29+$0x12080] =	vst v13  }
0x18b: {  	[tilespmem:s29+$0x11E80] =	vst v11  }
0x18c: {  	[tilespmem:s29+$0x11280] =	vst v12  }
0x18d: {  	[tilespmem:s29+$0x11080] =	vst v13  }
0x18e: {  	v14 =	vadd.s32 v5, v10;
	[tilespmem:s29+$0x10E80] =	vst v11  }
0x18f: {  	v15 =	vadd.s32 v4, v10;
	[tilespmem:s29+$0x11C80] =	vst v14  }
0x190: {  	v16 =	vadd.s32 v3, v10;
	[tilespmem:s29+$0x11A80] =	vst v15  }
0x191: {  	v17 =	vadd.s32 v2, v10;
	[tilespmem:s29+$0x11880] =	vst v16  }
0x192: {  	v10 =	vadd.s32 v1, v10;
	[tilespmem:s29+$0x11680] =	vst v17  }
0x193: {  	[tilespmem:s29+$0x11480] =	vst v10  }
0x194: {  	[tilespmem:s29+$0x10680] =	vst v17  }
0x195: {  	[tilespmem:s29+$0x10880] =	vst v16  }
0x196: {  	[tilespmem:s29+$0x10C80] =	vst v14  }
0x197: {  	[tilespmem:s29+$0x10A80] =	vst v15  }
0x198: {  	s0 =	simm.s32 $0x1;
	[tilespmem:s29+$0x10480] =	vst v10  }
0x199: {  	_ =	swait.ge [sflag:s0], $0x8000  }
0x19a: {  	[sflag:s0] =	ssyncset.done $0x0;
	s1 =	rddreg [dreg:$0x1a]  }
0x19b: {  	s11 =	simm.s32 $0x280;
	s23 =	sld [smem:$0x704];
	[sflag:s0] =	ssyncadd.s32 $0xFFFF8000  }
0x19c: {  	[spmem:s1] =	stream.linear.scatter [tilespmem:s11], [sflag:$0x3], $0x80, $0x38;
	[tilespmem:$0x1C280] =	vst v63  }
0x19d: {  	s13 =	simm.s32 $0x680;
	s24 =	sld [smem:$0x705]  }
0x19e: {  	[spmem:s23] =	stream.linear.scatter [tilespmem:s13], [sflag:$0x3], $0x80, $0x38;
	[tilespmem:$0x1C280] =	vst v63  }
0x19f: {  	s14 =	simm.s32 $0xA80;
	s26 =	sld [smem:$0x706]  }
0x1a0: {  	[spmem:s24] =	stream.linear.scatter [tilespmem:s14], [sflag:$0x3], $0x80, $0x38;
	[tilespmem:$0x1C280] =	vst v63  }
0x1a1: {  	s15 =	simm.s32 $0xE80;
	s28 =	sld [smem:$0x707]  }
0x1a2: {  	[spmem:s26] =	stream.linear.scatter [tilespmem:s15], [sflag:$0x3], $0x80, $0x38;
	[tilespmem:$0x1C280] =	vst v63  }
0x1a3: {  	s16 =	simm.s32 $0x1280;
	s29 =	sld [smem:$0x708]  }
0x1a4: {  	[spmem:s28] =	stream.linear.scatter [tilespmem:s16], [sflag:$0x3], $0x80, $0x38;
	[tilespmem:$0x1C280] =	vst v63  }
0x1a5: {  	s17 =	simm.s32 $0x1680;
	s30 =	sld [smem:$0x709]  }
0x1a6: {  	[spmem:s29] =	stream.linear.scatter [tilespmem:s17], [sflag:$0x3], $0x80, $0x38;
	[tilespmem:$0x1C280] =	vst v63  }
0x1a7: {  	s18 =	simm.s32 $0x1A80;
	s31 =	sld [smem:$0x70A]  }
0x1a8: {  	[spmem:s30] =	stream.linear.scatter [tilespmem:s18], [sflag:$0x3], $0x80, $0x38;
	[tilespmem:$0x1C280] =	vst v63  }
0x1a9: {  	s19 =	simm.s32 $0x1E80;
	s25 =	sld [smem:$0x70B]  }
0x1aa: {  	[spmem:s31] =	stream.linear.scatter [tilespmem:s19], [sflag:$0x3], $0x80, $0x38;
	[tilespmem:$0x1C280] =	vst v63  }
0x1ab: {  	s20 =	simm.s32 $0x2280;
	s21 =	sld [smem:$0x70C]  }
0x1ac: {  	[spmem:s25] =	stream.linear.scatter [tilespmem:s20], [sflag:$0x3], $0x80, $0x38;
	[tilespmem:$0x1C280] =	vst v63  }
0x1ad: {  	s22 =	simm.s32 $0x2680;
	s7 =	sld [smem:$0x70D]  }
0x1ae: {  	[spmem:s21] =	stream.linear.scatter [tilespmem:s22], [sflag:$0x3], $0x80, $0x38;
	[tilespmem:$0x1C280] =	vst v63  }
0x1af: {  	s3 =	simm.s32 $0x2A80;
	s8 =	sld [smem:$0x70E]  }
0x1b0: {  	[spmem:s7] =	stream.linear.scatter [tilespmem:s3], [sflag:$0x3], $0x80, $0x38;
	[tilespmem:$0x1C280] =	vst v63  }
0x1b1: {  	s4 =	simm.s32 $0x2E80;
	s9 =	sld [smem:$0x70F]  }
0x1b2: {  	[spmem:s8] =	stream.linear.scatter [tilespmem:s4], [sflag:$0x3], $0x80, $0x38;
	[tilespmem:$0x1C280] =	vst v63  }
0x1b3: {  	s6 =	simm.s32 $0x3280;
	s4 =	sld [smem:$0x710]  }
0x1b4: {  	[spmem:s9] =	stream.linear.scatter [tilespmem:s6], [sflag:$0x3], $0x80, $0x38;
	[tilespmem:$0x1C280] =	vst v63  }
0x1b5: {  	s11 =	simm.s32 $0x3680;
	s15 =	sld [smem:$0x711]  }
0x1b6: {  	[spmem:s4] =	stream.linear.scatter [tilespmem:s11], [sflag:$0x3], $0x80, $0x38;
	[tilespmem:$0x1C280] =	vst v63  }
0x1b7: {  	s13 =	simm.s32 $0x3A80;
	s18 =	sld [smem:$0x712]  }
0x1b8: {  	[spmem:s15] =	stream.linear.scatter [tilespmem:s13], [sflag:$0x3], $0x80, $0x38;
	[tilespmem:$0x1C280] =	vst v63  }
0x1b9: {  	s14 =	simm.s32 $0x3E80;
	s11 =	sld [smem:$0x713]  }
0x1ba: {  	[spmem:s18] =	stream.linear.scatter [tilespmem:s14], [sflag:$0x3], $0x80, $0x38;
	[tilespmem:$0x1C280] =	vst v63  }
0x1bb: {  	s16 =	simm.s32 $0x4280;
	s13 =	sld [smem:$0x714]  }
0x1bc: {  	[spmem:s11] =	stream.linear.scatter [tilespmem:s16], [sflag:$0x3], $0x80, $0x38;
	[tilespmem:$0x1C280] =	vst v63  }
0x1bd: {  	s17 =	simm.s32 $0x4680;
	s14 =	sld [smem:$0x715]  }
0x1be: {  	[spmem:s13] =	stream.linear.scatter [tilespmem:s17], [sflag:$0x3], $0x80, $0x38;
	[tilespmem:$0x1C280] =	vst v63  }
0x1bf: {  	s19 =	simm.s32 $0x4A80  }
0x1c0: {  	[spmem:s14] =	stream.linear.scatter [tilespmem:s19], [sflag:$0x3], $0x80, $0x38;
	[tilespmem:$0x1C280] =	vst v63  }
0x1c1: {  	s19 =	sld [smem:$0x716];
	_ =	sdelay $0x1  }
0x1c2: {  	s20 =	simm.s32 $0x4E80  }
0x1c3: {  	[spmem:s19] =	stream.linear.scatter [tilespmem:s20], [sflag:$0x3], $0x80, $0x38;
	[tilespmem:$0x1C280] =	vst v63  }
0x1c4: {  	s20 =	sld [smem:$0x717];
	_ =	sdelay $0x1  }
0x1c5: {  	s21 =	simm.s32 $0x5280  }
0x1c6: {  	[spmem:s20] =	stream.linear.scatter [tilespmem:s21], [sflag:$0x3], $0x80, $0x38;
	[tilespmem:$0x1C280] =	vst v63  }
0x1c7: {  	s21 =	sld [smem:$0x718];
	_ =	sdelay $0x1  }
0x1c8: {  	s22 =	simm.s32 $0x5680  }
0x1c9: {  	[spmem:s21] =	stream.linear.scatter [tilespmem:s22], [sflag:$0x3], $0x80, $0x38;
	[tilespmem:$0x1C280] =	vst v63  }
0x1ca: {  	s22 =	sld [smem:$0x719];
	_ =	sdelay $0x1  }
0x1cb: {  	s1 =	simm.s32 $0x5A80;
	s3 =	sld [smem:$0x71A]  }
0x1cc: {  	[spmem:s22] =	stream.linear.scatter [tilespmem:s1], [sflag:$0x3], $0x80, $0x38;
	[tilespmem:$0x1C280] =	vst v63  }
0x1cd: {  	s6 =	simm.s32 $0x5E80;
	s16 =	sld [smem:$0x71B]  }
0x1ce: {  	[spmem:s3] =	stream.linear.scatter [tilespmem:s6], [sflag:$0x3], $0x80, $0x38;
	[tilespmem:$0x1C280] =	vst v63  }
0x1cf: {  	s17 =	simm.s32 $0x6280;
	s3 =	sld [smem:$0x71C]  }
0x1d0: {  	[spmem:s16] =	stream.linear.scatter [tilespmem:s17], [sflag:$0x3], $0x80, $0x38;
	[tilespmem:$0x1C280] =	vst v63  }
0x1d1: {  	s6 =	simm.s32 $0x6680;
	s16 =	sld [smem:$0x71D]  }
0x1d2: {  	[spmem:s3] =	stream.linear.scatter [tilespmem:s6], [sflag:$0x3], $0x80, $0x38;
	[tilespmem:$0x1C280] =	vst v63  }
0x1d3: {  	s17 =	simm.s32 $0x6A80;
	s3 =	sld [smem:$0x71E]  }
0x1d4: {  	[spmem:s16] =	stream.linear.scatter [tilespmem:s17], [sflag:$0x3], $0x80, $0x38;
	[tilespmem:$0x1C280] =	vst v63  }
0x1d5: {  	s6 =	simm.s32 $0x6E80;
	s16 =	sld [smem:$0x71F]  }
0x1d6: {  	[spmem:s3] =	stream.linear.scatter [tilespmem:s6], [sflag:$0x3], $0x80, $0x38;
	[tilespmem:$0x1C280] =	vst v63  }
0x1d7: {  	s17 =	simm.s32 $0x7280;
	s3 =	sld [smem:$0x720]  }
0x1d8: {  	[spmem:s16] =	stream.linear.scatter [tilespmem:s17], [sflag:$0x3], $0x80, $0x38;
	[tilespmem:$0x1C280] =	vst v63  }
0x1d9: {  	s6 =	simm.s32 $0x7680;
	s16 =	sld [smem:$0x721]  }
0x1da: {  	[spmem:s3] =	stream.linear.scatter [tilespmem:s6], [sflag:$0x3], $0x80, $0x38;
	[tilespmem:$0x1C280] =	vst v63  }
0x1db: {  	s17 =	simm.s32 $0x7A80;
	s3 =	sld [smem:$0x722]  }
0x1dc: {  	[spmem:s16] =	stream.linear.scatter [tilespmem:s17], [sflag:$0x3], $0x80, $0x38;
	[tilespmem:$0x1C280] =	vst v63  }
0x1dd: {  	s6 =	simm.s32 $0x7E80  }
0x1de: {  	[spmem:s3] =	stream.linear.scatter [tilespmem:s6], [sflag:$0x3], $0x80, $0x38;
	[tilespmem:$0x1C280] =	vst v63  }
0x1df: {  	s16 =	simm.s32 $0x300;
	s6 =	rddreg [dreg:$0x1b]  }
0x1e0: {  	[spmem:s6] =	stream.linear.scatter [tilespmem:s16], [sflag:$0x3], $0x80, $0x38;
	[tilespmem:$0x1C280] =	vst v63  }
0x1e1: {  	s1 =	sld [smem:$0x723];
	_ =	sdelay $0x1  }
0x1e2: {  	s17 =	simm.s32 $0x700;
	s0 =	sld [smem:$0x724]  }
0x1e3: {  	[spmem:s1] =	stream.linear.scatter [tilespmem:s17], [sflag:$0x3], $0x80, $0x38;
	[tilespmem:$0x1C280] =	vst v63  }
0x1e4: {  	s3 =	simm.s32 $0xB00;
	s16 =	sld [smem:$0x725]  }
0x1e5: {  	[spmem:s0] =	stream.linear.scatter [tilespmem:s3], [sflag:$0x3], $0x80, $0x38;
	[tilespmem:$0x1C280] =	vst v63  }
0x1e6: {  	s17 =	simm.s32 $0xF00;
	s0 =	sld [smem:$0x726]  }
0x1e7: {  	[spmem:s16] =	stream.linear.scatter [tilespmem:s17], [sflag:$0x3], $0x80, $0x38;
	[tilespmem:$0x1C280] =	vst v63  }
0x1e8: {  	s3 =	simm.s32 $0x1300;
	s16 =	sld [smem:$0x727]  }
0x1e9: {  	[spmem:s0] =	stream.linear.scatter [tilespmem:s3], [sflag:$0x3], $0x80, $0x38;
	[tilespmem:$0x1C280] =	vst v63  }
0x1ea: {  	s17 =	simm.s32 $0x1700;
	s0 =	sld [smem:$0x728]  }
0x1eb: {  	[spmem:s16] =	stream.linear.scatter [tilespmem:s17], [sflag:$0x3], $0x80, $0x38;
	[tilespmem:$0x1C280] =	vst v63  }
0x1ec: {  	s3 =	simm.s32 $0x1B00;
	s16 =	sld [smem:$0x729]  }
0x1ed: {  	[spmem:s0] =	stream.linear.scatter [tilespmem:s3], [sflag:$0x3], $0x80, $0x38;
	[tilespmem:$0x1C280] =	vst v63  }
0x1ee: {  	s17 =	simm.s32 $0x1F00;
	s0 =	sld [smem:$0x72A]  }
0x1ef: {  	[spmem:s16] =	stream.linear.scatter [tilespmem:s17], [sflag:$0x3], $0x80, $0x38;
	[tilespmem:$0x1C280] =	vst v63  }
0x1f0: {  	s3 =	simm.s32 $0x2300;
	s16 =	sld [smem:$0x72B]  }
0x1f1: {  	[spmem:s0] =	stream.linear.scatter [tilespmem:s3], [sflag:$0x3], $0x80, $0x38;
	[tilespmem:$0x1C280] =	vst v63  }
0x1f2: {  	s17 =	simm.s32 $0x2700;
	s0 =	sld [smem:$0x72C]  }
0x1f3: {  	[spmem:s16] =	stream.linear.scatter [tilespmem:s17], [sflag:$0x3], $0x80, $0x38;
	[tilespmem:$0x1C280] =	vst v63  }
0x1f4: {  	s3 =	simm.s32 $0x2B00;
	s16 =	sld [smem:$0x72D]  }
0x1f5: {  	[spmem:s0] =	stream.linear.scatter [tilespmem:s3], [sflag:$0x3], $0x80, $0x38;
	[tilespmem:$0x1C280] =	vst v63  }
0x1f6: {  	s17 =	simm.s32 $0x2F00;
	s0 =	sld [smem:$0x72E]  }
0x1f7: {  	[spmem:s16] =	stream.linear.scatter [tilespmem:s17], [sflag:$0x3], $0x80, $0x38;
	[tilespmem:$0x1C280] =	vst v63  }
0x1f8: {  	s3 =	simm.s32 $0x3300;
	s16 =	sld [smem:$0x72F]  }
0x1f9: {  	[spmem:s0] =	stream.linear.scatter [tilespmem:s3], [sflag:$0x3], $0x80, $0x38;
	[tilespmem:$0x1C280] =	vst v63  }
0x1fa: {  	s17 =	simm.s32 $0x3700;
	s0 =	sld [smem:$0x730]  }
0x1fb: {  	[spmem:s16] =	stream.linear.scatter [tilespmem:s17], [sflag:$0x3], $0x80, $0x38;
	[tilespmem:$0x1C280] =	vst v63  }
0x1fc: {  	s3 =	simm.s32 $0x3B00;
	s16 =	sld [smem:$0x731]  }
0x1fd: {  	[spmem:s0] =	stream.linear.scatter [tilespmem:s3], [sflag:$0x3], $0x80, $0x38;
	[tilespmem:$0x1C280] =	vst v63  }
0x1fe: {  	s17 =	simm.s32 $0x3F00;
	s0 =	sld [smem:$0x732]  }
0x1ff: {  	[spmem:s16] =	stream.linear.scatter [tilespmem:s17], [sflag:$0x3], $0x80, $0x38;
	[tilespmem:$0x1C280] =	vst v63  }
0x200: {  	s3 =	simm.s32 $0x4300;
	s16 =	sld [smem:$0x733]  }
0x201: {  	[spmem:s0] =	stream.linear.scatter [tilespmem:s3], [sflag:$0x3], $0x80, $0x38;
	[tilespmem:$0x1C280] =	vst v63  }
0x202: {  	s17 =	simm.s32 $0x4700;
	s0 =	sld [smem:$0x734]  }
0x203: {  	[spmem:s16] =	stream.linear.scatter [tilespmem:s17], [sflag:$0x3], $0x80, $0x38;
	[tilespmem:$0x1C280] =	vst v63  }
0x204: {  	s3 =	simm.s32 $0x4B00;
	s16 =	sld [smem:$0x735]  }
0x205: {  	[spmem:s0] =	stream.linear.scatter [tilespmem:s3], [sflag:$0x3], $0x80, $0x38;
	[tilespmem:$0x1C280] =	vst v63  }
0x206: {  	s17 =	simm.s32 $0x4F00;
	s0 =	sld [smem:$0x736]  }
0x207: {  	[spmem:s16] =	stream.linear.scatter [tilespmem:s17], [sflag:$0x3], $0x80, $0x38;
	[tilespmem:$0x1C280] =	vst v63  }
0x208: {  	s3 =	simm.s32 $0x5300;
	s16 =	sld [smem:$0x737]  }
0x209: {  	[spmem:s0] =	stream.linear.scatter [tilespmem:s3], [sflag:$0x3], $0x80, $0x38;
	[tilespmem:$0x1C280] =	vst v63  }
0x20a: {  	s17 =	simm.s32 $0x5700;
	s0 =	sld [smem:$0x738]  }
0x20b: {  	[spmem:s16] =	stream.linear.scatter [tilespmem:s17], [sflag:$0x3], $0x80, $0x38;
	[tilespmem:$0x1C280] =	vst v63  }
0x20c: {  	s3 =	simm.s32 $0x5B00;
	s16 =	sld [smem:$0x739]  }
0x20d: {  	[spmem:s0] =	stream.linear.scatter [tilespmem:s3], [sflag:$0x3], $0x80, $0x38;
	[tilespmem:$0x1C280] =	vst v63  }
0x20e: {  	s17 =	simm.s32 $0x5F00;
	s0 =	sld [smem:$0x73A]  }
0x20f: {  	[spmem:s16] =	stream.linear.scatter [tilespmem:s17], [sflag:$0x3], $0x80, $0x38;
	[tilespmem:$0x1C280] =	vst v63  }
0x210: {  	s3 =	simm.s32 $0x6300;
	s16 =	sld [smem:$0x73B]  }
0x211: {  	[spmem:s0] =	stream.linear.scatter [tilespmem:s3], [sflag:$0x3], $0x80, $0x38;
	[tilespmem:$0x1C280] =	vst v63  }
0x212: {  	s17 =	simm.s32 $0x6700;
	s0 =	sld [smem:$0x73C]  }
0x213: {  	[spmem:s16] =	stream.linear.scatter [tilespmem:s17], [sflag:$0x3], $0x80, $0x38;
	[tilespmem:$0x1C280] =	vst v63  }
0x214: {  	s3 =	simm.s32 $0x6B00;
	s16 =	sld [smem:$0x73D]  }
0x215: {  	[spmem:s0] =	stream.linear.scatter [tilespmem:s3], [sflag:$0x3], $0x80, $0x38;
	[tilespmem:$0x1C280] =	vst v63  }
0x216: {  	s17 =	simm.s32 $0x6F00;
	s0 =	sld [smem:$0x73E]  }
0x217: {  	[spmem:s16] =	stream.linear.scatter [tilespmem:s17], [sflag:$0x3], $0x80, $0x38;
	[tilespmem:$0x1C280] =	vst v63  }
0x218: {  	s3 =	simm.s32 $0x7300;
	s16 =	sld [smem:$0x73F]  }
0x219: {  	[spmem:s0] =	stream.linear.scatter [tilespmem:s3], [sflag:$0x3], $0x80, $0x38;
	[tilespmem:$0x1C280] =	vst v63  }
0x21a: {  	s17 =	simm.s32 $0x7700;
	s0 =	sld [smem:$0x740]  }
0x21b: {  	[spmem:s16] =	stream.linear.scatter [tilespmem:s17], [sflag:$0x3], $0x80, $0x38;
	[tilespmem:$0x1C280] =	vst v63  }
0x21c: {  	s3 =	simm.s32 $0x7B00;
	s16 =	sld [smem:$0x741]  }
0x21d: {  	[spmem:s0] =	stream.linear.scatter [tilespmem:s3], [sflag:$0x3], $0x80, $0x38;
	[tilespmem:$0x1C280] =	vst v63  }
0x21e: {  	s17 =	simm.s32 $0x7F00;
	s3 =	sld [smem:$0x742]  }
0x21f: {  	[spmem:s16] =	stream.linear.scatter [tilespmem:s17], [sflag:$0x3], $0x80, $0x38;
	[tilespmem:$0x1C280] =	vst v63  }
0x220: {  	s1 =	simm.s32 $0x380;
	s16 =	rddreg [dreg:$0x1c]  }
0x221: {  	[spmem:s16] =	stream.linear.scatter [tilespmem:s1], [sflag:$0x3], $0x80, $0x38;
	[tilespmem:$0x1C280] =	vst v63  }
0x222: {  	s17 =	simm.s32 $0x780  }
0x223: {  	[spmem:s3] =	stream.linear.scatter [tilespmem:s17], [sflag:$0x3], $0x80, $0x38;
	[tilespmem:$0x1C280] =	vst v63  }
0x224: {  	s3 =	sld [smem:$0x743];
	_ =	sdelay $0x1  }
0x225: {  	s17 =	simm.s32 $0xB80  }
0x226: {  	[spmem:s3] =	stream.linear.scatter [tilespmem:s17], [sflag:$0x3], $0x80, $0x38;
	[tilespmem:$0x1C280] =	vst v63  }
0x227: {  	s3 =	sld [smem:$0x744];
	_ =	sdelay $0x1  }
0x228: {  	s17 =	simm.s32 $0xF80  }
0x229: {  	[spmem:s3] =	stream.linear.scatter [tilespmem:s17], [sflag:$0x3], $0x80, $0x38;
	[tilespmem:$0x1C280] =	vst v63  }
0x22a: {  	s3 =	sld [smem:$0x745];
	_ =	sdelay $0x1  }
0x22b: {  	s17 =	simm.s32 $0x1380  }
0x22c: {  	[spmem:s3] =	stream.linear.scatter [tilespmem:s17], [sflag:$0x3], $0x80, $0x38;
	[tilespmem:$0x1C280] =	vst v63  }
0x22d: {  	s3 =	sld [smem:$0x746];
	_ =	sdelay $0x1  }
0x22e: {  	s17 =	simm.s32 $0x1780  }
0x22f: {  	[spmem:s3] =	stream.linear.scatter [tilespmem:s17], [sflag:$0x3], $0x80, $0x38;
	[tilespmem:$0x1C280] =	vst v63  }
0x230: {  	s3 =	sld [smem:$0x747];
	_ =	sdelay $0x1  }
0x231: {  	s17 =	simm.s32 $0x1B80  }
0x232: {  	[spmem:s3] =	stream.linear.scatter [tilespmem:s17], [sflag:$0x3], $0x80, $0x38;
	[tilespmem:$0x1C280] =	vst v63  }
0x233: {  	s3 =	sld [smem:$0x748];
	_ =	sdelay $0x1  }
0x234: {  	s17 =	simm.s32 $0x1F80  }
0x235: {  	[spmem:s3] =	stream.linear.scatter [tilespmem:s17], [sflag:$0x3], $0x80, $0x38;
	[tilespmem:$0x1C280] =	vst v63  }
0x236: {  	s3 =	sld [smem:$0x749];
	_ =	sdelay $0x1  }
0x237: {  	s17 =	simm.s32 $0x2380  }
0x238: {  	[spmem:s3] =	stream.linear.scatter [tilespmem:s17], [sflag:$0x3], $0x80, $0x38;
	[tilespmem:$0x1C280] =	vst v63  }
0x239: {  	s3 =	sld [smem:$0x74A];
	_ =	sdelay $0x1  }
0x23a: {  	s17 =	simm.s32 $0x2780  }
0x23b: {  	[spmem:s3] =	stream.linear.scatter [tilespmem:s17], [sflag:$0x3], $0x80, $0x38;
	[tilespmem:$0x1C280] =	vst v63  }
0x23c: {  	s3 =	sld [smem:$0x74B];
	_ =	sdelay $0x1  }
0x23d: {  	s17 =	simm.s32 $0x2B80  }
0x23e: {  	[spmem:s3] =	stream.linear.scatter [tilespmem:s17], [sflag:$0x3], $0x80, $0x38;
	[tilespmem:$0x1C280] =	vst v63  }
0x23f: {  	s3 =	sld [smem:$0x74C];
	_ =	sdelay $0x1  }
0x240: {  	s17 =	simm.s32 $0x2F80  }
0x241: {  	[spmem:s3] =	stream.linear.scatter [tilespmem:s17], [sflag:$0x3], $0x80, $0x38;
	[tilespmem:$0x1C280] =	vst v63  }
0x242: {  	s3 =	sld [smem:$0x74D];
	_ =	sdelay $0x1  }
0x243: {  	s17 =	simm.s32 $0x3380  }
0x244: {  	[spmem:s3] =	stream.linear.scatter [tilespmem:s17], [sflag:$0x3], $0x80, $0x38;
	[tilespmem:$0x1C280] =	vst v63  }
0x245: {  	s3 =	sld [smem:$0x74E];
	_ =	sdelay $0x1  }
0x246: {  	s17 =	simm.s32 $0x3780  }
0x247: {  	[spmem:s3] =	stream.linear.scatter [tilespmem:s17], [sflag:$0x3], $0x80, $0x38;
	[tilespmem:$0x1C280] =	vst v63  }
0x248: {  	s3 =	sld [smem:$0x74F];
	_ =	sdelay $0x1  }
0x249: {  	s17 =	simm.s32 $0x3B80  }
0x24a: {  	[spmem:s3] =	stream.linear.scatter [tilespmem:s17], [sflag:$0x3], $0x80, $0x38;
	[tilespmem:$0x1C280] =	vst v63  }
0x24b: {  	s3 =	sld [smem:$0x750];
	_ =	sdelay $0x1  }
0x24c: {  	s17 =	simm.s32 $0x3F80  }
0x24d: {  	[spmem:s3] =	stream.linear.scatter [tilespmem:s17], [sflag:$0x3], $0x80, $0x38;
	[tilespmem:$0x1C280] =	vst v63  }
0x24e: {  	s3 =	sld [smem:$0x751];
	_ =	sdelay $0x1  }
0x24f: {  	s17 =	simm.s32 $0x4380  }
0x250: {  	[spmem:s3] =	stream.linear.scatter [tilespmem:s17], [sflag:$0x3], $0x80, $0x38;
	[tilespmem:$0x1C280] =	vst v63  }
0x251: {  	s3 =	sld [smem:$0x752];
	_ =	sdelay $0x1  }
0x252: {  	s17 =	simm.s32 $0x4780  }
0x253: {  	[spmem:s3] =	stream.linear.scatter [tilespmem:s17], [sflag:$0x3], $0x80, $0x38;
	[tilespmem:$0x1C280] =	vst v63  }
0x254: {  	s3 =	sld [smem:$0x753];
	_ =	sdelay $0x1  }
0x255: {  	s17 =	simm.s32 $0x4B80  }
0x256: {  	[spmem:s3] =	stream.linear.scatter [tilespmem:s17], [sflag:$0x3], $0x80, $0x38;
	[tilespmem:$0x1C280] =	vst v63  }
0x257: {  	s3 =	sld [smem:$0x754];
	_ =	sdelay $0x1  }
0x258: {  	s17 =	simm.s32 $0x4F80  }
0x259: {  	[spmem:s3] =	stream.linear.scatter [tilespmem:s17], [sflag:$0x3], $0x80, $0x38;
	[tilespmem:$0x1C280] =	vst v63  }
0x25a: {  	s3 =	sld [smem:$0x755];
	_ =	sdelay $0x1  }
0x25b: {  	s17 =	simm.s32 $0x5380  }
0x25c: {  	[spmem:s3] =	stream.linear.scatter [tilespmem:s17], [sflag:$0x3], $0x80, $0x38;
	[tilespmem:$0x1C280] =	vst v63  }
0x25d: {  	s3 =	sld [smem:$0x756];
	_ =	sdelay $0x1  }
0x25e: {  	s17 =	simm.s32 $0x5780  }
0x25f: {  	[spmem:s3] =	stream.linear.scatter [tilespmem:s17], [sflag:$0x3], $0x80, $0x38;
	[tilespmem:$0x1C280] =	vst v63  }
0x260: {  	s3 =	sld [smem:$0x757];
	_ =	sdelay $0x1  }
0x261: {  	s17 =	simm.s32 $0x5B80  }
0x262: {  	[spmem:s3] =	stream.linear.scatter [tilespmem:s17], [sflag:$0x3], $0x80, $0x38;
	[tilespmem:$0x1C280] =	vst v63  }
0x263: {  	s3 =	sld [smem:$0x758];
	_ =	sdelay $0x1  }
0x264: {  	s17 =	simm.s32 $0x5F80  }
0x265: {  	[spmem:s3] =	stream.linear.scatter [tilespmem:s17], [sflag:$0x3], $0x80, $0x38;
	[tilespmem:$0x1C280] =	vst v63  }
0x266: {  	s3 =	sld [smem:$0x759];
	_ =	sdelay $0x1  }
0x267: {  	s17 =	simm.s32 $0x6380  }
0x268: {  	[spmem:s3] =	stream.linear.scatter [tilespmem:s17], [sflag:$0x3], $0x80, $0x38;
	[tilespmem:$0x1C280] =	vst v63  }
0x269: {  	s3 =	sld [smem:$0x75A];
	_ =	sdelay $0x1  }
0x26a: {  	s17 =	simm.s32 $0x6780  }
0x26b: {  	[spmem:s3] =	stream.linear.scatter [tilespmem:s17], [sflag:$0x3], $0x80, $0x38;
	[tilespmem:$0x1C280] =	vst v63  }
0x26c: {  	s3 =	sld [smem:$0x75B];
	_ =	sdelay $0x1  }
0x26d: {  	s17 =	simm.s32 $0x6B80  }
0x26e: {  	[spmem:s3] =	stream.linear.scatter [tilespmem:s17], [sflag:$0x3], $0x80, $0x38;
	[tilespmem:$0x1C280] =	vst v63  }
0x26f: {  	s3 =	sld [smem:$0x75C];
	_ =	sdelay $0x1  }
0x270: {  	s17 =	simm.s32 $0x6F80  }
0x271: {  	[spmem:s3] =	stream.linear.scatter [tilespmem:s17], [sflag:$0x3], $0x80, $0x38;
	[tilespmem:$0x1C280] =	vst v63  }
0x272: {  	s3 =	sld [smem:$0x75D];
	_ =	sdelay $0x1  }
0x273: {  	s17 =	simm.s32 $0x7380  }
0x274: {  	[spmem:s3] =	stream.linear.scatter [tilespmem:s17], [sflag:$0x3], $0x80, $0x38;
	[tilespmem:$0x1C280] =	vst v63  }
0x275: {  	s3 =	sld [smem:$0x75E];
	_ =	sdelay $0x1  }
0x276: {  	s17 =	simm.s32 $0x7780  }
0x277: {  	[spmem:s3] =	stream.linear.scatter [tilespmem:s17], [sflag:$0x3], $0x80, $0x38;
	[tilespmem:$0x1C280] =	vst v63  }
0x278: {  	s3 =	sld [smem:$0x75F];
	_ =	sdelay $0x1  }
0x279: {  	s17 =	simm.s32 $0x7B80  }
0x27a: {  	[spmem:s3] =	stream.linear.scatter [tilespmem:s17], [sflag:$0x3], $0x80, $0x38;
	[tilespmem:$0x1C280] =	vst v63  }
0x27b: {  	s3 =	sld [smem:$0x760];
	_ =	sdelay $0x1  }
0x27c: {  	s0 =	sld [smem:$0x761];
	s17 =	simm.s32 $0x7F80  }
0x27d: {  	[spmem:s3] =	stream.linear.scatter [tilespmem:s17], [sflag:$0x3], $0x80, $0x38;
	[tilespmem:$0x1C280] =	vst v63  }
0x27e: {  	s17 =	rddreg [dreg:$0x1d];
	s3 =	simm.s32 $0x400  }
0x27f: {  	[spmem:s17] =	stream.linear.scatter [tilespmem:s3], [sflag:$0x3], $0x80, $0x38;
	[tilespmem:$0x1C280] =	vst v63  }
0x280: {  	s1 =	sld [smem:$0x762];
	s3 =	simm.s32 $0x800  }
0x281: {  	[spmem:s0] =	stream.linear.scatter [tilespmem:s3], [sflag:$0x3], $0x80, $0x38;
	[tilespmem:$0x1C280] =	vst v63  }
0x282: {  	s0 =	simm.s32 $0xC00  }
0x283: {  	[spmem:s1] =	stream.linear.scatter [tilespmem:s0], [sflag:$0x3], $0x80, $0x38;
	[tilespmem:$0x1C280] =	vst v63  }
0x284: {  	s1 =	sld [smem:$0x763];
	_ =	sdelay $0x1  }
0x285: {  	s0 =	simm.s32 $0x1000  }
0x286: {  	[spmem:s1] =	stream.linear.scatter [tilespmem:s0], [sflag:$0x3], $0x80, $0x38;
	[tilespmem:$0x1C280] =	vst v63  }
0x287: {  	s1 =	sld [smem:$0x764];
	_ =	sdelay $0x1  }
0x288: {  	s0 =	simm.s32 $0x1400  }
0x289: {  	[spmem:s1] =	stream.linear.scatter [tilespmem:s0], [sflag:$0x3], $0x80, $0x38;
	[tilespmem:$0x1C280] =	vst v63  }
0x28a: {  	s1 =	sld [smem:$0x765];
	_ =	sdelay $0x1  }
0x28b: {  	s0 =	simm.s32 $0x1800  }
0x28c: {  	[spmem:s1] =	stream.linear.scatter [tilespmem:s0], [sflag:$0x3], $0x80, $0x38;
	[tilespmem:$0x1C280] =	vst v63  }
0x28d: {  	s1 =	sld [smem:$0x766];
	_ =	sdelay $0x1  }
0x28e: {  	s0 =	simm.s32 $0x1C00  }
0x28f: {  	[spmem:s1] =	stream.linear.scatter [tilespmem:s0], [sflag:$0x3], $0x80, $0x38;
	[tilespmem:$0x1C280] =	vst v63  }
0x290: {  	s1 =	sld [smem:$0x767];
	_ =	sdelay $0x1  }
0x291: {  	s0 =	simm.s32 $0x2000  }
0x292: {  	[spmem:s1] =	stream.linear.scatter [tilespmem:s0], [sflag:$0x3], $0x80, $0x38;
	[tilespmem:$0x1C280] =	vst v63  }
0x293: {  	s1 =	sld [smem:$0x768];
	_ =	sdelay $0x1  }
0x294: {  	s0 =	simm.s32 $0x2400  }
0x295: {  	[spmem:s1] =	stream.linear.scatter [tilespmem:s0], [sflag:$0x3], $0x80, $0x38;
	[tilespmem:$0x1C280] =	vst v63  }
0x296: {  	s1 =	sld [smem:$0x769];
	_ =	sdelay $0x1  }
0x297: {  	s0 =	simm.s32 $0x2800  }
0x298: {  	[spmem:s1] =	stream.linear.scatter [tilespmem:s0], [sflag:$0x3], $0x80, $0x38;
	[tilespmem:$0x1C280] =	vst v63  }
0x299: {  	s1 =	sld [smem:$0x76A];
	_ =	sdelay $0x1  }
0x29a: {  	s0 =	simm.s32 $0x2C00  }
0x29b: {  	[spmem:s1] =	stream.linear.scatter [tilespmem:s0], [sflag:$0x3], $0x80, $0x38;
	[tilespmem:$0x1C280] =	vst v63  }
0x29c: {  	s1 =	sld [smem:$0x76B];
	_ =	sdelay $0x1  }
0x29d: {  	s0 =	simm.s32 $0x3000  }
0x29e: {  	[spmem:s1] =	stream.linear.scatter [tilespmem:s0], [sflag:$0x3], $0x80, $0x38;
	[tilespmem:$0x1C280] =	vst v63  }
0x29f: {  	s1 =	sld [smem:$0x76C];
	_ =	sdelay $0x1  }
0x2a0: {  	s0 =	simm.s32 $0x3400  }
0x2a1: {  	[spmem:s1] =	stream.linear.scatter [tilespmem:s0], [sflag:$0x3], $0x80, $0x38;
	[tilespmem:$0x1C280] =	vst v63  }
0x2a2: {  	s1 =	sld [smem:$0x76D];
	_ =	sdelay $0x1  }
0x2a3: {  	s0 =	simm.s32 $0x3800  }
0x2a4: {  	[spmem:s1] =	stream.linear.scatter [tilespmem:s0], [sflag:$0x3], $0x80, $0x38;
	[tilespmem:$0x1C280] =	vst v63  }
0x2a5: {  	s1 =	sld [smem:$0x76E];
	_ =	sdelay $0x1  }
0x2a6: {  	s0 =	simm.s32 $0x3C00  }
0x2a7: {  	[spmem:s1] =	stream.linear.scatter [tilespmem:s0], [sflag:$0x3], $0x80, $0x38;
	[tilespmem:$0x1C280] =	vst v63  }
0x2a8: {  	s1 =	sld [smem:$0x76F];
	_ =	sdelay $0x1  }
0x2a9: {  	s0 =	simm.s32 $0x4000  }
0x2aa: {  	[spmem:s1] =	stream.linear.scatter [tilespmem:s0], [sflag:$0x3], $0x80, $0x38;
	[tilespmem:$0x1C280] =	vst v63  }
0x2ab: {  	s1 =	sld [smem:$0x770];
	_ =	sdelay $0x1  }
0x2ac: {  	s0 =	simm.s32 $0x4400  }
0x2ad: {  	[spmem:s1] =	stream.linear.scatter [tilespmem:s0], [sflag:$0x3], $0x80, $0x38;
	[tilespmem:$0x1C280] =	vst v63  }
0x2ae: {  	s1 =	sld [smem:$0x771];
	_ =	sdelay $0x1  }
0x2af: {  	s0 =	simm.s32 $0x4800  }
0x2b0: {  	[spmem:s1] =	stream.linear.scatter [tilespmem:s0], [sflag:$0x3], $0x80, $0x38;
	[tilespmem:$0x1C280] =	vst v63  }
0x2b1: {  	s1 =	sld [smem:$0x772];
	_ =	sdelay $0x1  }
0x2b2: {  	s0 =	simm.s32 $0x4C00  }
0x2b3: {  	[spmem:s1] =	stream.linear.scatter [tilespmem:s0], [sflag:$0x3], $0x80, $0x38;
	[tilespmem:$0x1C280] =	vst v63  }
0x2b4: {  	s1 =	sld [smem:$0x773];
	_ =	sdelay $0x1  }
0x2b5: {  	s0 =	simm.s32 $0x5000  }
0x2b6: {  	[spmem:s1] =	stream.linear.scatter [tilespmem:s0], [sflag:$0x3], $0x80, $0x38;
	[tilespmem:$0x1C280] =	vst v63  }
0x2b7: {  	s1 =	sld [smem:$0x774];
	_ =	sdelay $0x1  }
0x2b8: {  	s0 =	simm.s32 $0x5400  }
0x2b9: {  	[spmem:s1] =	stream.linear.scatter [tilespmem:s0], [sflag:$0x3], $0x80, $0x38;
	[tilespmem:$0x1C280] =	vst v63  }
0x2ba: {  	s1 =	sld [smem:$0x775];
	_ =	sdelay $0x1  }
0x2bb: {  	s0 =	simm.s32 $0x5800  }
0x2bc: {  	[spmem:s1] =	stream.linear.scatter [tilespmem:s0], [sflag:$0x3], $0x80, $0x38;
	[tilespmem:$0x1C280] =	vst v63  }
0x2bd: {  	s1 =	sld [smem:$0x776];
	_ =	sdelay $0x1  }
0x2be: {  	s0 =	simm.s32 $0x5C00  }
0x2bf: {  	[spmem:s1] =	stream.linear.scatter [tilespmem:s0], [sflag:$0x3], $0x80, $0x38;
	[tilespmem:$0x1C280] =	vst v63  }
0x2c0: {  	s1 =	sld [smem:$0x777];
	_ =	sdelay $0x1  }
0x2c1: {  	s0 =	simm.s32 $0x6000  }
0x2c2: {  	[spmem:s1] =	stream.linear.scatter [tilespmem:s0], [sflag:$0x3], $0x80, $0x38;
	[tilespmem:$0x1C280] =	vst v63  }
0x2c3: {  	s1 =	sld [smem:$0x778];
	_ =	sdelay $0x1  }
0x2c4: {  	s0 =	simm.s32 $0x6400  }
0x2c5: {  	[spmem:s1] =	stream.linear.scatter [tilespmem:s0], [sflag:$0x3], $0x80, $0x38;
	[tilespmem:$0x1C280] =	vst v63  }
0x2c6: {  	s1 =	sld [smem:$0x779];
	_ =	sdelay $0x1  }
0x2c7: {  	s0 =	simm.s32 $0x6800  }
0x2c8: {  	[spmem:s1] =	stream.linear.scatter [tilespmem:s0], [sflag:$0x3], $0x80, $0x38;
	[tilespmem:$0x1C280] =	vst v63  }
0x2c9: {  	s1 =	sld [smem:$0x77A];
	_ =	sdelay $0x1  }
0x2ca: {  	s0 =	simm.s32 $0x6C00  }
0x2cb: {  	[spmem:s1] =	stream.linear.scatter [tilespmem:s0], [sflag:$0x3], $0x80, $0x38;
	[tilespmem:$0x1C280] =	vst v63  }
0x2cc: {  	s1 =	sld [smem:$0x77B];
	_ =	sdelay $0x1  }
0x2cd: {  	s0 =	simm.s32 $0x7000  }
0x2ce: {  	[spmem:s1] =	stream.linear.scatter [tilespmem:s0], [sflag:$0x3], $0x80, $0x38;
	[tilespmem:$0x1C280] =	vst v63  }
0x2cf: {  	s1 =	sld [smem:$0x77C];
	_ =	sdelay $0x1  }
0x2d0: {  	s0 =	simm.s32 $0x7400  }
0x2d1: {  	[spmem:s1] =	stream.linear.scatter [tilespmem:s0], [sflag:$0x3], $0x80, $0x38;
	[tilespmem:$0x1C280] =	vst v63  }
0x2d2: {  	s1 =	sld [smem:$0x77D];
	_ =	sdelay $0x1  }
0x2d3: {  	s0 =	simm.s32 $0x7800  }
0x2d4: {  	[spmem:s1] =	stream.linear.scatter [tilespmem:s0], [sflag:$0x3], $0x80, $0x38;
	[tilespmem:$0x1C280] =	vst v63  }
0x2d5: {  	s1 =	sld [smem:$0x77E];
	_ =	sdelay $0x1  }
0x2d6: {  	s0 =	simm.s32 $0x7C00  }
0x2d7: {  	[spmem:s1] =	stream.linear.scatter [tilespmem:s0], [sflag:$0x3], $0x80, $0x38;
	[tilespmem:$0x1C280] =	vst v63  }
0x2d8: {  	s1 =	sld [smem:$0x77F];
	_ =	sdelay $0x1  }
0x2d9: {  	s0 =	simm.s32 $0x8000  }
0x2da: {  	[spmem:s1] =	stream.linear.scatter [tilespmem:s0], [sflag:$0x3], $0x80, $0x38;
	[tilespmem:$0x1C280] =	vst v63  }
0x2db: {  	s1 =	rddreg [dreg:$0x1e];
	s0 =	simm.s32 $0x480  }
0x2dc: {  	[spmem:s1] =	stream.linear.scatter [tilespmem:s0], [sflag:$0x4], $0x80, $0x38;
	[tilespmem:$0x1C280] =	vst v63  }
0x2dd: {  	s1 =	sld [smem:$0x780];
	_ =	sdelay $0x1  }
0x2de: {  	s0 =	simm.s32 $0x880  }
0x2df: {  	[spmem:s1] =	stream.linear.scatter [tilespmem:s0], [sflag:$0x4], $0x80, $0x38;
	[tilespmem:$0x1C280] =	vst v63  }
0x2e0: {  	s1 =	sld [smem:$0x781];
	_ =	sdelay $0x1  }
0x2e1: {  	s0 =	simm.s32 $0xC80  }
0x2e2: {  	[spmem:s1] =	stream.linear.scatter [tilespmem:s0], [sflag:$0x4], $0x80, $0x38;
	[tilespmem:$0x1C280] =	vst v63  }
0x2e3: {  	s1 =	sld [smem:$0x782];
	_ =	sdelay $0x1  }
0x2e4: {  	s0 =	simm.s32 $0x1080  }
0x2e5: {  	[spmem:s1] =	stream.linear.scatter [tilespmem:s0], [sflag:$0x4], $0x80, $0x38;
	[tilespmem:$0x1C280] =	vst v63  }
0x2e6: {  	s1 =	sld [smem:$0x783];
	_ =	sdelay $0x1  }
0x2e7: {  	s0 =	simm.s32 $0x1480  }
0x2e8: {  	[spmem:s1] =	stream.linear.scatter [tilespmem:s0], [sflag:$0x4], $0x80, $0x38;
	[tilespmem:$0x1C280] =	vst v63  }
0x2e9: {  	s1 =	sld [smem:$0x784];
	_ =	sdelay $0x1  }
0x2ea: {  	s0 =	simm.s32 $0x1880  }
0x2eb: {  	[spmem:s1] =	stream.linear.scatter [tilespmem:s0], [sflag:$0x4], $0x80, $0x38;
	[tilespmem:$0x1C280] =	vst v63  }
0x2ec: {  	s1 =	sld [smem:$0x785];
	_ =	sdelay $0x1  }
0x2ed: {  	s0 =	simm.s32 $0x1C80  }
0x2ee: {  	[spmem:s1] =	stream.linear.scatter [tilespmem:s0], [sflag:$0x4], $0x80, $0x38;
	[tilespmem:$0x1C280] =	vst v63  }
0x2ef: {  	s1 =	sld [smem:$0x786];
	_ =	sdelay $0x1  }
0x2f0: {  	s0 =	simm.s32 $0x2080  }
0x2f1: {  	[spmem:s1] =	stream.linear.scatter [tilespmem:s0], [sflag:$0x4], $0x80, $0x38;
	[tilespmem:$0x1C280] =	vst v63  }
0x2f2: {  	s1 =	sld [smem:$0x787];
	_ =	sdelay $0x1  }
0x2f3: {  	s0 =	simm.s32 $0x2480  }
0x2f4: {  	[spmem:s1] =	stream.linear.scatter [tilespmem:s0], [sflag:$0x4], $0x80, $0x38;
	[tilespmem:$0x1C280] =	vst v63  }
0x2f5: {  	s1 =	sld [smem:$0x788];
	_ =	sdelay $0x1  }
0x2f6: {  	s0 =	simm.s32 $0x2880  }
0x2f7: {  	[spmem:s1] =	stream.linear.scatter [tilespmem:s0], [sflag:$0x4], $0x80, $0x38;
	[tilespmem:$0x1C280] =	vst v63  }
0x2f8: {  	s1 =	sld [smem:$0x789];
	_ =	sdelay $0x1  }
0x2f9: {  	s0 =	simm.s32 $0x2C80  }
0x2fa: {  	[spmem:s1] =	stream.linear.scatter [tilespmem:s0], [sflag:$0x4], $0x80, $0x38;
	[tilespmem:$0x1C280] =	vst v63  }
0x2fb: {  	s1 =	sld [smem:$0x78A];
	_ =	sdelay $0x1  }
0x2fc: {  	s0 =	simm.s32 $0x3080  }
0x2fd: {  	[spmem:s1] =	stream.linear.scatter [tilespmem:s0], [sflag:$0x4], $0x80, $0x38;
	[tilespmem:$0x1C280] =	vst v63  }
0x2fe: {  	s1 =	sld [smem:$0x78B];
	_ =	sdelay $0x1  }
0x2ff: {  	s0 =	simm.s32 $0x3480  }
0x300: {  	[spmem:s1] =	stream.linear.scatter [tilespmem:s0], [sflag:$0x4], $0x80, $0x38;
	[tilespmem:$0x1C280] =	vst v63  }
0x301: {  	s1 =	sld [smem:$0x78C];
	_ =	sdelay $0x1  }
0x302: {  	s0 =	simm.s32 $0x3880  }
0x303: {  	[spmem:s1] =	stream.linear.scatter [tilespmem:s0], [sflag:$0x4], $0x80, $0x38;
	[tilespmem:$0x1C280] =	vst v63  }
0x304: {  	s1 =	sld [smem:$0x78D];
	_ =	sdelay $0x1  }
0x305: {  	s0 =	simm.s32 $0x3C80  }
0x306: {  	[spmem:s1] =	stream.linear.scatter [tilespmem:s0], [sflag:$0x4], $0x80, $0x38;
	[tilespmem:$0x1C280] =	vst v63  }
0x307: {  	s1 =	sld [smem:$0x78E];
	_ =	sdelay $0x1  }
0x308: {  	s0 =	simm.s32 $0x4080  }
0x309: {  	[spmem:s1] =	stream.linear.scatter [tilespmem:s0], [sflag:$0x4], $0x80, $0x38;
	[tilespmem:$0x1C280] =	vst v63  }
0x30a: {  	s1 =	sld [smem:$0x78F];
	_ =	sdelay $0x1  }
0x30b: {  	s0 =	simm.s32 $0x4480  }
0x30c: {  	[spmem:s1] =	stream.linear.scatter [tilespmem:s0], [sflag:$0x4], $0x80, $0x38;
	[tilespmem:$0x1C280] =	vst v63  }
0x30d: {  	s1 =	sld [smem:$0x790];
	_ =	sdelay $0x1  }
0x30e: {  	s0 =	simm.s32 $0x4880  }
0x30f: {  	[spmem:s1] =	stream.linear.scatter [tilespmem:s0], [sflag:$0x4], $0x80, $0x38;
	[tilespmem:$0x1C280] =	vst v63  }
0x310: {  	s1 =	sld [smem:$0x791];
	_ =	sdelay $0x1  }
0x311: {  	s0 =	simm.s32 $0x4C80  }
0x312: {  	[spmem:s1] =	stream.linear.scatter [tilespmem:s0], [sflag:$0x4], $0x80, $0x38;
	[tilespmem:$0x1C280] =	vst v63  }
0x313: {  	s1 =	sld [smem:$0x792];
	_ =	sdelay $0x1  }
0x314: {  	s0 =	simm.s32 $0x5080  }
0x315: {  	[spmem:s1] =	stream.linear.scatter [tilespmem:s0], [sflag:$0x4], $0x80, $0x38;
	[tilespmem:$0x1C280] =	vst v63  }
0x316: {  	s1 =	sld [smem:$0x793];
	_ =	sdelay $0x1  }
0x317: {  	s0 =	simm.s32 $0x5480  }
0x318: {  	[spmem:s1] =	stream.linear.scatter [tilespmem:s0], [sflag:$0x4], $0x80, $0x38;
	[tilespmem:$0x1C280] =	vst v63  }
0x319: {  	s1 =	sld [smem:$0x794];
	_ =	sdelay $0x1  }
0x31a: {  	s0 =	simm.s32 $0x5880  }
0x31b: {  	[spmem:s1] =	stream.linear.scatter [tilespmem:s0], [sflag:$0x4], $0x80, $0x38;
	[tilespmem:$0x1C280] =	vst v63  }
0x31c: {  	s1 =	sld [smem:$0x795];
	_ =	sdelay $0x1  }
0x31d: {  	s0 =	simm.s32 $0x5C80  }
0x31e: {  	[spmem:s1] =	stream.linear.scatter [tilespmem:s0], [sflag:$0x4], $0x80, $0x38;
	[tilespmem:$0x1C280] =	vst v63  }
0x31f: {  	s1 =	sld [smem:$0x796];
	_ =	sdelay $0x1  }
0x320: {  	s0 =	simm.s32 $0x6080  }
0x321: {  	[spmem:s1] =	stream.linear.scatter [tilespmem:s0], [sflag:$0x4], $0x80, $0x38;
	[tilespmem:$0x1C280] =	vst v63  }
0x322: {  	s1 =	sld [smem:$0x797];
	_ =	sdelay $0x1  }
0x323: {  	s0 =	simm.s32 $0x6480  }
0x324: {  	[spmem:s1] =	stream.linear.scatter [tilespmem:s0], [sflag:$0x4], $0x80, $0x38;
	[tilespmem:$0x1C280] =	vst v63  }
0x325: {  	s1 =	sld [smem:$0x798];
	_ =	sdelay $0x1  }
0x326: {  	s0 =	simm.s32 $0x6880  }
0x327: {  	[spmem:s1] =	stream.linear.scatter [tilespmem:s0], [sflag:$0x4], $0x80, $0x38;
	[tilespmem:$0x1C280] =	vst v63  }
0x328: {  	s1 =	sld [smem:$0x799];
	_ =	sdelay $0x1  }
0x329: {  	s0 =	simm.s32 $0x6C80  }
0x32a: {  	[spmem:s1] =	stream.linear.scatter [tilespmem:s0], [sflag:$0x4], $0x80, $0x38;
	[tilespmem:$0x1C280] =	vst v63  }
0x32b: {  	s1 =	sld [smem:$0x79A];
	_ =	sdelay $0x1  }
0x32c: {  	s0 =	simm.s32 $0x7080  }
0x32d: {  	[spmem:s1] =	stream.linear.scatter [tilespmem:s0], [sflag:$0x4], $0x80, $0x38;
	[tilespmem:$0x1C280] =	vst v63  }
0x32e: {  	s1 =	sld [smem:$0x79B];
	_ =	sdelay $0x1  }
0x32f: {  	s0 =	simm.s32 $0x7480  }
0x330: {  	[spmem:s1] =	stream.linear.scatter [tilespmem:s0], [sflag:$0x4], $0x80, $0x38;
	[tilespmem:$0x1C280] =	vst v63  }
0x331: {  	s1 =	sld [smem:$0x79C];
	_ =	sdelay $0x1  }
0x332: {  	s0 =	simm.s32 $0x7880  }
0x333: {  	[spmem:s1] =	stream.linear.scatter [tilespmem:s0], [sflag:$0x4], $0x80, $0x38;
	[tilespmem:$0x1C280] =	vst v63  }
0x334: {  	s1 =	sld [smem:$0x79D];
	_ =	sdelay $0x1  }
0x335: {  	s0 =	simm.s32 $0x7C80  }
0x336: {  	[spmem:s1] =	stream.linear.scatter [tilespmem:s0], [sflag:$0x4], $0x80, $0x38;
	[tilespmem:$0x1C280] =	vst v63  }
0x337: {  	s1 =	sld [smem:$0x79E];
	_ =	sdelay $0x1  }
0x338: {  	s0 =	simm.s32 $0x8080  }
0x339: {  	[spmem:s1] =	stream.linear.scatter [tilespmem:s0], [sflag:$0x4], $0x80, $0x38;
	[tilespmem:$0x1C280] =	vst v63  }
0x33a: {  	s1 =	rddreg [dreg:$0x1f];
	s0 =	simm.s32 $0x500  }
0x33b: {  	[spmem:s1] =	stream.linear.scatter [tilespmem:s0], [sflag:$0x4], $0x80, $0x38;
	[tilespmem:$0x1C280] =	vst v63  }
0x33c: {  	s1 =	sld [smem:$0x79F];
	_ =	sdelay $0x1  }
0x33d: {  	s0 =	simm.s32 $0x900  }
0x33e: {  	[spmem:s1] =	stream.linear.scatter [tilespmem:s0], [sflag:$0x4], $0x80, $0x38;
	[tilespmem:$0x1C280] =	vst v63  }
0x33f: {  	s1 =	sld [smem:$0x7A0];
	_ =	sdelay $0x1  }
0x340: {  	s0 =	simm.s32 $0xD00  }
0x341: {  	[spmem:s1] =	stream.linear.scatter [tilespmem:s0], [sflag:$0x4], $0x80, $0x38;
	[tilespmem:$0x1C280] =	vst v63  }
0x342: {  	s1 =	sld [smem:$0x7A1];
	_ =	sdelay $0x1  }
0x343: {  	s0 =	simm.s32 $0x1100  }
0x344: {  	[spmem:s1] =	stream.linear.scatter [tilespmem:s0], [sflag:$0x4], $0x80, $0x38;
	[tilespmem:$0x1C280] =	vst v63  }
0x345: {  	s1 =	sld [smem:$0x7A2];
	_ =	sdelay $0x1  }
0x346: {  	s0 =	simm.s32 $0x1500  }
0x347: {  	[spmem:s1] =	stream.linear.scatter [tilespmem:s0], [sflag:$0x4], $0x80, $0x38;
	[tilespmem:$0x1C280] =	vst v63  }
0x348: {  	s1 =	sld [smem:$0x7A3];
	_ =	sdelay $0x1  }
0x349: {  	s0 =	simm.s32 $0x1900  }
0x34a: {  	[spmem:s1] =	stream.linear.scatter [tilespmem:s0], [sflag:$0x4], $0x80, $0x38;
	[tilespmem:$0x1C280] =	vst v63  }
0x34b: {  	s1 =	sld [smem:$0x7A4];
	_ =	sdelay $0x1  }
0x34c: {  	s0 =	simm.s32 $0x1D00  }
0x34d: {  	[spmem:s1] =	stream.linear.scatter [tilespmem:s0], [sflag:$0x4], $0x80, $0x38;
	[tilespmem:$0x1C280] =	vst v63  }
0x34e: {  	s1 =	sld [smem:$0x7A5];
	_ =	sdelay $0x1  }
0x34f: {  	s0 =	simm.s32 $0x2100  }
0x350: {  	[spmem:s1] =	stream.linear.scatter [tilespmem:s0], [sflag:$0x4], $0x80, $0x38;
	[tilespmem:$0x1C280] =	vst v63  }
0x351: {  	s1 =	sld [smem:$0x7A6];
	_ =	sdelay $0x1  }
0x352: {  	s0 =	simm.s32 $0x2500  }
0x353: {  	[spmem:s1] =	stream.linear.scatter [tilespmem:s0], [sflag:$0x4], $0x80, $0x38;
	[tilespmem:$0x1C280] =	vst v63  }
0x354: {  	s1 =	sld [smem:$0x7A7];
	_ =	sdelay $0x1  }
0x355: {  	s0 =	simm.s32 $0x2900  }
0x356: {  	[spmem:s1] =	stream.linear.scatter [tilespmem:s0], [sflag:$0x4], $0x80, $0x38;
	[tilespmem:$0x1C280] =	vst v63  }
0x357: {  	s1 =	sld [smem:$0x7A8];
	_ =	sdelay $0x1  }
0x358: {  	s0 =	simm.s32 $0x2D00  }
0x359: {  	[spmem:s1] =	stream.linear.scatter [tilespmem:s0], [sflag:$0x4], $0x80, $0x38;
	[tilespmem:$0x1C280] =	vst v63  }
0x35a: {  	s1 =	sld [smem:$0x7A9];
	_ =	sdelay $0x1  }
0x35b: {  	s0 =	simm.s32 $0x3100  }
0x35c: {  	[spmem:s1] =	stream.linear.scatter [tilespmem:s0], [sflag:$0x4], $0x80, $0x38;
	[tilespmem:$0x1C280] =	vst v63  }
0x35d: {  	s1 =	sld [smem:$0x7AA];
	_ =	sdelay $0x1  }
0x35e: {  	s0 =	simm.s32 $0x3500  }
0x35f: {  	[spmem:s1] =	stream.linear.scatter [tilespmem:s0], [sflag:$0x4], $0x80, $0x38;
	[tilespmem:$0x1C280] =	vst v63  }
0x360: {  	s1 =	sld [smem:$0x7AB];
	_ =	sdelay $0x1  }
0x361: {  	s0 =	simm.s32 $0x3900  }
0x362: {  	[spmem:s1] =	stream.linear.scatter [tilespmem:s0], [sflag:$0x4], $0x80, $0x38;
	[tilespmem:$0x1C280] =	vst v63  }
0x363: {  	s1 =	sld [smem:$0x7AC];
	_ =	sdelay $0x1  }
0x364: {  	s0 =	simm.s32 $0x3D00  }
0x365: {  	[spmem:s1] =	stream.linear.scatter [tilespmem:s0], [sflag:$0x4], $0x80, $0x38;
	[tilespmem:$0x1C280] =	vst v63  }
0x366: {  	s1 =	sld [smem:$0x7AD];
	_ =	sdelay $0x1  }
0x367: {  	s0 =	simm.s32 $0x4100  }
0x368: {  	[spmem:s1] =	stream.linear.scatter [tilespmem:s0], [sflag:$0x4], $0x80, $0x38;
	[tilespmem:$0x1C280] =	vst v63  }
0x369: {  	s1 =	sld [smem:$0x7AE];
	_ =	sdelay $0x1  }
0x36a: {  	s0 =	simm.s32 $0x4500  }
0x36b: {  	[spmem:s1] =	stream.linear.scatter [tilespmem:s0], [sflag:$0x4], $0x80, $0x38;
	[tilespmem:$0x1C280] =	vst v63  }
0x36c: {  	s1 =	sld [smem:$0x7AF];
	_ =	sdelay $0x1  }
0x36d: {  	s0 =	simm.s32 $0x4900  }
0x36e: {  	[spmem:s1] =	stream.linear.scatter [tilespmem:s0], [sflag:$0x4], $0x80, $0x38;
	[tilespmem:$0x1C280] =	vst v63  }
0x36f: {  	s1 =	sld [smem:$0x7B0];
	_ =	sdelay $0x1  }
0x370: {  	s0 =	simm.s32 $0x4D00  }
0x371: {  	[spmem:s1] =	stream.linear.scatter [tilespmem:s0], [sflag:$0x4], $0x80, $0x38;
	[tilespmem:$0x1C280] =	vst v63  }
0x372: {  	s1 =	sld [smem:$0x7B1];
	_ =	sdelay $0x1  }
0x373: {  	s0 =	simm.s32 $0x5100  }
0x374: {  	[spmem:s1] =	stream.linear.scatter [tilespmem:s0], [sflag:$0x4], $0x80, $0x38;
	[tilespmem:$0x1C280] =	vst v63  }
0x375: {  	s1 =	sld [smem:$0x7B2];
	_ =	sdelay $0x1  }
0x376: {  	s0 =	simm.s32 $0x5500  }
0x377: {  	[spmem:s1] =	stream.linear.scatter [tilespmem:s0], [sflag:$0x4], $0x80, $0x38;
	[tilespmem:$0x1C280] =	vst v63  }
0x378: {  	s1 =	sld [smem:$0x7B3];
	_ =	sdelay $0x1  }
0x379: {  	s0 =	simm.s32 $0x5900  }
0x37a: {  	[spmem:s1] =	stream.linear.scatter [tilespmem:s0], [sflag:$0x4], $0x80, $0x38;
	[tilespmem:$0x1C280] =	vst v63  }
0x37b: {  	s1 =	sld [smem:$0x7B4];
	_ =	sdelay $0x1  }
0x37c: {  	s0 =	simm.s32 $0x5D00  }
0x37d: {  	[spmem:s1] =	stream.linear.scatter [tilespmem:s0], [sflag:$0x4], $0x80, $0x38;
	[tilespmem:$0x1C280] =	vst v63  }
0x37e: {  	s1 =	sld [smem:$0x7B5];
	_ =	sdelay $0x1  }
0x37f: {  	s0 =	simm.s32 $0x6100  }
0x380: {  	[spmem:s1] =	stream.linear.scatter [tilespmem:s0], [sflag:$0x4], $0x80, $0x38;
	[tilespmem:$0x1C280] =	vst v63  }
0x381: {  	s1 =	sld [smem:$0x7B6];
	_ =	sdelay $0x1  }
0x382: {  	s0 =	simm.s32 $0x6500  }
0x383: {  	[spmem:s1] =	stream.linear.scatter [tilespmem:s0], [sflag:$0x4], $0x80, $0x38;
	[tilespmem:$0x1C280] =	vst v63  }
0x384: {  	s1 =	sld [smem:$0x7B7];
	_ =	sdelay $0x1  }
0x385: {  	s0 =	simm.s32 $0x6900  }
0x386: {  	[spmem:s1] =	stream.linear.scatter [tilespmem:s0], [sflag:$0x4], $0x80, $0x38;
	[tilespmem:$0x1C280] =	vst v63  }
0x387: {  	s1 =	sld [smem:$0x7B8];
	_ =	sdelay $0x1  }
0x388: {  	s0 =	simm.s32 $0x6D00  }
0x389: {  	[spmem:s1] =	stream.linear.scatter [tilespmem:s0], [sflag:$0x4], $0x80, $0x38;
	[tilespmem:$0x1C280] =	vst v63  }
0x38a: {  	s1 =	sld [smem:$0x7B9];
	_ =	sdelay $0x1  }
0x38b: {  	s0 =	simm.s32 $0x7100  }
0x38c: {  	[spmem:s1] =	stream.linear.scatter [tilespmem:s0], [sflag:$0x4], $0x80, $0x38;
	[tilespmem:$0x1C280] =	vst v63  }
0x38d: {  	s1 =	sld [smem:$0x7BA];
	_ =	sdelay $0x1  }
0x38e: {  	s0 =	simm.s32 $0x7500  }
0x38f: {  	[spmem:s1] =	stream.linear.scatter [tilespmem:s0], [sflag:$0x4], $0x80, $0x38;
	[tilespmem:$0x1C280] =	vst v63  }
0x390: {  	s1 =	sld [smem:$0x7BB];
	_ =	sdelay $0x1  }
0x391: {  	s0 =	simm.s32 $0x7900  }
0x392: {  	[spmem:s1] =	stream.linear.scatter [tilespmem:s0], [sflag:$0x4], $0x80, $0x38;
	[tilespmem:$0x1C280] =	vst v63  }
0x393: {  	s1 =	sld [smem:$0x7BC];
	_ =	sdelay $0x1  }
0x394: {  	s0 =	simm.s32 $0x7D00  }
0x395: {  	[spmem:s1] =	stream.linear.scatter [tilespmem:s0], [sflag:$0x4], $0x80, $0x38;
	[tilespmem:$0x1C280] =	vst v63  }
0x396: {  	s1 =	sld [smem:$0x7BD];
	_ =	sdelay $0x1  }
0x397: {  	s0 =	simm.s32 $0x8100  }
0x398: {  	[spmem:s1] =	stream.linear.scatter [tilespmem:s0], [sflag:$0x4], $0x80, $0x38;
	[tilespmem:$0x1C280] =	vst v63  }
0x399: {  	s1 =	sld [smem:$0x7DC];
	_ =	sdelay $0x1  }
0x39a: {  	s0 =	simm.s32 $0x580  }
0x39b: {  	[spmem:s1] =	stream.linear.scatter [tilespmem:s0], [sflag:$0x4], $0x80, $0x38;
	[tilespmem:$0x1C280] =	vst v63  }
0x39c: {  	s1 =	sld [smem:$0x7BE];
	_ =	sdelay $0x1  }
0x39d: {  	s0 =	simm.s32 $0x980  }
0x39e: {  	[spmem:s1] =	stream.linear.scatter [tilespmem:s0], [sflag:$0x4], $0x80, $0x38;
	[tilespmem:$0x1C280] =	vst v63  }
0x39f: {  	s1 =	sld [smem:$0x7BF];
	_ =	sdelay $0x1  }
0x3a0: {  	s0 =	simm.s32 $0xD80  }
0x3a1: {  	[spmem:s1] =	stream.linear.scatter [tilespmem:s0], [sflag:$0x4], $0x80, $0x38;
	[tilespmem:$0x1C280] =	vst v63  }
0x3a2: {  	s1 =	sld [smem:$0x7C0];
	_ =	sdelay $0x1  }
0x3a3: {  	s0 =	simm.s32 $0x1180  }
0x3a4: {  	[spmem:s1] =	stream.linear.scatter [tilespmem:s0], [sflag:$0x4], $0x80, $0x38;
	[tilespmem:$0x1C280] =	vst v63  }
0x3a5: {  	s1 =	sld [smem:$0x7C1];
	_ =	sdelay $0x1  }
0x3a6: {  	s0 =	simm.s32 $0x1580  }
0x3a7: {  	[spmem:s1] =	stream.linear.scatter [tilespmem:s0], [sflag:$0x4], $0x80, $0x38;
	[tilespmem:$0x1C280] =	vst v63  }
0x3a8: {  	s1 =	sld [smem:$0x7C2];
	_ =	sdelay $0x1  }
0x3a9: {  	s0 =	simm.s32 $0x1980  }
0x3aa: {  	[spmem:s1] =	stream.linear.scatter [tilespmem:s0], [sflag:$0x4], $0x80, $0x38;
	[tilespmem:$0x1C280] =	vst v63  }
0x3ab: {  	s1 =	sld [smem:$0x7C3];
	_ =	sdelay $0x1  }
0x3ac: {  	s0 =	simm.s32 $0x1D80  }
0x3ad: {  	[spmem:s1] =	stream.linear.scatter [tilespmem:s0], [sflag:$0x4], $0x80, $0x38;
	[tilespmem:$0x1C280] =	vst v63  }
0x3ae: {  	s1 =	sld [smem:$0x7C4];
	_ =	sdelay $0x1  }
0x3af: {  	s0 =	simm.s32 $0x2180  }
0x3b0: {  	[spmem:s1] =	stream.linear.scatter [tilespmem:s0], [sflag:$0x4], $0x80, $0x38;
	[tilespmem:$0x1C280] =	vst v63  }
0x3b1: {  	s1 =	sld [smem:$0x7C5];
	_ =	sdelay $0x1  }
0x3b2: {  	s0 =	simm.s32 $0x2580  }
0x3b3: {  	[spmem:s1] =	stream.linear.scatter [tilespmem:s0], [sflag:$0x4], $0x80, $0x38;
	[tilespmem:$0x1C280] =	vst v63  }
0x3b4: {  	s1 =	sld [smem:$0x7C6];
	_ =	sdelay $0x1  }
0x3b5: {  	s0 =	simm.s32 $0x2980  }
0x3b6: {  	[spmem:s1] =	stream.linear.scatter [tilespmem:s0], [sflag:$0x4], $0x80, $0x38;
	[tilespmem:$0x1C280] =	vst v63  }
0x3b7: {  	s1 =	sld [smem:$0x7C7];
	_ =	sdelay $0x1  }
0x3b8: {  	s0 =	simm.s32 $0x2D80  }
0x3b9: {  	[spmem:s1] =	stream.linear.scatter [tilespmem:s0], [sflag:$0x4], $0x80, $0x38;
	[tilespmem:$0x1C280] =	vst v63  }
0x3ba: {  	s1 =	sld [smem:$0x7C8];
	_ =	sdelay $0x1  }
0x3bb: {  	s0 =	simm.s32 $0x3180  }
0x3bc: {  	[spmem:s1] =	stream.linear.scatter [tilespmem:s0], [sflag:$0x4], $0x80, $0x38;
	[tilespmem:$0x1C280] =	vst v63  }
0x3bd: {  	s1 =	sld [smem:$0x7C9];
	_ =	sdelay $0x1  }
0x3be: {  	s0 =	simm.s32 $0x3580  }
0x3bf: {  	[spmem:s1] =	stream.linear.scatter [tilespmem:s0], [sflag:$0x4], $0x80, $0x38;
	[tilespmem:$0x1C280] =	vst v63  }
0x3c0: {  	s1 =	sld [smem:$0x7CA];
	_ =	sdelay $0x1  }
0x3c1: {  	s0 =	simm.s32 $0x3980  }
0x3c2: {  	[spmem:s1] =	stream.linear.scatter [tilespmem:s0], [sflag:$0x4], $0x80, $0x38;
	[tilespmem:$0x1C280] =	vst v63  }
0x3c3: {  	s1 =	sld [smem:$0x7CB];
	_ =	sdelay $0x1  }
0x3c4: {  	s0 =	simm.s32 $0x3D80  }
0x3c5: {  	[spmem:s1] =	stream.linear.scatter [tilespmem:s0], [sflag:$0x4], $0x80, $0x38;
	[tilespmem:$0x1C280] =	vst v63  }
0x3c6: {  	s1 =	sld [smem:$0x7CC];
	_ =	sdelay $0x1  }
0x3c7: {  	s0 =	simm.s32 $0x4180  }
0x3c8: {  	[spmem:s1] =	stream.linear.scatter [tilespmem:s0], [sflag:$0x4], $0x80, $0x38;
	[tilespmem:$0x1C280] =	vst v63  }
0x3c9: {  	s1 =	sld [smem:$0x7CD];
	_ =	sdelay $0x1  }
0x3ca: {  	s0 =	simm.s32 $0x4580  }
0x3cb: {  	[spmem:s1] =	stream.linear.scatter [tilespmem:s0], [sflag:$0x4], $0x80, $0x38;
	[tilespmem:$0x1C280] =	vst v63  }
0x3cc: {  	s1 =	sld [smem:$0x7CE];
	_ =	sdelay $0x1  }
0x3cd: {  	s0 =	simm.s32 $0x4980  }
0x3ce: {  	[spmem:s1] =	stream.linear.scatter [tilespmem:s0], [sflag:$0x4], $0x80, $0x38;
	[tilespmem:$0x1C280] =	vst v63  }
0x3cf: {  	s1 =	sld [smem:$0x7CF];
	_ =	sdelay $0x1  }
0x3d0: {  	s0 =	simm.s32 $0x4D80  }
0x3d1: {  	[spmem:s1] =	stream.linear.scatter [tilespmem:s0], [sflag:$0x4], $0x80, $0x38;
	[tilespmem:$0x1C280] =	vst v63  }
0x3d2: {  	s1 =	sld [smem:$0x7D0];
	_ =	sdelay $0x1  }
0x3d3: {  	s0 =	simm.s32 $0x5180  }
0x3d4: {  	[spmem:s1] =	stream.linear.scatter [tilespmem:s0], [sflag:$0x4], $0x80, $0x38;
	[tilespmem:$0x1C280] =	vst v63  }
0x3d5: {  	s1 =	sld [smem:$0x7D1];
	_ =	sdelay $0x1  }
0x3d6: {  	s0 =	simm.s32 $0x5580  }
0x3d7: {  	[spmem:s1] =	stream.linear.scatter [tilespmem:s0], [sflag:$0x4], $0x80, $0x38;
	[tilespmem:$0x1C280] =	vst v63  }
0x3d8: {  	s1 =	sld [smem:$0x7D2];
	_ =	sdelay $0x1  }
0x3d9: {  	s0 =	simm.s32 $0x5980  }
0x3da: {  	[spmem:s1] =	stream.linear.scatter [tilespmem:s0], [sflag:$0x4], $0x80, $0x38;
	[tilespmem:$0x1C280] =	vst v63  }
0x3db: {  	s1 =	sld [smem:$0x7D3];
	_ =	sdelay $0x1  }
0x3dc: {  	s0 =	simm.s32 $0x5D80  }
0x3dd: {  	[spmem:s1] =	stream.linear.scatter [tilespmem:s0], [sflag:$0x4], $0x80, $0x38;
	[tilespmem:$0x1C280] =	vst v63  }
0x3de: {  	s1 =	sld [smem:$0x7D4];
	_ =	sdelay $0x1  }
0x3df: {  	s0 =	simm.s32 $0x6180  }
0x3e0: {  	[spmem:s1] =	stream.linear.scatter [tilespmem:s0], [sflag:$0x4], $0x80, $0x38;
	[tilespmem:$0x1C280] =	vst v63  }
0x3e1: {  	s1 =	sld [smem:$0x7D5];
	_ =	sdelay $0x1  }
0x3e2: {  	s0 =	simm.s32 $0x6580  }
0x3e3: {  	[spmem:s1] =	stream.linear.scatter [tilespmem:s0], [sflag:$0x4], $0x80, $0x38;
	[tilespmem:$0x1C280] =	vst v63  }
0x3e4: {  	s1 =	sld [smem:$0x7D6];
	_ =	sdelay $0x1  }
0x3e5: {  	s0 =	simm.s32 $0x6980  }
0x3e6: {  	[spmem:s1] =	stream.linear.scatter [tilespmem:s0], [sflag:$0x4], $0x80, $0x38;
	[tilespmem:$0x1C280] =	vst v63  }
0x3e7: {  	s1 =	sld [smem:$0x7D7];
	_ =	sdelay $0x1  }
0x3e8: {  	s0 =	simm.s32 $0x6D80  }
0x3e9: {  	[spmem:s1] =	stream.linear.scatter [tilespmem:s0], [sflag:$0x4], $0x80, $0x38;
	[tilespmem:$0x1C280] =	vst v63  }
0x3ea: {  	s1 =	sld [smem:$0x7D8];
	_ =	sdelay $0x1  }
0x3eb: {  	s0 =	simm.s32 $0x7180  }
0x3ec: {  	[spmem:s1] =	stream.linear.scatter [tilespmem:s0], [sflag:$0x4], $0x80, $0x38;
	[tilespmem:$0x1C280] =	vst v63  }
0x3ed: {  	s1 =	sld [smem:$0x7D9];
	_ =	sdelay $0x1  }
0x3ee: {  	s0 =	simm.s32 $0x7580  }
0x3ef: {  	[spmem:s1] =	stream.linear.scatter [tilespmem:s0], [sflag:$0x4], $0x80, $0x38;
	[tilespmem:$0x1C280] =	vst v63  }
0x3f0: {  	s1 =	sld [smem:$0x7DA];
	_ =	sdelay $0x1  }
0x3f1: {  	s0 =	simm.s32 $0x7980  }
0x3f2: {  	[spmem:s1] =	stream.linear.scatter [tilespmem:s0], [sflag:$0x4], $0x80, $0x38;
	[tilespmem:$0x1C280] =	vst v63  }
0x3f3: {  	s1 =	sld [smem:$0x7DB];
	_ =	sdelay $0x1  }
0x3f4: {  	s0 =	simm.s32 $0x7D80  }
0x3f5: {  	[spmem:s1] =	stream.linear.scatter [tilespmem:s0], [sflag:$0x4], $0x80, $0x38;
	[tilespmem:$0x1C280] =	vst v63  }
0x3f6: {  	s1 =	sld [smem:$0x7DD];
	_ =	sdelay $0x1  }
0x3f7: {  	s0 =	simm.s32 $0x8180  }
0x3f8: {  	[spmem:s1] =	stream.linear.scatter [tilespmem:s0], [sflag:$0x4], $0x80, $0x38;
	[tilespmem:$0x1C280] =	vst v63  }
0x3f9: {  	s1 =	sld [smem:$0x7FC];
	_ =	sdelay $0x1  }
0x3fa: {  	s0 =	simm.s32 $0x600  }
0x3fb: {  	[spmem:s1] =	stream.linear.scatter [tilespmem:s0], [sflag:$0x4], $0x80, $0x38;
	[tilespmem:$0x1C280] =	vst v63  }
0x3fc: {  	s1 =	sld [smem:$0x7DE];
	_ =	sdelay $0x1  }
0x3fd: {  	s0 =	simm.s32 $0xA00  }
0x3fe: {  	[spmem:s1] =	stream.linear.scatter [tilespmem:s0], [sflag:$0x4], $0x80, $0x38;
	[tilespmem:$0x1C280] =	vst v63  }
0x3ff: {  	s1 =	sld [smem:$0x7DF];
	_ =	sdelay $0x1  }
0x400: {  	s0 =	simm.s32 $0xE00  }
0x401: {  	[spmem:s1] =	stream.linear.scatter [tilespmem:s0], [sflag:$0x4], $0x80, $0x38;
	[tilespmem:$0x1C280] =	vst v63  }
0x402: {  	s1 =	sld [smem:$0x7E0];
	_ =	sdelay $0x1  }
0x403: {  	s0 =	simm.s32 $0x1200  }
0x404: {  	[spmem:s1] =	stream.linear.scatter [tilespmem:s0], [sflag:$0x4], $0x80, $0x38;
	[tilespmem:$0x1C280] =	vst v63  }
0x405: {  	s1 =	sld [smem:$0x7E1];
	_ =	sdelay $0x1  }
0x406: {  	s0 =	simm.s32 $0x1600  }
0x407: {  	[spmem:s1] =	stream.linear.scatter [tilespmem:s0], [sflag:$0x4], $0x80, $0x38;
	[tilespmem:$0x1C280] =	vst v63  }
0x408: {  	s1 =	sld [smem:$0x7E2];
	_ =	sdelay $0x1  }
0x409: {  	s0 =	simm.s32 $0x1A00  }
0x40a: {  	[spmem:s1] =	stream.linear.scatter [tilespmem:s0], [sflag:$0x4], $0x80, $0x38;
	[tilespmem:$0x1C280] =	vst v63  }
0x40b: {  	s1 =	sld [smem:$0x7E3];
	_ =	sdelay $0x1  }
0x40c: {  	s0 =	simm.s32 $0x1E00  }
0x40d: {  	[spmem:s1] =	stream.linear.scatter [tilespmem:s0], [sflag:$0x4], $0x80, $0x38;
	[tilespmem:$0x1C280] =	vst v63  }
0x40e: {  	s1 =	sld [smem:$0x7E4];
	_ =	sdelay $0x1  }
0x40f: {  	s0 =	simm.s32 $0x2200  }
0x410: {  	[spmem:s1] =	stream.linear.scatter [tilespmem:s0], [sflag:$0x4], $0x80, $0x38;
	[tilespmem:$0x1C280] =	vst v63  }
0x411: {  	s1 =	sld [smem:$0x7E5];
	_ =	sdelay $0x1  }
0x412: {  	s0 =	simm.s32 $0x2600  }
0x413: {  	[spmem:s1] =	stream.linear.scatter [tilespmem:s0], [sflag:$0x4], $0x80, $0x38;
	[tilespmem:$0x1C280] =	vst v63  }
0x414: {  	s1 =	sld [smem:$0x7E6];
	_ =	sdelay $0x1  }
0x415: {  	s0 =	simm.s32 $0x2A00  }
0x416: {  	[spmem:s1] =	stream.linear.scatter [tilespmem:s0], [sflag:$0x4], $0x80, $0x38;
	[tilespmem:$0x1C280] =	vst v63  }
0x417: {  	s1 =	sld [smem:$0x7E7];
	_ =	sdelay $0x1  }
0x418: {  	s0 =	simm.s32 $0x2E00  }
0x419: {  	[spmem:s1] =	stream.linear.scatter [tilespmem:s0], [sflag:$0x4], $0x80, $0x38;
	[tilespmem:$0x1C280] =	vst v63  }
0x41a: {  	s1 =	sld [smem:$0x7E8];
	_ =	sdelay $0x1  }
0x41b: {  	s0 =	simm.s32 $0x3200  }
0x41c: {  	[spmem:s1] =	stream.linear.scatter [tilespmem:s0], [sflag:$0x4], $0x80, $0x38;
	[tilespmem:$0x1C280] =	vst v63  }
0x41d: {  	s1 =	sld [smem:$0x7E9];
	_ =	sdelay $0x1  }
0x41e: {  	s0 =	simm.s32 $0x3600  }
0x41f: {  	[spmem:s1] =	stream.linear.scatter [tilespmem:s0], [sflag:$0x4], $0x80, $0x38;
	[tilespmem:$0x1C280] =	vst v63  }
0x420: {  	s1 =	sld [smem:$0x7EA];
	_ =	sdelay $0x1  }
0x421: {  	s0 =	simm.s32 $0x3A00  }
0x422: {  	[spmem:s1] =	stream.linear.scatter [tilespmem:s0], [sflag:$0x4], $0x80, $0x38;
	[tilespmem:$0x1C280] =	vst v63  }
0x423: {  	s1 =	sld [smem:$0x7EB];
	_ =	sdelay $0x1  }
0x424: {  	s0 =	simm.s32 $0x3E00  }
0x425: {  	[spmem:s1] =	stream.linear.scatter [tilespmem:s0], [sflag:$0x4], $0x80, $0x38;
	[tilespmem:$0x1C280] =	vst v63  }
0x426: {  	s1 =	sld [smem:$0x7EC];
	_ =	sdelay $0x1  }
0x427: {  	s0 =	simm.s32 $0x4200  }
0x428: {  	[spmem:s1] =	stream.linear.scatter [tilespmem:s0], [sflag:$0x4], $0x80, $0x38;
	[tilespmem:$0x1C280] =	vst v63  }
0x429: {  	s1 =	sld [smem:$0x7ED];
	_ =	sdelay $0x1  }
0x42a: {  	s0 =	simm.s32 $0x4600  }
0x42b: {  	[spmem:s1] =	stream.linear.scatter [tilespmem:s0], [sflag:$0x4], $0x80, $0x38;
	[tilespmem:$0x1C280] =	vst v63  }
0x42c: {  	s1 =	sld [smem:$0x7EE];
	_ =	sdelay $0x1  }
0x42d: {  	s0 =	simm.s32 $0x4A00  }
0x42e: {  	[spmem:s1] =	stream.linear.scatter [tilespmem:s0], [sflag:$0x4], $0x80, $0x38;
	[tilespmem:$0x1C280] =	vst v63  }
0x42f: {  	s1 =	sld [smem:$0x7EF];
	_ =	sdelay $0x1  }
0x430: {  	s0 =	simm.s32 $0x4E00  }
0x431: {  	[spmem:s1] =	stream.linear.scatter [tilespmem:s0], [sflag:$0x4], $0x80, $0x38;
	[tilespmem:$0x1C280] =	vst v63  }
0x432: {  	s1 =	sld [smem:$0x7FD];
	_ =	sdelay $0x1  }
0x433: {  	s0 =	simm.s32 $0x5200  }
0x434: {  	[spmem:s1] =	stream.linear.scatter [tilespmem:s0], [sflag:$0x4], $0x80, $0x38;
	[tilespmem:$0x1C280] =	vst v63  }
0x435: {  	s1 =	sld [smem:$0x7FB];
	_ =	sdelay $0x1  }
0x436: {  	s0 =	simm.s32 $0x5600  }
0x437: {  	[spmem:s1] =	stream.linear.scatter [tilespmem:s0], [sflag:$0x4], $0x80, $0x38;
	[tilespmem:$0x1C280] =	vst v63  }
0x438: {  	s1 =	sld [smem:$0x7FA];
	_ =	sdelay $0x1  }
0x439: {  	s0 =	simm.s32 $0x5A00  }
0x43a: {  	[spmem:s1] =	stream.linear.scatter [tilespmem:s0], [sflag:$0x4], $0x80, $0x38;
	[tilespmem:$0x1C280] =	vst v63  }
0x43b: {  	s1 =	sld [smem:$0x7F9];
	_ =	sdelay $0x1  }
0x43c: {  	s0 =	simm.s32 $0x5E00  }
0x43d: {  	[spmem:s1] =	stream.linear.scatter [tilespmem:s0], [sflag:$0x4], $0x80, $0x38;
	[tilespmem:$0x1C280] =	vst v63  }
0x43e: {  	s1 =	sld [smem:$0x7F8];
	_ =	sdelay $0x1  }
0x43f: {  	s0 =	simm.s32 $0x6200  }
0x440: {  	[spmem:s1] =	stream.linear.scatter [tilespmem:s0], [sflag:$0x4], $0x80, $0x38;
	[tilespmem:$0x1C280] =	vst v63  }
0x441: {  	s1 =	sld [smem:$0x7F7];
	_ =	sdelay $0x1  }
0x442: {  	s0 =	simm.s32 $0x6600  }
0x443: {  	[spmem:s1] =	stream.linear.scatter [tilespmem:s0], [sflag:$0x4], $0x80, $0x38;
	[tilespmem:$0x1C280] =	vst v63  }
0x444: {  	s1 =	sld [smem:$0x7F6];
	_ =	sdelay $0x1  }
0x445: {  	s0 =	simm.s32 $0x6A00  }
0x446: {  	[spmem:s1] =	stream.linear.scatter [tilespmem:s0], [sflag:$0x4], $0x80, $0x38;
	[tilespmem:$0x1C280] =	vst v63  }
0x447: {  	s1 =	sld [smem:$0x7F5];
	_ =	sdelay $0x1  }
0x448: {  	s0 =	simm.s32 $0x6E00  }
0x449: {  	[spmem:s1] =	stream.linear.scatter [tilespmem:s0], [sflag:$0x4], $0x80, $0x38;
	[tilespmem:$0x1C280] =	vst v63  }
0x44a: {  	s1 =	sld [smem:$0x7F4];
	_ =	sdelay $0x1  }
0x44b: {  	s0 =	simm.s32 $0x7200  }
0x44c: {  	[spmem:s1] =	stream.linear.scatter [tilespmem:s0], [sflag:$0x4], $0x80, $0x38;
	[tilespmem:$0x1C280] =	vst v63  }
0x44d: {  	s1 =	sld [smem:$0x7F3];
	_ =	sdelay $0x1  }
0x44e: {  	s0 =	simm.s32 $0x7600  }
0x44f: {  	[spmem:s1] =	stream.linear.scatter [tilespmem:s0], [sflag:$0x4], $0x80, $0x38;
	[tilespmem:$0x1C280] =	vst v63  }
0x450: {  	s1 =	sld [smem:$0x7F2];
	_ =	sdelay $0x1  }
0x451: {  	s0 =	simm.s32 $0x7A00  }
0x452: {  	[spmem:s1] =	stream.linear.scatter [tilespmem:s0], [sflag:$0x4], $0x80, $0x38;
	[tilespmem:$0x1C280] =	vst v63  }
0x453: {  	s1 =	sld [smem:$0x7F1];
	_ =	sdelay $0x1  }
0x454: {  	s0 =	simm.s32 $0x7E00  }
0x455: {  	[spmem:s1] =	stream.linear.scatter [tilespmem:s0], [sflag:$0x4], $0x80, $0x38;
	[tilespmem:$0x1C280] =	vst v63  }
0x456: {  	s1 =	sld [smem:$0x7F0];
	_ =	sdelay $0x1  }
0x457: {  	s0 =	simm.s32 $0x8200  }
0x458: {  	[spmem:s1] =	stream.linear.scatter [tilespmem:s0], [sflag:$0x4], $0x80, $0x38;
	[tilespmem:$0x1C280] =	vst v63  }
0x459: {  	_ =	swait.ge [sflag:s10], $0x1000  }
0x45a: {  	[sflag:s10] =	ssyncset.done $0x0  }
0x45b: {  	[sflag:s10] =	ssyncadd.s32 $0xFFFFF000  }
0x45c: {  	_ =	swait.ge [sflag:s10], $0x1000  }
0x45d: {  	[sflag:s10] =	ssyncset.done $0x0  }
0x45e: {  	[sflag:s10] =	ssyncadd.s32 $0xFFFFF000  }
0x45f: {  	_ =	swait.ge [sflag:s10], $0x1000  }
0x460: {  	[sflag:s10] =	ssyncset.done $0x0  }
0x461: {  	[sflag:s10] =	ssyncadd.s32 $0xFFFFF000  }
0x462: {  	_ =	swait.ge [sflag:s10], $0x1000  }
0x463: {  	[sflag:s10] =	ssyncset.done $0x0  }
0x464: {  	[sflag:s10] =	ssyncadd.s32 $0xFFFFF000  }
0x465: {  	s3 =	simm.s32 $0x800;
	s1 =	simm.s32 $0x12280;
	s0 =	rddreg [dreg:$0x3]  }
0x466: {  	[tilespmem:s1], [sflag:$0x5] =	stream.indirect.gather [spmem:s0], $0x1, s2, s3, $0xb8;
	[tilespmem:$0x1C280] =	vst v63  }
0x467: {  	s3 =	simm.s32 $0x2  }
0x468: {  	_ =	swait.ge [sflag:s3], $0x8000  }
0x469: {  	[sflag:s3] =	ssyncset.done $0x0  }
0x46a: {  	[sflag:s3] =	ssyncadd.s32 $0xFFFF8000;
	s3 =	simm.s32 $0x5  }
0x46b: {  	_ =	swait.ge [sflag:s3], $0x800  }
0x46c: {  	[sflag:s3] =	ssyncset.done $0x0  }
0x46d: {  	s0 =	rddreg [dreg:$0x14];
	[sflag:s3] =	ssyncadd.s32 $0xFFFFF800  }
0x46e: {  	[hbm4b:s0+s5] =	stream.linear.scatter [tilespmem:s1], [sflag:$0x6], $0x800, $0x38;
	[tilespmem:$0x1C280] =	vst v63  }
0x46f: {  	s0 =	simm.s32 $0x8280;
	s1 =	rddreg [dreg:$0x1a]  }
0x470: {  	[spmem:s1] =	stream.linear.scatter [tilespmem:s0], [sflag:$0x3], $0x80, $0x38;
	[tilespmem:$0x1C280] =	vst v63  }
0x471: {  	s2 =	simm.s32 $0x8680  }
0x472: {  	[spmem:s23] =	stream.linear.scatter [tilespmem:s2], [sflag:$0x3], $0x80, $0x38;
	[tilespmem:$0x1C280] =	vst v63  }
0x473: {  	s1 =	simm.s32 $0x8A80  }
0x474: {  	[spmem:s24] =	stream.linear.scatter [tilespmem:s1], [sflag:$0x3], $0x80, $0x38;
	[tilespmem:$0x1C280] =	vst v63  }
0x475: {  	s2 =	simm.s32 $0x8E80  }
0x476: {  	[spmem:s26] =	stream.linear.scatter [tilespmem:s2], [sflag:$0x3], $0x80, $0x38;
	[tilespmem:$0x1C280] =	vst v63  }
0x477: {  	s1 =	simm.s32 $0x9280  }
0x478: {  	[spmem:s28] =	stream.linear.scatter [tilespmem:s1], [sflag:$0x3], $0x80, $0x38;
	[tilespmem:$0x1C280] =	vst v63  }
0x479: {  	s28 =	simm.s32 $0x9680  }
0x47a: {  	[spmem:s29] =	stream.linear.scatter [tilespmem:s28], [sflag:$0x3], $0x80, $0x38;
	[tilespmem:$0x1C280] =	vst v63  }
0x47b: {  	s29 =	simm.s32 $0x9A80  }
0x47c: {  	[spmem:s30] =	stream.linear.scatter [tilespmem:s29], [sflag:$0x3], $0x80, $0x38;
	[tilespmem:$0x1C280] =	vst v63  }
0x47d: {  	s30 =	simm.s32 $0x9E80  }
0x47e: {  	[spmem:s31] =	stream.linear.scatter [tilespmem:s30], [sflag:$0x3], $0x80, $0x38;
	[tilespmem:$0x1C280] =	vst v63  }
0x47f: {  	s1 =	simm.s32 $0xA280  }
0x480: {  	[spmem:s25] =	stream.linear.scatter [tilespmem:s1], [sflag:$0x3], $0x80, $0x38;
	[tilespmem:$0x1C280] =	vst v63  }
0x481: {  	s25 =	sld [smem:$0x70C];
	_ =	sdelay $0x1  }
0x482: {  	s2 =	simm.s32 $0xA680  }
0x483: {  	[spmem:s25] =	stream.linear.scatter [tilespmem:s2], [sflag:$0x3], $0x80, $0x38;
	[tilespmem:$0x1C280] =	vst v63  }
0x484: {  	s28 =	simm.s32 $0xAA80  }
0x485: {  	[spmem:s7] =	stream.linear.scatter [tilespmem:s28], [sflag:$0x3], $0x80, $0x38;
	[tilespmem:$0x1C280] =	vst v63  }
0x486: {  	s29 =	simm.s32 $0xAE80  }
0x487: {  	[spmem:s8] =	stream.linear.scatter [tilespmem:s29], [sflag:$0x3], $0x80, $0x38;
	[tilespmem:$0x1C280] =	vst v63  }
0x488: {  	s30 =	simm.s32 $0xB280  }
0x489: {  	[spmem:s9] =	stream.linear.scatter [tilespmem:s30], [sflag:$0x3], $0x80, $0x38;
	[tilespmem:$0x1C280] =	vst v63  }
0x48a: {  	s31 =	simm.s32 $0xB680  }
0x48b: {  	[spmem:s4] =	stream.linear.scatter [tilespmem:s31], [sflag:$0x3], $0x80, $0x38;
	[tilespmem:$0x1C280] =	vst v63  }
0x48c: {  	s2 =	simm.s32 $0xBA80  }
0x48d: {  	[spmem:s15] =	stream.linear.scatter [tilespmem:s2], [sflag:$0x3], $0x80, $0x38;
	[tilespmem:$0x1C280] =	vst v63  }
0x48e: {  	s8 =	simm.s32 $0xBE80  }
0x48f: {  	[spmem:s18] =	stream.linear.scatter [tilespmem:s8], [sflag:$0x3], $0x80, $0x38;
	[tilespmem:$0x1C280] =	vst v63  }
0x490: {  	s9 =	simm.s32 $0xC280  }
0x491: {  	[spmem:s11] =	stream.linear.scatter [tilespmem:s9], [sflag:$0x3], $0x80, $0x38;
	[tilespmem:$0x1C280] =	vst v63  }
0x492: {  	s11 =	simm.s32 $0xC680  }
0x493: {  	[spmem:s13] =	stream.linear.scatter [tilespmem:s11], [sflag:$0x3], $0x80, $0x38;
	[tilespmem:$0x1C280] =	vst v63  }
0x494: {  	s13 =	simm.s32 $0xCA80  }
0x495: {  	[spmem:s14] =	stream.linear.scatter [tilespmem:s13], [sflag:$0x3], $0x80, $0x38;
	[tilespmem:$0x1C280] =	vst v63  }
0x496: {  	s14 =	simm.s32 $0xCE80  }
0x497: {  	[spmem:s19] =	stream.linear.scatter [tilespmem:s14], [sflag:$0x3], $0x80, $0x38;
	[tilespmem:$0x1C280] =	vst v63  }
0x498: {  	s15 =	simm.s32 $0xD280  }
0x499: {  	[spmem:s20] =	stream.linear.scatter [tilespmem:s15], [sflag:$0x3], $0x80, $0x38;
	[tilespmem:$0x1C280] =	vst v63  }
0x49a: {  	s18 =	simm.s32 $0xD680  }
0x49b: {  	[spmem:s21] =	stream.linear.scatter [tilespmem:s18], [sflag:$0x3], $0x80, $0x38;
	[tilespmem:$0x1C280] =	vst v63  }
0x49c: {  	s25 =	simm.s32 $0xDA80;
	s29 =	sld [smem:$0x71A]  }
0x49d: {  	[spmem:s22] =	stream.linear.scatter [tilespmem:s25], [sflag:$0x3], $0x80, $0x38;
	[tilespmem:$0x1C280] =	vst v63  }
0x49e: {  	s28 =	simm.s32 $0xDE80;
	s31 =	sld [smem:$0x71B]  }
0x49f: {  	[spmem:s29] =	stream.linear.scatter [tilespmem:s28], [sflag:$0x3], $0x80, $0x38;
	[tilespmem:$0x1C280] =	vst v63  }
0x4a0: {  	s30 =	simm.s32 $0xE280;
	s8 =	sld [smem:$0x71C]  }
0x4a1: {  	[spmem:s31] =	stream.linear.scatter [tilespmem:s30], [sflag:$0x3], $0x80, $0x38;
	[tilespmem:$0x1C280] =	vst v63  }
0x4a2: {  	s2 =	simm.s32 $0xE680;
	s11 =	sld [smem:$0x71D]  }
0x4a3: {  	[spmem:s8] =	stream.linear.scatter [tilespmem:s2], [sflag:$0x3], $0x80, $0x38;
	[tilespmem:$0x1C280] =	vst v63  }
0x4a4: {  	s9 =	simm.s32 $0xEA80;
	s14 =	sld [smem:$0x71E]  }
0x4a5: {  	[spmem:s11] =	stream.linear.scatter [tilespmem:s9], [sflag:$0x3], $0x80, $0x38;
	[tilespmem:$0x1C280] =	vst v63  }
0x4a6: {  	s13 =	simm.s32 $0xEE80;
	s18 =	sld [smem:$0x71F]  }
0x4a7: {  	[spmem:s14] =	stream.linear.scatter [tilespmem:s13], [sflag:$0x3], $0x80, $0x38;
	[tilespmem:$0x1C280] =	vst v63  }
0x4a8: {  	s15 =	simm.s32 $0xF280;
	s28 =	sld [smem:$0x720]  }
0x4a9: {  	[spmem:s18] =	stream.linear.scatter [tilespmem:s15], [sflag:$0x3], $0x80, $0x38;
	[tilespmem:$0x1C280] =	vst v63  }
0x4aa: {  	s25 =	simm.s32 $0xF680  }
0x4ab: {  	[spmem:s28] =	stream.linear.scatter [tilespmem:s25], [sflag:$0x3], $0x80, $0x38;
	[tilespmem:$0x1C280] =	vst v63  }
0x4ac: {  	s2 =	sld [smem:$0x721];
	_ =	sdelay $0x1  }
0x4ad: {  	s29 =	simm.s32 $0xFA80;
	s31 =	sld [smem:$0x722]  }
0x4ae: {  	[spmem:s2] =	stream.linear.scatter [tilespmem:s29], [sflag:$0x3], $0x80, $0x38;
	[tilespmem:$0x1C280] =	vst v63  }
0x4af: {  	s30 =	simm.s32 $0xFE80  }
0x4b0: {  	[spmem:s31] =	stream.linear.scatter [tilespmem:s30], [sflag:$0x3], $0x80, $0x38;
	[tilespmem:$0x1C280] =	vst v63  }
0x4b1: {  	s9 =	sld [smem:$0x723];
	s2 =	simm.s32 $0x8300  }
0x4b2: {  	[spmem:s6] =	stream.linear.scatter [tilespmem:s2], [sflag:$0x3], $0x80, $0x38;
	[tilespmem:$0x1C280] =	vst v63  }
0x4b3: {  	s8 =	simm.s32 $0x8700;
	s13 =	sld [smem:$0x724]  }
0x4b4: {  	[spmem:s9] =	stream.linear.scatter [tilespmem:s8], [sflag:$0x3], $0x80, $0x38;
	[tilespmem:$0x1C280] =	vst v63  }
0x4b5: {  	s11 =	simm.s32 $0x8B00;
	s15 =	sld [smem:$0x725]  }
0x4b6: {  	[spmem:s13] =	stream.linear.scatter [tilespmem:s11], [sflag:$0x3], $0x80, $0x38;
	[tilespmem:$0x1C280] =	vst v63  }
0x4b7: {  	s14 =	simm.s32 $0x8F00;
	s25 =	sld [smem:$0x726]  }
0x4b8: {  	[spmem:s15] =	stream.linear.scatter [tilespmem:s14], [sflag:$0x3], $0x80, $0x38;
	[tilespmem:$0x1C280] =	vst v63  }
0x4b9: {  	s18 =	simm.s32 $0x9300;
	s29 =	sld [smem:$0x727]  }
0x4ba: {  	[spmem:s25] =	stream.linear.scatter [tilespmem:s18], [sflag:$0x3], $0x80, $0x38;
	[tilespmem:$0x1C280] =	vst v63  }
0x4bb: {  	s28 =	simm.s32 $0x9700;
	s31 =	sld [smem:$0x728]  }
0x4bc: {  	[spmem:s29] =	stream.linear.scatter [tilespmem:s28], [sflag:$0x3], $0x80, $0x38;
	[tilespmem:$0x1C280] =	vst v63  }
0x4bd: {  	s30 =	simm.s32 $0x9B00;
	s9 =	sld [smem:$0x729]  }
0x4be: {  	[spmem:s31] =	stream.linear.scatter [tilespmem:s30], [sflag:$0x3], $0x80, $0x38;
	[tilespmem:$0x1C280] =	vst v63  }
0x4bf: {  	s8 =	simm.s32 $0x9F00;
	s13 =	sld [smem:$0x72A]  }
0x4c0: {  	[spmem:s9] =	stream.linear.scatter [tilespmem:s8], [sflag:$0x3], $0x80, $0x38;
	[tilespmem:$0x1C280] =	vst v63  }
0x4c1: {  	s11 =	simm.s32 $0xA300;
	s15 =	sld [smem:$0x72B]  }
0x4c2: {  	[spmem:s13] =	stream.linear.scatter [tilespmem:s11], [sflag:$0x3], $0x80, $0x38;
	[tilespmem:$0x1C280] =	vst v63  }
0x4c3: {  	s14 =	simm.s32 $0xA700;
	s25 =	sld [smem:$0x72C]  }
0x4c4: {  	[spmem:s15] =	stream.linear.scatter [tilespmem:s14], [sflag:$0x3], $0x80, $0x38;
	[tilespmem:$0x1C280] =	vst v63  }
0x4c5: {  	s18 =	simm.s32 $0xAB00;
	s29 =	sld [smem:$0x72D]  }
0x4c6: {  	[spmem:s25] =	stream.linear.scatter [tilespmem:s18], [sflag:$0x3], $0x80, $0x38;
	[tilespmem:$0x1C280] =	vst v63  }
0x4c7: {  	s28 =	simm.s32 $0xAF00;
	s31 =	sld [smem:$0x72E]  }
0x4c8: {  	[spmem:s29] =	stream.linear.scatter [tilespmem:s28], [sflag:$0x3], $0x80, $0x38;
	[tilespmem:$0x1C280] =	vst v63  }
0x4c9: {  	s30 =	simm.s32 $0xB300;
	s9 =	sld [smem:$0x72F]  }
0x4ca: {  	[spmem:s31] =	stream.linear.scatter [tilespmem:s30], [sflag:$0x3], $0x80, $0x38;
	[tilespmem:$0x1C280] =	vst v63  }
0x4cb: {  	s8 =	simm.s32 $0xB700;
	s13 =	sld [smem:$0x730]  }
0x4cc: {  	[spmem:s9] =	stream.linear.scatter [tilespmem:s8], [sflag:$0x3], $0x80, $0x38;
	[tilespmem:$0x1C280] =	vst v63  }
0x4cd: {  	s11 =	simm.s32 $0xBB00;
	s15 =	sld [smem:$0x731]  }
0x4ce: {  	[spmem:s13] =	stream.linear.scatter [tilespmem:s11], [sflag:$0x3], $0x80, $0x38;
	[tilespmem:$0x1C280] =	vst v63  }
0x4cf: {  	s14 =	simm.s32 $0xBF00;
	s25 =	sld [smem:$0x732]  }
0x4d0: {  	[spmem:s15] =	stream.linear.scatter [tilespmem:s14], [sflag:$0x3], $0x80, $0x38;
	[tilespmem:$0x1C280] =	vst v63  }
0x4d1: {  	s18 =	simm.s32 $0xC300;
	s29 =	sld [smem:$0x733]  }
0x4d2: {  	[spmem:s25] =	stream.linear.scatter [tilespmem:s18], [sflag:$0x3], $0x80, $0x38;
	[tilespmem:$0x1C280] =	vst v63  }
0x4d3: {  	s28 =	simm.s32 $0xC700;
	s31 =	sld [smem:$0x734]  }
0x4d4: {  	[spmem:s29] =	stream.linear.scatter [tilespmem:s28], [sflag:$0x3], $0x80, $0x38;
	[tilespmem:$0x1C280] =	vst v63  }
0x4d5: {  	s30 =	simm.s32 $0xCB00;
	s9 =	sld [smem:$0x735]  }
0x4d6: {  	[spmem:s31] =	stream.linear.scatter [tilespmem:s30], [sflag:$0x3], $0x80, $0x38;
	[tilespmem:$0x1C280] =	vst v63  }
0x4d7: {  	s8 =	simm.s32 $0xCF00;
	s13 =	sld [smem:$0x736]  }
0x4d8: {  	[spmem:s9] =	stream.linear.scatter [tilespmem:s8], [sflag:$0x3], $0x80, $0x38;
	[tilespmem:$0x1C280] =	vst v63  }
0x4d9: {  	s11 =	simm.s32 $0xD300;
	s15 =	sld [smem:$0x737]  }
0x4da: {  	[spmem:s13] =	stream.linear.scatter [tilespmem:s11], [sflag:$0x3], $0x80, $0x38;
	[tilespmem:$0x1C280] =	vst v63  }
0x4db: {  	s14 =	simm.s32 $0xD700;
	s25 =	sld [smem:$0x738]  }
0x4dc: {  	[spmem:s15] =	stream.linear.scatter [tilespmem:s14], [sflag:$0x3], $0x80, $0x38;
	[tilespmem:$0x1C280] =	vst v63  }
0x4dd: {  	s18 =	simm.s32 $0xDB00;
	s29 =	sld [smem:$0x739]  }
0x4de: {  	[spmem:s25] =	stream.linear.scatter [tilespmem:s18], [sflag:$0x3], $0x80, $0x38;
	[tilespmem:$0x1C280] =	vst v63  }
0x4df: {  	s28 =	simm.s32 $0xDF00;
	s31 =	sld [smem:$0x73A]  }
0x4e0: {  	[spmem:s29] =	stream.linear.scatter [tilespmem:s28], [sflag:$0x3], $0x80, $0x38;
	[tilespmem:$0x1C280] =	vst v63  }
0x4e1: {  	s30 =	simm.s32 $0xE300;
	s9 =	sld [smem:$0x73B]  }
0x4e2: {  	[spmem:s31] =	stream.linear.scatter [tilespmem:s30], [sflag:$0x3], $0x80, $0x38;
	[tilespmem:$0x1C280] =	vst v63  }
0x4e3: {  	s8 =	simm.s32 $0xE700;
	s13 =	sld [smem:$0x73C]  }
0x4e4: {  	[spmem:s9] =	stream.linear.scatter [tilespmem:s8], [sflag:$0x3], $0x80, $0x38;
	[tilespmem:$0x1C280] =	vst v63  }
0x4e5: {  	s11 =	simm.s32 $0xEB00;
	s15 =	sld [smem:$0x73D]  }
0x4e6: {  	[spmem:s13] =	stream.linear.scatter [tilespmem:s11], [sflag:$0x3], $0x80, $0x38;
	[tilespmem:$0x1C280] =	vst v63  }
0x4e7: {  	s14 =	simm.s32 $0xEF00;
	s25 =	sld [smem:$0x73E]  }
0x4e8: {  	[spmem:s15] =	stream.linear.scatter [tilespmem:s14], [sflag:$0x3], $0x80, $0x38;
	[tilespmem:$0x1C280] =	vst v63  }
0x4e9: {  	s18 =	simm.s32 $0xF300;
	s29 =	sld [smem:$0x73F]  }
0x4ea: {  	[spmem:s25] =	stream.linear.scatter [tilespmem:s18], [sflag:$0x3], $0x80, $0x38;
	[tilespmem:$0x1C280] =	vst v63  }
0x4eb: {  	s28 =	simm.s32 $0xF700;
	s31 =	sld [smem:$0x740]  }
0x4ec: {  	[spmem:s29] =	stream.linear.scatter [tilespmem:s28], [sflag:$0x3], $0x80, $0x38;
	[tilespmem:$0x1C280] =	vst v63  }
0x4ed: {  	s30 =	simm.s32 $0xFB00;
	s8 =	sld [smem:$0x741]  }
0x4ee: {  	[spmem:s31] =	stream.linear.scatter [tilespmem:s30], [sflag:$0x3], $0x80, $0x38;
	[tilespmem:$0x1C280] =	vst v63  }
0x4ef: {  	s2 =	simm.s32 $0xFF00  }
0x4f0: {  	[spmem:s8] =	stream.linear.scatter [tilespmem:s2], [sflag:$0x3], $0x80, $0x38;
	[tilespmem:$0x1C280] =	vst v63  }
0x4f1: {  	s9 =	simm.s32 $0x8380;
	s13 =	sld [smem:$0x742]  }
0x4f2: {  	[spmem:s16] =	stream.linear.scatter [tilespmem:s9], [sflag:$0x3], $0x80, $0x38;
	[tilespmem:$0x1C280] =	vst v63  }
0x4f3: {  	s11 =	simm.s32 $0x8780;
	s15 =	sld [smem:$0x743]  }
0x4f4: {  	[spmem:s13] =	stream.linear.scatter [tilespmem:s11], [sflag:$0x3], $0x80, $0x38;
	[tilespmem:$0x1C280] =	vst v63  }
0x4f5: {  	s14 =	simm.s32 $0x8B80;
	s25 =	sld [smem:$0x744]  }
0x4f6: {  	[spmem:s15] =	stream.linear.scatter [tilespmem:s14], [sflag:$0x3], $0x80, $0x38;
	[tilespmem:$0x1C280] =	vst v63  }
0x4f7: {  	s18 =	simm.s32 $0x8F80;
	s29 =	sld [smem:$0x745]  }
0x4f8: {  	[spmem:s25] =	stream.linear.scatter [tilespmem:s18], [sflag:$0x3], $0x80, $0x38;
	[tilespmem:$0x1C280] =	vst v63  }
0x4f9: {  	s28 =	simm.s32 $0x9380;
	s31 =	sld [smem:$0x746]  }
0x4fa: {  	[spmem:s29] =	stream.linear.scatter [tilespmem:s28], [sflag:$0x3], $0x80, $0x38;
	[tilespmem:$0x1C280] =	vst v63  }
0x4fb: {  	s30 =	simm.s32 $0x9780;
	s9 =	sld [smem:$0x747]  }
0x4fc: {  	[spmem:s31] =	stream.linear.scatter [tilespmem:s30], [sflag:$0x3], $0x80, $0x38;
	[tilespmem:$0x1C280] =	vst v63  }
0x4fd: {  	s8 =	simm.s32 $0x9B80;
	s13 =	sld [smem:$0x748]  }
0x4fe: {  	[spmem:s9] =	stream.linear.scatter [tilespmem:s8], [sflag:$0x3], $0x80, $0x38;
	[tilespmem:$0x1C280] =	vst v63  }
0x4ff: {  	s11 =	simm.s32 $0x9F80;
	s15 =	sld [smem:$0x749]  }
0x500: {  	[spmem:s13] =	stream.linear.scatter [tilespmem:s11], [sflag:$0x3], $0x80, $0x38;
	[tilespmem:$0x1C280] =	vst v63  }
0x501: {  	s14 =	simm.s32 $0xA380;
	s25 =	sld [smem:$0x74A]  }
0x502: {  	[spmem:s15] =	stream.linear.scatter [tilespmem:s14], [sflag:$0x3], $0x80, $0x38;
	[tilespmem:$0x1C280] =	vst v63  }
0x503: {  	s18 =	simm.s32 $0xA780;
	s29 =	sld [smem:$0x74B]  }
0x504: {  	[spmem:s25] =	stream.linear.scatter [tilespmem:s18], [sflag:$0x3], $0x80, $0x38;
	[tilespmem:$0x1C280] =	vst v63  }
0x505: {  	s28 =	simm.s32 $0xAB80;
	s31 =	sld [smem:$0x74C]  }
0x506: {  	[spmem:s29] =	stream.linear.scatter [tilespmem:s28], [sflag:$0x3], $0x80, $0x38;
	[tilespmem:$0x1C280] =	vst v63  }
0x507: {  	s30 =	simm.s32 $0xAF80;
	s9 =	sld [smem:$0x74D]  }
0x508: {  	[spmem:s31] =	stream.linear.scatter [tilespmem:s30], [sflag:$0x3], $0x80, $0x38;
	[tilespmem:$0x1C280] =	vst v63  }
0x509: {  	s8 =	simm.s32 $0xB380;
	s13 =	sld [smem:$0x74E]  }
0x50a: {  	[spmem:s9] =	stream.linear.scatter [tilespmem:s8], [sflag:$0x3], $0x80, $0x38;
	[tilespmem:$0x1C280] =	vst v63  }
0x50b: {  	s11 =	simm.s32 $0xB780;
	s15 =	sld [smem:$0x74F]  }
0x50c: {  	[spmem:s13] =	stream.linear.scatter [tilespmem:s11], [sflag:$0x3], $0x80, $0x38;
	[tilespmem:$0x1C280] =	vst v63  }
0x50d: {  	s14 =	simm.s32 $0xBB80;
	s25 =	sld [smem:$0x750]  }
0x50e: {  	[spmem:s15] =	stream.linear.scatter [tilespmem:s14], [sflag:$0x3], $0x80, $0x38;
	[tilespmem:$0x1C280] =	vst v63  }
0x50f: {  	s18 =	simm.s32 $0xBF80;
	s29 =	sld [smem:$0x751]  }
0x510: {  	[spmem:s25] =	stream.linear.scatter [tilespmem:s18], [sflag:$0x3], $0x80, $0x38;
	[tilespmem:$0x1C280] =	vst v63  }
0x511: {  	s28 =	simm.s32 $0xC380;
	s31 =	sld [smem:$0x752]  }
0x512: {  	[spmem:s29] =	stream.linear.scatter [tilespmem:s28], [sflag:$0x3], $0x80, $0x38;
	[tilespmem:$0x1C280] =	vst v63  }
0x513: {  	s30 =	simm.s32 $0xC780;
	s9 =	sld [smem:$0x753]  }
0x514: {  	[spmem:s31] =	stream.linear.scatter [tilespmem:s30], [sflag:$0x3], $0x80, $0x38;
	[tilespmem:$0x1C280] =	vst v63  }
0x515: {  	s8 =	simm.s32 $0xCB80;
	s13 =	sld [smem:$0x754]  }
0x516: {  	[spmem:s9] =	stream.linear.scatter [tilespmem:s8], [sflag:$0x3], $0x80, $0x38;
	[tilespmem:$0x1C280] =	vst v63  }
0x517: {  	s11 =	simm.s32 $0xCF80;
	s15 =	sld [smem:$0x755]  }
0x518: {  	[spmem:s13] =	stream.linear.scatter [tilespmem:s11], [sflag:$0x3], $0x80, $0x38;
	[tilespmem:$0x1C280] =	vst v63  }
0x519: {  	s14 =	simm.s32 $0xD380;
	s25 =	sld [smem:$0x756]  }
0x51a: {  	[spmem:s15] =	stream.linear.scatter [tilespmem:s14], [sflag:$0x3], $0x80, $0x38;
	[tilespmem:$0x1C280] =	vst v63  }
0x51b: {  	s18 =	simm.s32 $0xD780;
	s29 =	sld [smem:$0x757]  }
0x51c: {  	[spmem:s25] =	stream.linear.scatter [tilespmem:s18], [sflag:$0x3], $0x80, $0x38;
	[tilespmem:$0x1C280] =	vst v63  }
0x51d: {  	s28 =	simm.s32 $0xDB80;
	s31 =	sld [smem:$0x758]  }
0x51e: {  	[spmem:s29] =	stream.linear.scatter [tilespmem:s28], [sflag:$0x3], $0x80, $0x38;
	[tilespmem:$0x1C280] =	vst v63  }
0x51f: {  	s30 =	simm.s32 $0xDF80;
	s9 =	sld [smem:$0x759]  }
0x520: {  	[spmem:s31] =	stream.linear.scatter [tilespmem:s30], [sflag:$0x3], $0x80, $0x38;
	[tilespmem:$0x1C280] =	vst v63  }
0x521: {  	s8 =	simm.s32 $0xE380;
	s13 =	sld [smem:$0x75A]  }
0x522: {  	[spmem:s9] =	stream.linear.scatter [tilespmem:s8], [sflag:$0x3], $0x80, $0x38;
	[tilespmem:$0x1C280] =	vst v63  }
0x523: {  	s11 =	simm.s32 $0xE780;
	s15 =	sld [smem:$0x75B]  }
0x524: {  	[spmem:s13] =	stream.linear.scatter [tilespmem:s11], [sflag:$0x3], $0x80, $0x38;
	[tilespmem:$0x1C280] =	vst v63  }
0x525: {  	s14 =	simm.s32 $0xEB80;
	s25 =	sld [smem:$0x75C]  }
0x526: {  	[spmem:s15] =	stream.linear.scatter [tilespmem:s14], [sflag:$0x3], $0x80, $0x38;
	[tilespmem:$0x1C280] =	vst v63  }
0x527: {  	s18 =	simm.s32 $0xEF80;
	s29 =	sld [smem:$0x75D]  }
0x528: {  	[spmem:s25] =	stream.linear.scatter [tilespmem:s18], [sflag:$0x3], $0x80, $0x38;
	[tilespmem:$0x1C280] =	vst v63  }
0x529: {  	s28 =	simm.s32 $0xF380;
	s31 =	sld [smem:$0x75E]  }
0x52a: {  	[spmem:s29] =	stream.linear.scatter [tilespmem:s28], [sflag:$0x3], $0x80, $0x38;
	[tilespmem:$0x1C280] =	vst v63  }
0x52b: {  	s30 =	simm.s32 $0xF780;
	s8 =	sld [smem:$0x75F]  }
0x52c: {  	[spmem:s31] =	stream.linear.scatter [tilespmem:s30], [sflag:$0x3], $0x80, $0x38;
	[tilespmem:$0x1C280] =	vst v63  }
0x52d: {  	s2 =	simm.s32 $0xFB80;
	s11 =	sld [smem:$0x760]  }
0x52e: {  	[spmem:s8] =	stream.linear.scatter [tilespmem:s2], [sflag:$0x3], $0x80, $0x38;
	[tilespmem:$0x1C280] =	vst v63  }
0x52f: {  	s9 =	simm.s32 $0xFF80  }
0x530: {  	[spmem:s11] =	stream.linear.scatter [tilespmem:s9], [sflag:$0x3], $0x80, $0x38;
	[tilespmem:$0x1C280] =	vst v63  }
0x531: {  	s13 =	simm.s32 $0x8400;
	s15 =	sld [smem:$0x761]  }
0x532: {  	[spmem:s17] =	stream.linear.scatter [tilespmem:s13], [sflag:$0x3], $0x80, $0x38;
	[tilespmem:$0x1C280] =	vst v63  }
0x533: {  	s14 =	simm.s32 $0x8800;
	s25 =	sld [smem:$0x762]  }
0x534: {  	[spmem:s15] =	stream.linear.scatter [tilespmem:s14], [sflag:$0x3], $0x80, $0x38;
	[tilespmem:$0x1C280] =	vst v63  }
0x535: {  	s18 =	simm.s32 $0x8C00;
	s29 =	sld [smem:$0x763]  }
0x536: {  	[spmem:s25] =	stream.linear.scatter [tilespmem:s18], [sflag:$0x3], $0x80, $0x38;
	[tilespmem:$0x1C280] =	vst v63  }
0x537: {  	s28 =	simm.s32 $0x9000;
	s31 =	sld [smem:$0x764]  }
0x538: {  	[spmem:s29] =	stream.linear.scatter [tilespmem:s28], [sflag:$0x3], $0x80, $0x38;
	[tilespmem:$0x1C280] =	vst v63  }
0x539: {  	s30 =	simm.s32 $0x9400;
	s9 =	sld [smem:$0x765]  }
0x53a: {  	[spmem:s31] =	stream.linear.scatter [tilespmem:s30], [sflag:$0x3], $0x80, $0x38;
	[tilespmem:$0x1C280] =	vst v63  }
0x53b: {  	s8 =	simm.s32 $0x9800;
	s13 =	sld [smem:$0x766]  }
0x53c: {  	[spmem:s9] =	stream.linear.scatter [tilespmem:s8], [sflag:$0x3], $0x80, $0x38;
	[tilespmem:$0x1C280] =	vst v63  }
0x53d: {  	s11 =	simm.s32 $0x9C00;
	s15 =	sld [smem:$0x767]  }
0x53e: {  	[spmem:s13] =	stream.linear.scatter [tilespmem:s11], [sflag:$0x3], $0x80, $0x38;
	[tilespmem:$0x1C280] =	vst v63  }
0x53f: {  	s14 =	simm.s32 $0xA000;
	s25 =	sld [smem:$0x768]  }
0x540: {  	[spmem:s15] =	stream.linear.scatter [tilespmem:s14], [sflag:$0x3], $0x80, $0x38;
	[tilespmem:$0x1C280] =	vst v63  }
0x541: {  	s18 =	simm.s32 $0xA400;
	s29 =	sld [smem:$0x769]  }
0x542: {  	[spmem:s25] =	stream.linear.scatter [tilespmem:s18], [sflag:$0x3], $0x80, $0x38;
	[tilespmem:$0x1C280] =	vst v63  }
0x543: {  	s28 =	simm.s32 $0xA800;
	s31 =	sld [smem:$0x76A]  }
0x544: {  	[spmem:s29] =	stream.linear.scatter [tilespmem:s28], [sflag:$0x3], $0x80, $0x38;
	[tilespmem:$0x1C280] =	vst v63  }
0x545: {  	s30 =	simm.s32 $0xAC00;
	s9 =	sld [smem:$0x76B]  }
0x546: {  	[spmem:s31] =	stream.linear.scatter [tilespmem:s30], [sflag:$0x3], $0x80, $0x38;
	[tilespmem:$0x1C280] =	vst v63  }
0x547: {  	s8 =	simm.s32 $0xB000;
	s13 =	sld [smem:$0x76C]  }
0x548: {  	[spmem:s9] =	stream.linear.scatter [tilespmem:s8], [sflag:$0x3], $0x80, $0x38;
	[tilespmem:$0x1C280] =	vst v63  }
0x549: {  	s11 =	simm.s32 $0xB400;
	s15 =	sld [smem:$0x76D]  }
0x54a: {  	[spmem:s13] =	stream.linear.scatter [tilespmem:s11], [sflag:$0x3], $0x80, $0x38;
	[tilespmem:$0x1C280] =	vst v63  }
0x54b: {  	s14 =	simm.s32 $0xB800;
	s25 =	sld [smem:$0x76E]  }
0x54c: {  	[spmem:s15] =	stream.linear.scatter [tilespmem:s14], [sflag:$0x3], $0x80, $0x38;
	[tilespmem:$0x1C280] =	vst v63  }
0x54d: {  	s18 =	simm.s32 $0xBC00;
	s29 =	sld [smem:$0x76F]  }
0x54e: {  	[spmem:s25] =	stream.linear.scatter [tilespmem:s18], [sflag:$0x3], $0x80, $0x38;
	[tilespmem:$0x1C280] =	vst v63  }
0x54f: {  	s28 =	simm.s32 $0xC000;
	s31 =	sld [smem:$0x770]  }
0x550: {  	[spmem:s29] =	stream.linear.scatter [tilespmem:s28], [sflag:$0x3], $0x80, $0x38;
	[tilespmem:$0x1C280] =	vst v63  }
0x551: {  	s30 =	simm.s32 $0xC400;
	s9 =	sld [smem:$0x771]  }
0x552: {  	[spmem:s31] =	stream.linear.scatter [tilespmem:s30], [sflag:$0x3], $0x80, $0x38;
	[tilespmem:$0x1C280] =	vst v63  }
0x553: {  	s8 =	simm.s32 $0xC800;
	s13 =	sld [smem:$0x772]  }
0x554: {  	[spmem:s9] =	stream.linear.scatter [tilespmem:s8], [sflag:$0x3], $0x80, $0x38;
	[tilespmem:$0x1C280] =	vst v63  }
0x555: {  	s11 =	simm.s32 $0xCC00;
	s15 =	sld [smem:$0x773]  }
0x556: {  	[spmem:s13] =	stream.linear.scatter [tilespmem:s11], [sflag:$0x3], $0x80, $0x38;
	[tilespmem:$0x1C280] =	vst v63  }
0x557: {  	s14 =	simm.s32 $0xD000;
	s25 =	sld [smem:$0x774]  }
0x558: {  	[spmem:s15] =	stream.linear.scatter [tilespmem:s14], [sflag:$0x3], $0x80, $0x38;
	[tilespmem:$0x1C280] =	vst v63  }
0x559: {  	s18 =	simm.s32 $0xD400;
	s29 =	sld [smem:$0x775]  }
0x55a: {  	[spmem:s25] =	stream.linear.scatter [tilespmem:s18], [sflag:$0x3], $0x80, $0x38;
	[tilespmem:$0x1C280] =	vst v63  }
0x55b: {  	s28 =	simm.s32 $0xD800;
	s31 =	sld [smem:$0x776]  }
0x55c: {  	[spmem:s29] =	stream.linear.scatter [tilespmem:s28], [sflag:$0x3], $0x80, $0x38;
	[tilespmem:$0x1C280] =	vst v63  }
0x55d: {  	s30 =	simm.s32 $0xDC00;
	s9 =	sld [smem:$0x777]  }
0x55e: {  	[spmem:s31] =	stream.linear.scatter [tilespmem:s30], [sflag:$0x3], $0x80, $0x38;
	[tilespmem:$0x1C280] =	vst v63  }
0x55f: {  	s8 =	simm.s32 $0xE000;
	s13 =	sld [smem:$0x778]  }
0x560: {  	[spmem:s9] =	stream.linear.scatter [tilespmem:s8], [sflag:$0x3], $0x80, $0x38;
	[tilespmem:$0x1C280] =	vst v63  }
0x561: {  	s11 =	simm.s32 $0xE400;
	s15 =	sld [smem:$0x779]  }
0x562: {  	[spmem:s13] =	stream.linear.scatter [tilespmem:s11], [sflag:$0x3], $0x80, $0x38;
	[tilespmem:$0x1C280] =	vst v63  }
0x563: {  	s14 =	simm.s32 $0xE800;
	s25 =	sld [smem:$0x77A]  }
0x564: {  	[spmem:s15] =	stream.linear.scatter [tilespmem:s14], [sflag:$0x3], $0x80, $0x38;
	[tilespmem:$0x1C280] =	vst v63  }
0x565: {  	s18 =	simm.s32 $0xEC00;
	s29 =	sld [smem:$0x77B]  }
0x566: {  	[spmem:s25] =	stream.linear.scatter [tilespmem:s18], [sflag:$0x3], $0x80, $0x38;
	[tilespmem:$0x1C280] =	vst v63  }
0x567: {  	s28 =	simm.s32 $0xF000;
	s31 =	sld [smem:$0x77C]  }
0x568: {  	[spmem:s29] =	stream.linear.scatter [tilespmem:s28], [sflag:$0x3], $0x80, $0x38;
	[tilespmem:$0x1C280] =	vst v63  }
0x569: {  	s30 =	simm.s32 $0xF400;
	s9 =	sld [smem:$0x77D]  }
0x56a: {  	[spmem:s31] =	stream.linear.scatter [tilespmem:s30], [sflag:$0x3], $0x80, $0x38;
	[tilespmem:$0x1C280] =	vst v63  }
0x56b: {  	s8 =	simm.s32 $0xF800;
	s13 =	sld [smem:$0x77E]  }
0x56c: {  	[spmem:s9] =	stream.linear.scatter [tilespmem:s8], [sflag:$0x3], $0x80, $0x38;
	[tilespmem:$0x1C280] =	vst v63  }
0x56d: {  	s11 =	simm.s32 $0xFC00;
	s15 =	sld [smem:$0x77F]  }
0x56e: {  	[spmem:s13] =	stream.linear.scatter [tilespmem:s11], [sflag:$0x3], $0x80, $0x38;
	[tilespmem:$0x1C280] =	vst v63  }
0x56f: {  	s14 =	simm.s32 $0x10000  }
0x570: {  	[spmem:s15] =	stream.linear.scatter [tilespmem:s14], [sflag:$0x3], $0x80, $0x38;
	[tilespmem:$0x1C280] =	vst v63  }
0x571: {  	_ =	swait.ge [sflag:s12], $0x1000  }
0x572: {  	[sflag:s12] =	ssyncset.done $0x0  }
0x573: {  	[sflag:s12] =	ssyncadd.s32 $0xFFFFF000  }
0x574: {  	_ =	swait.ge [sflag:s12], $0x1000  }
0x575: {  	[sflag:s12] =	ssyncset.done $0x0  }
0x576: {  	[sflag:s12] =	ssyncadd.s32 $0xFFFFF000  }
0x577: {  	_ =	swait.ge [sflag:s12], $0x1000  }
0x578: {  	[sflag:s12] =	ssyncset.done $0x0  }
0x579: {  	[sflag:s12] =	ssyncadd.s32 $0xFFFFF000  }
0x57a: {  	_ =	swait.ge [sflag:s12], $0x1000  }
0x57b: {  	[sflag:s12] =	ssyncset.done $0x0  }
0x57c: {  	s18 =	simm.s32 $0x10A80;
	[sflag:s12] =	ssyncadd.s32 $0xFFFFF000  }
0x57d: {  	s25 =	simm.s32 $0x12A80;
	s28 =	simm.s32 $0x800;
	s13 =	rddreg [dreg:$0x3]  }
0x57e: {  	[tilespmem:s25], [sflag:$0x5] =	stream.indirect.gather [spmem:s13], $0x1, s18, s28, $0xb8;
	[tilespmem:$0x1C280] =	vst v63  }
0x57f: {  	_ =	swait.ge [sflag:s3], $0x800  }
0x580: {  	[sflag:s3] =	ssyncset.done $0x0;
	s29 =	rddreg [dreg:$0x15]  }
0x581: {  	s31 =	rddreg [dreg:$0x1e];
	[sflag:s3] =	ssyncadd.s32 $0xFFFFF800  }
0x582: {  	[hbm4b:s29+s5] =	stream.linear.scatter [tilespmem:s25], [sflag:$0x6], $0x800, $0x38;
	[tilespmem:$0x1C280] =	vst v63  }
0x583: {  	s30 =	simm.s32 $0x8480;
	s8 =	sld [smem:$0x780]  }
0x584: {  	[spmem:s31] =	stream.linear.scatter [tilespmem:s30], [sflag:$0x4], $0x80, $0x38;
	[tilespmem:$0x1C280] =	vst v63  }
0x585: {  	s2 =	simm.s32 $0x8880;
	s11 =	sld [smem:$0x781]  }
0x586: {  	[spmem:s8] =	stream.linear.scatter [tilespmem:s2], [sflag:$0x4], $0x80, $0x38;
	[tilespmem:$0x1C280] =	vst v63  }
0x587: {  	s9 =	simm.s32 $0x8C80;
	s15 =	sld [smem:$0x782]  }
0x588: {  	[spmem:s11] =	stream.linear.scatter [tilespmem:s9], [sflag:$0x4], $0x80, $0x38;
	[tilespmem:$0x1C280] =	vst v63  }
0x589: {  	s14 =	simm.s32 $0x9080;
	s25 =	sld [smem:$0x783]  }
0x58a: {  	[spmem:s15] =	stream.linear.scatter [tilespmem:s14], [sflag:$0x4], $0x80, $0x38;
	[tilespmem:$0x1C280] =	vst v63  }
0x58b: {  	s18 =	simm.s32 $0x9480;
	s29 =	sld [smem:$0x784]  }
0x58c: {  	[spmem:s25] =	stream.linear.scatter [tilespmem:s18], [sflag:$0x4], $0x80, $0x38;
	[tilespmem:$0x1C280] =	vst v63  }
0x58d: {  	s28 =	simm.s32 $0x9880;
	s31 =	sld [smem:$0x785]  }
0x58e: {  	[spmem:s29] =	stream.linear.scatter [tilespmem:s28], [sflag:$0x4], $0x80, $0x38;
	[tilespmem:$0x1C280] =	vst v63  }
0x58f: {  	s30 =	simm.s32 $0x9C80;
	s8 =	sld [smem:$0x786]  }
0x590: {  	[spmem:s31] =	stream.linear.scatter [tilespmem:s30], [sflag:$0x4], $0x80, $0x38;
	[tilespmem:$0x1C280] =	vst v63  }
0x591: {  	s2 =	simm.s32 $0xA080;
	s11 =	sld [smem:$0x787]  }
0x592: {  	[spmem:s8] =	stream.linear.scatter [tilespmem:s2], [sflag:$0x4], $0x80, $0x38;
	[tilespmem:$0x1C280] =	vst v63  }
0x593: {  	s9 =	simm.s32 $0xA480;
	s15 =	sld [smem:$0x788]  }
0x594: {  	[spmem:s11] =	stream.linear.scatter [tilespmem:s9], [sflag:$0x4], $0x80, $0x38;
	[tilespmem:$0x1C280] =	vst v63  }
0x595: {  	s14 =	simm.s32 $0xA880;
	s25 =	sld [smem:$0x789]  }
0x596: {  	[spmem:s15] =	stream.linear.scatter [tilespmem:s14], [sflag:$0x4], $0x80, $0x38;
	[tilespmem:$0x1C280] =	vst v63  }
0x597: {  	s18 =	simm.s32 $0xAC80;
	s29 =	sld [smem:$0x78A]  }
0x598: {  	[spmem:s25] =	stream.linear.scatter [tilespmem:s18], [sflag:$0x4], $0x80, $0x38;
	[tilespmem:$0x1C280] =	vst v63  }
0x599: {  	s28 =	simm.s32 $0xB080;
	s31 =	sld [smem:$0x78B]  }
0x59a: {  	[spmem:s29] =	stream.linear.scatter [tilespmem:s28], [sflag:$0x4], $0x80, $0x38;
	[tilespmem:$0x1C280] =	vst v63  }
0x59b: {  	s30 =	simm.s32 $0xB480;
	s8 =	sld [smem:$0x78C]  }
0x59c: {  	[spmem:s31] =	stream.linear.scatter [tilespmem:s30], [sflag:$0x4], $0x80, $0x38;
	[tilespmem:$0x1C280] =	vst v63  }
0x59d: {  	s2 =	simm.s32 $0xB880;
	s11 =	sld [smem:$0x78D]  }
0x59e: {  	[spmem:s8] =	stream.linear.scatter [tilespmem:s2], [sflag:$0x4], $0x80, $0x38;
	[tilespmem:$0x1C280] =	vst v63  }
0x59f: {  	s9 =	simm.s32 $0xBC80;
	s15 =	sld [smem:$0x78E]  }
0x5a0: {  	[spmem:s11] =	stream.linear.scatter [tilespmem:s9], [sflag:$0x4], $0x80, $0x38;
	[tilespmem:$0x1C280] =	vst v63  }
0x5a1: {  	s14 =	simm.s32 $0xC080;
	s25 =	sld [smem:$0x78F]  }
0x5a2: {  	[spmem:s15] =	stream.linear.scatter [tilespmem:s14], [sflag:$0x4], $0x80, $0x38;
	[tilespmem:$0x1C280] =	vst v63  }
0x5a3: {  	s18 =	simm.s32 $0xC480;
	s29 =	sld [smem:$0x790]  }
0x5a4: {  	[spmem:s25] =	stream.linear.scatter [tilespmem:s18], [sflag:$0x4], $0x80, $0x38;
	[tilespmem:$0x1C280] =	vst v63  }
0x5a5: {  	s28 =	simm.s32 $0xC880;
	s31 =	sld [smem:$0x791]  }
0x5a6: {  	[spmem:s29] =	stream.linear.scatter [tilespmem:s28], [sflag:$0x4], $0x80, $0x38;
	[tilespmem:$0x1C280] =	vst v63  }
0x5a7: {  	s30 =	simm.s32 $0xCC80;
	s8 =	sld [smem:$0x792]  }
0x5a8: {  	[spmem:s31] =	stream.linear.scatter [tilespmem:s30], [sflag:$0x4], $0x80, $0x38;
	[tilespmem:$0x1C280] =	vst v63  }
0x5a9: {  	s2 =	simm.s32 $0xD080;
	s11 =	sld [smem:$0x793]  }
0x5aa: {  	[spmem:s8] =	stream.linear.scatter [tilespmem:s2], [sflag:$0x4], $0x80, $0x38;
	[tilespmem:$0x1C280] =	vst v63  }
0x5ab: {  	s9 =	simm.s32 $0xD480;
	s15 =	sld [smem:$0x794]  }
0x5ac: {  	[spmem:s11] =	stream.linear.scatter [tilespmem:s9], [sflag:$0x4], $0x80, $0x38;
	[tilespmem:$0x1C280] =	vst v63  }
0x5ad: {  	s14 =	simm.s32 $0xD880;
	s25 =	sld [smem:$0x795]  }
0x5ae: {  	[spmem:s15] =	stream.linear.scatter [tilespmem:s14], [sflag:$0x4], $0x80, $0x38;
	[tilespmem:$0x1C280] =	vst v63  }
0x5af: {  	s18 =	simm.s32 $0xDC80;
	s29 =	sld [smem:$0x796]  }
0x5b0: {  	[spmem:s25] =	stream.linear.scatter [tilespmem:s18], [sflag:$0x4], $0x80, $0x38;
	[tilespmem:$0x1C280] =	vst v63  }
0x5b1: {  	s28 =	simm.s32 $0xE080;
	s31 =	sld [smem:$0x797]  }
0x5b2: {  	[spmem:s29] =	stream.linear.scatter [tilespmem:s28], [sflag:$0x4], $0x80, $0x38;
	[tilespmem:$0x1C280] =	vst v63  }
0x5b3: {  	s30 =	simm.s32 $0xE480;
	s8 =	sld [smem:$0x798]  }
0x5b4: {  	[spmem:s31] =	stream.linear.scatter [tilespmem:s30], [sflag:$0x4], $0x80, $0x38;
	[tilespmem:$0x1C280] =	vst v63  }
0x5b5: {  	s2 =	simm.s32 $0xE880;
	s11 =	sld [smem:$0x799]  }
0x5b6: {  	[spmem:s8] =	stream.linear.scatter [tilespmem:s2], [sflag:$0x4], $0x80, $0x38;
	[tilespmem:$0x1C280] =	vst v63  }
0x5b7: {  	s9 =	simm.s32 $0xEC80;
	s15 =	sld [smem:$0x79A]  }
0x5b8: {  	[spmem:s11] =	stream.linear.scatter [tilespmem:s9], [sflag:$0x4], $0x80, $0x38;
	[tilespmem:$0x1C280] =	vst v63  }
0x5b9: {  	s14 =	simm.s32 $0xF080;
	s25 =	sld [smem:$0x79B]  }
0x5ba: {  	[spmem:s15] =	stream.linear.scatter [tilespmem:s14], [sflag:$0x4], $0x80, $0x38;
	[tilespmem:$0x1C280] =	vst v63  }
0x5bb: {  	s18 =	simm.s32 $0xF480;
	s29 =	sld [smem:$0x79C]  }
0x5bc: {  	[spmem:s25] =	stream.linear.scatter [tilespmem:s18], [sflag:$0x4], $0x80, $0x38;
	[tilespmem:$0x1C280] =	vst v63  }
0x5bd: {  	s28 =	simm.s32 $0xF880;
	s31 =	sld [smem:$0x79D]  }
0x5be: {  	[spmem:s29] =	stream.linear.scatter [tilespmem:s28], [sflag:$0x4], $0x80, $0x38;
	[tilespmem:$0x1C280] =	vst v63  }
0x5bf: {  	s30 =	simm.s32 $0xFC80;
	s8 =	sld [smem:$0x79E]  }
0x5c0: {  	[spmem:s31] =	stream.linear.scatter [tilespmem:s30], [sflag:$0x4], $0x80, $0x38;
	[tilespmem:$0x1C280] =	vst v63  }
0x5c1: {  	s2 =	simm.s32 $0x10080;
	s11 =	rddreg [dreg:$0x1f]  }
0x5c2: {  	[spmem:s8] =	stream.linear.scatter [tilespmem:s2], [sflag:$0x4], $0x80, $0x38;
	[tilespmem:$0x1C280] =	vst v63  }
0x5c3: {  	s9 =	simm.s32 $0x8500;
	s15 =	sld [smem:$0x79F]  }
0x5c4: {  	[spmem:s11] =	stream.linear.scatter [tilespmem:s9], [sflag:$0x4], $0x80, $0x38;
	[tilespmem:$0x1C280] =	vst v63  }
0x5c5: {  	s14 =	simm.s32 $0x8900;
	s25 =	sld [smem:$0x7A0]  }
0x5c6: {  	[spmem:s15] =	stream.linear.scatter [tilespmem:s14], [sflag:$0x4], $0x80, $0x38;
	[tilespmem:$0x1C280] =	vst v63  }
0x5c7: {  	s18 =	simm.s32 $0x8D00;
	s29 =	sld [smem:$0x7A1]  }
0x5c8: {  	[spmem:s25] =	stream.linear.scatter [tilespmem:s18], [sflag:$0x4], $0x80, $0x38;
	[tilespmem:$0x1C280] =	vst v63  }
0x5c9: {  	s28 =	simm.s32 $0x9100;
	s31 =	sld [smem:$0x7A2]  }
0x5ca: {  	[spmem:s29] =	stream.linear.scatter [tilespmem:s28], [sflag:$0x4], $0x80, $0x38;
	[tilespmem:$0x1C280] =	vst v63  }
0x5cb: {  	s30 =	simm.s32 $0x9500;
	s8 =	sld [smem:$0x7A3]  }
0x5cc: {  	[spmem:s31] =	stream.linear.scatter [tilespmem:s30], [sflag:$0x4], $0x80, $0x38;
	[tilespmem:$0x1C280] =	vst v63  }
0x5cd: {  	s2 =	simm.s32 $0x9900;
	s11 =	sld [smem:$0x7A4]  }
0x5ce: {  	[spmem:s8] =	stream.linear.scatter [tilespmem:s2], [sflag:$0x4], $0x80, $0x38;
	[tilespmem:$0x1C280] =	vst v63  }
0x5cf: {  	s9 =	simm.s32 $0x9D00;
	s15 =	sld [smem:$0x7A5]  }
0x5d0: {  	[spmem:s11] =	stream.linear.scatter [tilespmem:s9], [sflag:$0x4], $0x80, $0x38;
	[tilespmem:$0x1C280] =	vst v63  }
0x5d1: {  	s14 =	simm.s32 $0xA100;
	s25 =	sld [smem:$0x7A6]  }
0x5d2: {  	[spmem:s15] =	stream.linear.scatter [tilespmem:s14], [sflag:$0x4], $0x80, $0x38;
	[tilespmem:$0x1C280] =	vst v63  }
0x5d3: {  	s18 =	simm.s32 $0xA500;
	s29 =	sld [smem:$0x7A7]  }
0x5d4: {  	[spmem:s25] =	stream.linear.scatter [tilespmem:s18], [sflag:$0x4], $0x80, $0x38;
	[tilespmem:$0x1C280] =	vst v63  }
0x5d5: {  	s28 =	simm.s32 $0xA900;
	s31 =	sld [smem:$0x7A8]  }
0x5d6: {  	[spmem:s29] =	stream.linear.scatter [tilespmem:s28], [sflag:$0x4], $0x80, $0x38;
	[tilespmem:$0x1C280] =	vst v63  }
0x5d7: {  	s30 =	simm.s32 $0xAD00;
	s8 =	sld [smem:$0x7A9]  }
0x5d8: {  	[spmem:s31] =	stream.linear.scatter [tilespmem:s30], [sflag:$0x4], $0x80, $0x38;
	[tilespmem:$0x1C280] =	vst v63  }
0x5d9: {  	s2 =	simm.s32 $0xB100;
	s11 =	sld [smem:$0x7AA]  }
0x5da: {  	[spmem:s8] =	stream.linear.scatter [tilespmem:s2], [sflag:$0x4], $0x80, $0x38;
	[tilespmem:$0x1C280] =	vst v63  }
0x5db: {  	s9 =	simm.s32 $0xB500;
	s15 =	sld [smem:$0x7AB]  }
0x5dc: {  	[spmem:s11] =	stream.linear.scatter [tilespmem:s9], [sflag:$0x4], $0x80, $0x38;
	[tilespmem:$0x1C280] =	vst v63  }
0x5dd: {  	s14 =	simm.s32 $0xB900;
	s25 =	sld [smem:$0x7AC]  }
0x5de: {  	[spmem:s15] =	stream.linear.scatter [tilespmem:s14], [sflag:$0x4], $0x80, $0x38;
	[tilespmem:$0x1C280] =	vst v63  }
0x5df: {  	s18 =	simm.s32 $0xBD00;
	s29 =	sld [smem:$0x7AD]  }
0x5e0: {  	[spmem:s25] =	stream.linear.scatter [tilespmem:s18], [sflag:$0x4], $0x80, $0x38;
	[tilespmem:$0x1C280] =	vst v63  }
0x5e1: {  	s28 =	simm.s32 $0xC100;
	s31 =	sld [smem:$0x7AE]  }
0x5e2: {  	[spmem:s29] =	stream.linear.scatter [tilespmem:s28], [sflag:$0x4], $0x80, $0x38;
	[tilespmem:$0x1C280] =	vst v63  }
0x5e3: {  	s30 =	simm.s32 $0xC500;
	s8 =	sld [smem:$0x7AF]  }
0x5e4: {  	[spmem:s31] =	stream.linear.scatter [tilespmem:s30], [sflag:$0x4], $0x80, $0x38;
	[tilespmem:$0x1C280] =	vst v63  }
0x5e5: {  	s2 =	simm.s32 $0xC900;
	s11 =	sld [smem:$0x7B0]  }
0x5e6: {  	[spmem:s8] =	stream.linear.scatter [tilespmem:s2], [sflag:$0x4], $0x80, $0x38;
	[tilespmem:$0x1C280] =	vst v63  }
0x5e7: {  	s9 =	simm.s32 $0xCD00;
	s15 =	sld [smem:$0x7B1]  }
0x5e8: {  	[spmem:s11] =	stream.linear.scatter [tilespmem:s9], [sflag:$0x4], $0x80, $0x38;
	[tilespmem:$0x1C280] =	vst v63  }
0x5e9: {  	s14 =	simm.s32 $0xD100;
	s25 =	sld [smem:$0x7B2]  }
0x5ea: {  	[spmem:s15] =	stream.linear.scatter [tilespmem:s14], [sflag:$0x4], $0x80, $0x38;
	[tilespmem:$0x1C280] =	vst v63  }
0x5eb: {  	s18 =	simm.s32 $0xD500;
	s29 =	sld [smem:$0x7B3]  }
0x5ec: {  	[spmem:s25] =	stream.linear.scatter [tilespmem:s18], [sflag:$0x4], $0x80, $0x38;
	[tilespmem:$0x1C280] =	vst v63  }
0x5ed: {  	s28 =	simm.s32 $0xD900;
	s31 =	sld [smem:$0x7B4]  }
0x5ee: {  	[spmem:s29] =	stream.linear.scatter [tilespmem:s28], [sflag:$0x4], $0x80, $0x38;
	[tilespmem:$0x1C280] =	vst v63  }
0x5ef: {  	s30 =	simm.s32 $0xDD00;
	s8 =	sld [smem:$0x7B5]  }
0x5f0: {  	[spmem:s31] =	stream.linear.scatter [tilespmem:s30], [sflag:$0x4], $0x80, $0x38;
	[tilespmem:$0x1C280] =	vst v63  }
0x5f1: {  	s2 =	simm.s32 $0xE100;
	s11 =	sld [smem:$0x7B6]  }
0x5f2: {  	[spmem:s8] =	stream.linear.scatter [tilespmem:s2], [sflag:$0x4], $0x80, $0x38;
	[tilespmem:$0x1C280] =	vst v63  }
0x5f3: {  	s9 =	simm.s32 $0xE500;
	s15 =	sld [smem:$0x7B7]  }
0x5f4: {  	[spmem:s11] =	stream.linear.scatter [tilespmem:s9], [sflag:$0x4], $0x80, $0x38;
	[tilespmem:$0x1C280] =	vst v63  }
0x5f5: {  	s14 =	simm.s32 $0xE900;
	s25 =	sld [smem:$0x7B8]  }
0x5f6: {  	[spmem:s15] =	stream.linear.scatter [tilespmem:s14], [sflag:$0x4], $0x80, $0x38;
	[tilespmem:$0x1C280] =	vst v63  }
0x5f7: {  	s18 =	simm.s32 $0xED00;
	s29 =	sld [smem:$0x7B9]  }
0x5f8: {  	[spmem:s25] =	stream.linear.scatter [tilespmem:s18], [sflag:$0x4], $0x80, $0x38;
	[tilespmem:$0x1C280] =	vst v63  }
0x5f9: {  	s28 =	simm.s32 $0xF100;
	s31 =	sld [smem:$0x7BA]  }
0x5fa: {  	[spmem:s29] =	stream.linear.scatter [tilespmem:s28], [sflag:$0x4], $0x80, $0x38;
	[tilespmem:$0x1C280] =	vst v63  }
0x5fb: {  	s30 =	simm.s32 $0xF500;
	s8 =	sld [smem:$0x7BB]  }
0x5fc: {  	[spmem:s31] =	stream.linear.scatter [tilespmem:s30], [sflag:$0x4], $0x80, $0x38;
	[tilespmem:$0x1C280] =	vst v63  }
0x5fd: {  	s2 =	simm.s32 $0xF900;
	s11 =	sld [smem:$0x7BC]  }
0x5fe: {  	[spmem:s8] =	stream.linear.scatter [tilespmem:s2], [sflag:$0x4], $0x80, $0x38;
	[tilespmem:$0x1C280] =	vst v63  }
0x5ff: {  	s9 =	simm.s32 $0xFD00;
	s15 =	sld [smem:$0x7BD]  }
0x600: {  	[spmem:s11] =	stream.linear.scatter [tilespmem:s9], [sflag:$0x4], $0x80, $0x38;
	[tilespmem:$0x1C280] =	vst v63  }
0x601: {  	s14 =	simm.s32 $0x10100;
	s25 =	sld [smem:$0x7DC]  }
0x602: {  	[spmem:s15] =	stream.linear.scatter [tilespmem:s14], [sflag:$0x4], $0x80, $0x38;
	[tilespmem:$0x1C280] =	vst v63  }
0x603: {  	s18 =	simm.s32 $0x8580;
	s29 =	sld [smem:$0x7BE]  }
0x604: {  	[spmem:s25] =	stream.linear.scatter [tilespmem:s18], [sflag:$0x4], $0x80, $0x38;
	[tilespmem:$0x1C280] =	vst v63  }
0x605: {  	s28 =	simm.s32 $0x8980;
	s31 =	sld [smem:$0x7BF]  }
0x606: {  	[spmem:s29] =	stream.linear.scatter [tilespmem:s28], [sflag:$0x4], $0x80, $0x38;
	[tilespmem:$0x1C280] =	vst v63  }
0x607: {  	s30 =	simm.s32 $0x8D80;
	s8 =	sld [smem:$0x7C0]  }
0x608: {  	[spmem:s31] =	stream.linear.scatter [tilespmem:s30], [sflag:$0x4], $0x80, $0x38;
	[tilespmem:$0x1C280] =	vst v63  }
0x609: {  	s2 =	simm.s32 $0x9180;
	s11 =	sld [smem:$0x7C1]  }
0x60a: {  	[spmem:s8] =	stream.linear.scatter [tilespmem:s2], [sflag:$0x4], $0x80, $0x38;
	[tilespmem:$0x1C280] =	vst v63  }
0x60b: {  	s9 =	simm.s32 $0x9580;
	s15 =	sld [smem:$0x7C2]  }
0x60c: {  	[spmem:s11] =	stream.linear.scatter [tilespmem:s9], [sflag:$0x4], $0x80, $0x38;
	[tilespmem:$0x1C280] =	vst v63  }
0x60d: {  	s14 =	simm.s32 $0x9980;
	s25 =	sld [smem:$0x7C3]  }
0x60e: {  	[spmem:s15] =	stream.linear.scatter [tilespmem:s14], [sflag:$0x4], $0x80, $0x38;
	[tilespmem:$0x1C280] =	vst v63  }
0x60f: {  	s18 =	simm.s32 $0x9D80;
	s29 =	sld [smem:$0x7C4]  }
0x610: {  	[spmem:s25] =	stream.linear.scatter [tilespmem:s18], [sflag:$0x4], $0x80, $0x38;
	[tilespmem:$0x1C280] =	vst v63  }
0x611: {  	s28 =	simm.s32 $0xA180;
	s31 =	sld [smem:$0x7C5]  }
0x612: {  	[spmem:s29] =	stream.linear.scatter [tilespmem:s28], [sflag:$0x4], $0x80, $0x38;
	[tilespmem:$0x1C280] =	vst v63  }
0x613: {  	s30 =	simm.s32 $0xA580;
	s8 =	sld [smem:$0x7C6]  }
0x614: {  	[spmem:s31] =	stream.linear.scatter [tilespmem:s30], [sflag:$0x4], $0x80, $0x38;
	[tilespmem:$0x1C280] =	vst v63  }
0x615: {  	s2 =	simm.s32 $0xA980;
	s11 =	sld [smem:$0x7C7]  }
0x616: {  	[spmem:s8] =	stream.linear.scatter [tilespmem:s2], [sflag:$0x4], $0x80, $0x38;
	[tilespmem:$0x1C280] =	vst v63  }
0x617: {  	s9 =	simm.s32 $0xAD80;
	s15 =	sld [smem:$0x7C8]  }
0x618: {  	[spmem:s11] =	stream.linear.scatter [tilespmem:s9], [sflag:$0x4], $0x80, $0x38;
	[tilespmem:$0x1C280] =	vst v63  }
0x619: {  	s14 =	simm.s32 $0xB180;
	s25 =	sld [smem:$0x7C9]  }
0x61a: {  	[spmem:s15] =	stream.linear.scatter [tilespmem:s14], [sflag:$0x4], $0x80, $0x38;
	[tilespmem:$0x1C280] =	vst v63  }
0x61b: {  	s18 =	simm.s32 $0xB580;
	s29 =	sld [smem:$0x7CA]  }
0x61c: {  	[spmem:s25] =	stream.linear.scatter [tilespmem:s18], [sflag:$0x4], $0x80, $0x38;
	[tilespmem:$0x1C280] =	vst v63  }
0x61d: {  	s28 =	simm.s32 $0xB980;
	s31 =	sld [smem:$0x7CB]  }
0x61e: {  	[spmem:s29] =	stream.linear.scatter [tilespmem:s28], [sflag:$0x4], $0x80, $0x38;
	[tilespmem:$0x1C280] =	vst v63  }
0x61f: {  	s30 =	simm.s32 $0xBD80;
	s8 =	sld [smem:$0x7CC]  }
0x620: {  	[spmem:s31] =	stream.linear.scatter [tilespmem:s30], [sflag:$0x4], $0x80, $0x38;
	[tilespmem:$0x1C280] =	vst v63  }
0x621: {  	s2 =	simm.s32 $0xC180;
	s11 =	sld [smem:$0x7CD]  }
0x622: {  	[spmem:s8] =	stream.linear.scatter [tilespmem:s2], [sflag:$0x4], $0x80, $0x38;
	[tilespmem:$0x1C280] =	vst v63  }
0x623: {  	s9 =	simm.s32 $0xC580;
	s15 =	sld [smem:$0x7CE]  }
0x624: {  	[spmem:s11] =	stream.linear.scatter [tilespmem:s9], [sflag:$0x4], $0x80, $0x38;
	[tilespmem:$0x1C280] =	vst v63  }
0x625: {  	s14 =	simm.s32 $0xC980;
	s25 =	sld [smem:$0x7CF]  }
0x626: {  	[spmem:s15] =	stream.linear.scatter [tilespmem:s14], [sflag:$0x4], $0x80, $0x38;
	[tilespmem:$0x1C280] =	vst v63  }
0x627: {  	s18 =	simm.s32 $0xCD80;
	s29 =	sld [smem:$0x7D0]  }
0x628: {  	[spmem:s25] =	stream.linear.scatter [tilespmem:s18], [sflag:$0x4], $0x80, $0x38;
	[tilespmem:$0x1C280] =	vst v63  }
0x629: {  	s28 =	simm.s32 $0xD180;
	s31 =	sld [smem:$0x7D1]  }
0x62a: {  	[spmem:s29] =	stream.linear.scatter [tilespmem:s28], [sflag:$0x4], $0x80, $0x38;
	[tilespmem:$0x1C280] =	vst v63  }
0x62b: {  	s30 =	simm.s32 $0xD580;
	s8 =	sld [smem:$0x7D2]  }
0x62c: {  	[spmem:s31] =	stream.linear.scatter [tilespmem:s30], [sflag:$0x4], $0x80, $0x38;
	[tilespmem:$0x1C280] =	vst v63  }
0x62d: {  	s2 =	simm.s32 $0xD980;
	s11 =	sld [smem:$0x7D3]  }
0x62e: {  	[spmem:s8] =	stream.linear.scatter [tilespmem:s2], [sflag:$0x4], $0x80, $0x38;
	[tilespmem:$0x1C280] =	vst v63  }
0x62f: {  	s9 =	simm.s32 $0xDD80;
	s15 =	sld [smem:$0x7D4]  }
0x630: {  	[spmem:s11] =	stream.linear.scatter [tilespmem:s9], [sflag:$0x4], $0x80, $0x38;
	[tilespmem:$0x1C280] =	vst v63  }
0x631: {  	s14 =	simm.s32 $0xE180;
	s25 =	sld [smem:$0x7D5]  }
0x632: {  	[spmem:s15] =	stream.linear.scatter [tilespmem:s14], [sflag:$0x4], $0x80, $0x38;
	[tilespmem:$0x1C280] =	vst v63  }
0x633: {  	s18 =	simm.s32 $0xE580;
	s29 =	sld [smem:$0x7D6]  }
0x634: {  	[spmem:s25] =	stream.linear.scatter [tilespmem:s18], [sflag:$0x4], $0x80, $0x38;
	[tilespmem:$0x1C280] =	vst v63  }
0x635: {  	s28 =	simm.s32 $0xE980;
	s31 =	sld [smem:$0x7D7]  }
0x636: {  	[spmem:s29] =	stream.linear.scatter [tilespmem:s28], [sflag:$0x4], $0x80, $0x38;
	[tilespmem:$0x1C280] =	vst v63  }
0x637: {  	s30 =	simm.s32 $0xED80;
	s8 =	sld [smem:$0x7D8]  }
0x638: {  	[spmem:s31] =	stream.linear.scatter [tilespmem:s30], [sflag:$0x4], $0x80, $0x38;
	[tilespmem:$0x1C280] =	vst v63  }
0x639: {  	s2 =	simm.s32 $0xF180;
	s11 =	sld [smem:$0x7D9]  }
0x63a: {  	[spmem:s8] =	stream.linear.scatter [tilespmem:s2], [sflag:$0x4], $0x80, $0x38;
	[tilespmem:$0x1C280] =	vst v63  }
0x63b: {  	s9 =	simm.s32 $0xF580;
	s15 =	sld [smem:$0x7DA]  }
0x63c: {  	[spmem:s11] =	stream.linear.scatter [tilespmem:s9], [sflag:$0x4], $0x80, $0x38;
	[tilespmem:$0x1C280] =	vst v63  }
0x63d: {  	s14 =	simm.s32 $0xF980;
	s25 =	sld [smem:$0x7DB]  }
0x63e: {  	[spmem:s15] =	stream.linear.scatter [tilespmem:s14], [sflag:$0x4], $0x80, $0x38;
	[tilespmem:$0x1C280] =	vst v63  }
0x63f: {  	s18 =	simm.s32 $0xFD80;
	s29 =	sld [smem:$0x7DD]  }
0x640: {  	[spmem:s25] =	stream.linear.scatter [tilespmem:s18], [sflag:$0x4], $0x80, $0x38;
	[tilespmem:$0x1C280] =	vst v63  }
0x641: {  	s28 =	simm.s32 $0x10180;
	s31 =	sld [smem:$0x7FC]  }
0x642: {  	[spmem:s29] =	stream.linear.scatter [tilespmem:s28], [sflag:$0x4], $0x80, $0x38;
	[tilespmem:$0x1C280] =	vst v63  }
0x643: {  	s30 =	simm.s32 $0x8600;
	s8 =	sld [smem:$0x7DE]  }
0x644: {  	[spmem:s31] =	stream.linear.scatter [tilespmem:s30], [sflag:$0x4], $0x80, $0x38;
	[tilespmem:$0x1C280] =	vst v63  }
0x645: {  	s2 =	simm.s32 $0x8A00;
	s11 =	sld [smem:$0x7DF]  }
0x646: {  	[spmem:s8] =	stream.linear.scatter [tilespmem:s2], [sflag:$0x4], $0x80, $0x38;
	[tilespmem:$0x1C280] =	vst v63  }
0x647: {  	s9 =	simm.s32 $0x8E00;
	s15 =	sld [smem:$0x7E0]  }
0x648: {  	[spmem:s11] =	stream.linear.scatter [tilespmem:s9], [sflag:$0x4], $0x80, $0x38;
	[tilespmem:$0x1C280] =	vst v63  }
0x649: {  	s14 =	simm.s32 $0x9200;
	s25 =	sld [smem:$0x7E1]  }
0x64a: {  	[spmem:s15] =	stream.linear.scatter [tilespmem:s14], [sflag:$0x4], $0x80, $0x38;
	[tilespmem:$0x1C280] =	vst v63  }
0x64b: {  	s18 =	simm.s32 $0x9600;
	s29 =	sld [smem:$0x7E2]  }
0x64c: {  	[spmem:s25] =	stream.linear.scatter [tilespmem:s18], [sflag:$0x4], $0x80, $0x38;
	[tilespmem:$0x1C280] =	vst v63  }
0x64d: {  	s28 =	simm.s32 $0x9A00;
	s31 =	sld [smem:$0x7E3]  }
0x64e: {  	[spmem:s29] =	stream.linear.scatter [tilespmem:s28], [sflag:$0x4], $0x80, $0x38;
	[tilespmem:$0x1C280] =	vst v63  }
0x64f: {  	s30 =	simm.s32 $0x9E00;
	s8 =	sld [smem:$0x7E4]  }
0x650: {  	[spmem:s31] =	stream.linear.scatter [tilespmem:s30], [sflag:$0x4], $0x80, $0x38;
	[tilespmem:$0x1C280] =	vst v63  }
0x651: {  	s2 =	simm.s32 $0xA200;
	s11 =	sld [smem:$0x7E5]  }
0x652: {  	[spmem:s8] =	stream.linear.scatter [tilespmem:s2], [sflag:$0x4], $0x80, $0x38;
	[tilespmem:$0x1C280] =	vst v63  }
0x653: {  	s9 =	simm.s32 $0xA600;
	s15 =	sld [smem:$0x7E6]  }
0x654: {  	[spmem:s11] =	stream.linear.scatter [tilespmem:s9], [sflag:$0x4], $0x80, $0x38;
	[tilespmem:$0x1C280] =	vst v63  }
0x655: {  	s14 =	simm.s32 $0xAA00;
	s25 =	sld [smem:$0x7E7]  }
0x656: {  	[spmem:s15] =	stream.linear.scatter [tilespmem:s14], [sflag:$0x4], $0x80, $0x38;
	[tilespmem:$0x1C280] =	vst v63  }
0x657: {  	s18 =	simm.s32 $0xAE00;
	s29 =	sld [smem:$0x7E8]  }
0x658: {  	[spmem:s25] =	stream.linear.scatter [tilespmem:s18], [sflag:$0x4], $0x80, $0x38;
	[tilespmem:$0x1C280] =	vst v63  }
0x659: {  	s28 =	simm.s32 $0xB200;
	s31 =	sld [smem:$0x7E9]  }
0x65a: {  	[spmem:s29] =	stream.linear.scatter [tilespmem:s28], [sflag:$0x4], $0x80, $0x38;
	[tilespmem:$0x1C280] =	vst v63  }
0x65b: {  	s30 =	simm.s32 $0xB600;
	s8 =	sld [smem:$0x7EA]  }
0x65c: {  	[spmem:s31] =	stream.linear.scatter [tilespmem:s30], [sflag:$0x4], $0x80, $0x38;
	[tilespmem:$0x1C280] =	vst v63  }
0x65d: {  	s2 =	simm.s32 $0xBA00;
	s11 =	sld [smem:$0x7EB]  }
0x65e: {  	[spmem:s8] =	stream.linear.scatter [tilespmem:s2], [sflag:$0x4], $0x80, $0x38;
	[tilespmem:$0x1C280] =	vst v63  }
0x65f: {  	s9 =	simm.s32 $0xBE00;
	s15 =	sld [smem:$0x7EC]  }
0x660: {  	[spmem:s11] =	stream.linear.scatter [tilespmem:s9], [sflag:$0x4], $0x80, $0x38;
	[tilespmem:$0x1C280] =	vst v63  }
0x661: {  	s14 =	simm.s32 $0xC200;
	s25 =	sld [smem:$0x7ED]  }
0x662: {  	[spmem:s15] =	stream.linear.scatter [tilespmem:s14], [sflag:$0x4], $0x80, $0x38;
	[tilespmem:$0x1C280] =	vst v63  }
0x663: {  	s18 =	simm.s32 $0xC600;
	s29 =	sld [smem:$0x7EE]  }
0x664: {  	[spmem:s25] =	stream.linear.scatter [tilespmem:s18], [sflag:$0x4], $0x80, $0x38;
	[tilespmem:$0x1C280] =	vst v63  }
0x665: {  	s28 =	simm.s32 $0xCA00;
	s31 =	sld [smem:$0x7EF]  }
0x666: {  	[spmem:s29] =	stream.linear.scatter [tilespmem:s28], [sflag:$0x4], $0x80, $0x38;
	[tilespmem:$0x1C280] =	vst v63  }
0x667: {  	s30 =	simm.s32 $0xCE00;
	s8 =	sld [smem:$0x7FD]  }
0x668: {  	[spmem:s31] =	stream.linear.scatter [tilespmem:s30], [sflag:$0x4], $0x80, $0x38;
	[tilespmem:$0x1C280] =	vst v63  }
0x669: {  	s2 =	simm.s32 $0xD200;
	s11 =	sld [smem:$0x7FB]  }
0x66a: {  	[spmem:s8] =	stream.linear.scatter [tilespmem:s2], [sflag:$0x4], $0x80, $0x38;
	[tilespmem:$0x1C280] =	vst v63  }
0x66b: {  	s9 =	simm.s32 $0xD600;
	s15 =	sld [smem:$0x7FA]  }
0x66c: {  	[spmem:s11] =	stream.linear.scatter [tilespmem:s9], [sflag:$0x4], $0x80, $0x38;
	[tilespmem:$0x1C280] =	vst v63  }
0x66d: {  	s14 =	simm.s32 $0xDA00;
	s25 =	sld [smem:$0x7F9]  }
0x66e: {  	[spmem:s15] =	stream.linear.scatter [tilespmem:s14], [sflag:$0x4], $0x80, $0x38;
	[tilespmem:$0x1C280] =	vst v63  }
0x66f: {  	s18 =	simm.s32 $0xDE00;
	s29 =	sld [smem:$0x7F8]  }
0x670: {  	[spmem:s25] =	stream.linear.scatter [tilespmem:s18], [sflag:$0x4], $0x80, $0x38;
	[tilespmem:$0x1C280] =	vst v63  }
0x671: {  	s28 =	simm.s32 $0xE200;
	s31 =	sld [smem:$0x7F7]  }
0x672: {  	[spmem:s29] =	stream.linear.scatter [tilespmem:s28], [sflag:$0x4], $0x80, $0x38;
	[tilespmem:$0x1C280] =	vst v63  }
0x673: {  	s30 =	simm.s32 $0xE600;
	s8 =	sld [smem:$0x7F6]  }
0x674: {  	[spmem:s31] =	stream.linear.scatter [tilespmem:s30], [sflag:$0x4], $0x80, $0x38;
	[tilespmem:$0x1C280] =	vst v63  }
0x675: {  	s2 =	simm.s32 $0xEA00;
	s11 =	sld [smem:$0x7F5]  }
0x676: {  	[spmem:s8] =	stream.linear.scatter [tilespmem:s2], [sflag:$0x4], $0x80, $0x38;
	[tilespmem:$0x1C280] =	vst v63  }
0x677: {  	s9 =	simm.s32 $0xEE00;
	s15 =	sld [smem:$0x7F4]  }
0x678: {  	[spmem:s11] =	stream.linear.scatter [tilespmem:s9], [sflag:$0x4], $0x80, $0x38;
	[tilespmem:$0x1C280] =	vst v63  }
0x679: {  	s14 =	simm.s32 $0xF200;
	s25 =	sld [smem:$0x7F3]  }
0x67a: {  	[spmem:s15] =	stream.linear.scatter [tilespmem:s14], [sflag:$0x4], $0x80, $0x38;
	[tilespmem:$0x1C280] =	vst v63  }
0x67b: {  	s18 =	simm.s32 $0xF600;
	s29 =	sld [smem:$0x7F2]  }
0x67c: {  	[spmem:s25] =	stream.linear.scatter [tilespmem:s18], [sflag:$0x4], $0x80, $0x38;
	[tilespmem:$0x1C280] =	vst v63  }
0x67d: {  	s28 =	simm.s32 $0xFA00;
	s31 =	sld [smem:$0x7F1]  }
0x67e: {  	[spmem:s29] =	stream.linear.scatter [tilespmem:s28], [sflag:$0x4], $0x80, $0x38;
	[tilespmem:$0x1C280] =	vst v63  }
0x67f: {  	s30 =	simm.s32 $0xFE00;
	s8 =	sld [smem:$0x7F0]  }
0x680: {  	[spmem:s31] =	stream.linear.scatter [tilespmem:s30], [sflag:$0x4], $0x80, $0x38;
	[tilespmem:$0x1C280] =	vst v63  }
0x681: {  	s2 =	simm.s32 $0x10200  }
0x682: {  	[spmem:s8] =	stream.linear.scatter [tilespmem:s2], [sflag:$0x4], $0x80, $0x38;
	[tilespmem:$0x1C280] =	vst v63  }
0x683: {  	_ =	swait.ge [sflag:s10], $0x1000  }
0x684: {  	[sflag:s10] =	ssyncset.done $0x0  }
0x685: {  	[sflag:s10] =	ssyncadd.s32 $0xFFFFF000  }
0x686: {  	_ =	swait.ge [sflag:s10], $0x1000  }
0x687: {  	[sflag:s10] =	ssyncset.done $0x0  }
0x688: {  	[sflag:s10] =	ssyncadd.s32 $0xFFFFF000  }
0x689: {  	_ =	swait.ge [sflag:s10], $0x1000  }
0x68a: {  	[sflag:s10] =	ssyncset.done $0x0  }
0x68b: {  	[sflag:s10] =	ssyncadd.s32 $0xFFFFF000  }
0x68c: {  	_ =	swait.ge [sflag:s10], $0x1000  }
0x68d: {  	s9 =	simm.s32 $0x11280;
	[sflag:s10] =	ssyncset.done $0x0  }
0x68e: {  	s11 =	simm.s32 $0x13280;
	s14 =	simm.s32 $0x800;
	[sflag:s10] =	ssyncadd.s32 $0xFFFFF000  }
0x68f: {  	[tilespmem:s11], [sflag:$0x5] =	stream.indirect.gather [spmem:s13], $0x1, s9, s14, $0xb8;
	[tilespmem:$0x1C280] =	vst v63  }
0x690: {  	_ =	swait.ge [sflag:s3], $0x800  }
0x691: {  	[sflag:s3] =	ssyncset.done $0x0  }
0x692: {  	s15 =	rddreg [dreg:$0x16];
	[sflag:s3] =	ssyncadd.s32 $0xFFFFF800  }
0x693: {  	[hbm4b:s15+s5] =	stream.linear.scatter [tilespmem:s11], [sflag:$0x6], $0x800, $0x38;
	[tilespmem:$0x1C280] =	vst v63  }
0x694: {  	_ =	swait.ge [sflag:s12], $0x1000  }
0x695: {  	[sflag:s12] =	ssyncset.done $0x0  }
0x696: {  	[sflag:s12] =	ssyncadd.s32 $0xFFFFF000  }
0x697: {  	_ =	swait.ge [sflag:s12], $0x1000  }
0x698: {  	[sflag:s12] =	ssyncset.done $0x0  }
0x699: {  	[sflag:s12] =	ssyncadd.s32 $0xFFFFF000  }
0x69a: {  	_ =	swait.ge [sflag:s12], $0x1000  }
0x69b: {  	[sflag:s12] =	ssyncset.done $0x0  }
0x69c: {  	[sflag:s12] =	ssyncadd.s32 $0xFFFFF000  }
0x69d: {  	_ =	swait.ge [sflag:s12], $0x1000  }
0x69e: {  	[sflag:s12] =	ssyncset.done $0x0  }
0x69f: {  	s18 =	simm.s32 $0x11A80;
	s25 =	simm.s32 $0x13A80;
	[sflag:s12] =	ssyncadd.s32 $0xFFFFF000  }
0x6a0: {  	[tilespmem:s25], [sflag:$0x5] =	stream.indirect.gather [spmem:s13], $0x1, s18, s14, $0xb8;
	[tilespmem:$0x1C280] =	vst v63  }
0x6a1: {  	_ =	swait.ge [sflag:s3], $0x800  }
0x6a2: {  	[sflag:s3] =	ssyncset.done $0x0  }
0x6a3: {  	s29 =	simm.s32 $0x6;
	s28 =	rddreg [dreg:$0x17];
	[sflag:s3] =	ssyncadd.s32 $0xFFFFF800  }
0x6a4: {  	[hbm4b:s28+s5] =	stream.linear.scatter [tilespmem:s25], [sflag:$0x6], $0x800, $0x38;
	[tilespmem:$0x1C280] =	vst v63  }
0x6a5: {  	_ =	swait.ge [sflag:s29], $0x800  }
0x6a6: {  	[sflag:s29] =	ssyncset.done $0x0  }
0x6a7: {  	[sflag:s29] =	ssyncadd.s32 $0xFFFFF800  }
0x6a8: {  	_ =	swait.ge [sflag:s29], $0x800  }
0x6a9: {  	[sflag:s29] =	ssyncset.done $0x0  }
0x6aa: {  	[sflag:s29] =	ssyncadd.s32 $0xFFFFF800  }
0x6ab: {  	_ =	swait.ge [sflag:s29], $0x800  }
0x6ac: {  	[sflag:s29] =	ssyncset.done $0x0  }
0x6ad: {  	[sflag:s29] =	ssyncadd.s32 $0xFFFFF800  }
0x6ae: {  	_ =	swait.ge [sflag:s29], $0x800  }
0x6af: {  	s30 =	sld [smem:$0x703];
	_ =	sdelay $0x2  }
0x6b0: {  	s23 =	simm.s32 $0x6A80;
	s31 =	rddreg [dreg:$0x18];
	s8 =	sadd.s32 $0x1, s30  }
0x6b1: {  	s24 =	simm.s32 $0x7280;
	s26 =	simm.s32 $0x5280;
	p0 =	sne.s32 s8, s31  }
.Ltmp1:
0x6b2: {  	s1 =	simm.s32 $0x1A80;
	s7 =	simm.s32 $0x280;
	(pc) =	sbr.rel @p0 .LBB2_1-.Ltmp1, $4  }
0x6b3: {  	s4 =	simm.s32 $0xA80;
	s19 =	simm.s32 $0x4280;
	s20 =	simm.s32 $0x4A80  }
0x6b4: {  	s21 =	simm.s32 $0x5A80;
	s22 =	simm.s32 $0x6280;
	s6 =	simm.s32 $0x2A80  }
0x6b5: {  	s16 =	simm.s32 $0x3280;
	s17 =	simm.s32 $0x3A80;
	[sflag:s29] =	ssyncset.done $0x0  }
0x6b6: {  	s2 =	simm.s32 $0x2280;
	s3 =	simm.s32 $0x1280;
	[sflag:s29] =	ssyncadd.s32 $0xFFFFF800  }
0x6b7: {  	_ =	sfence.sel $0x180000  }
0x6b8: {  	[bflag:$0x0] =	sbarrier.arrive $0xFFFF  }
0x6b9: {  	_ =	strace $0x90000047  }
0x6ba: {  	s0 =	stileid.u32;
	[bflag:$0x2] =	sbarrier.arrive $0xFFFF  }
0x6bb: {  	p0 =	sne.s32 s0, $0x0;
	s0 =	rddreg [dreg:$0x4]  }
0x6bc: {  	s0 =	sadd.s32 @!p0 $0x100000, s0  }
0x6bd: {  	[sflag:s0] =	ssyncadd.tile.s32 @!p0 $0x1;
	_ =	shalt  }
.Lfunc_end2:
_tile_overlayer_lowered:
.L_overlay_start_2:
0x6be: {  	(tag) =	ssettag $0x2  }
0x6bf: {  	s0 =	rddreg [dreg:$0x0];
	s2 =	stileid.u32  }
0x6c0: {  	s1 =	rddreg [dreg:$0x1];
	p0 =	sne.s32 s2, $0x0  }
0x6c1: {  	s3 =	rddreg [dreg:$0x2];
	[bflag:$0x3] =	sbarrier.arrive $0xFFFF;
	s2 =	simm.s32 @!p0 $0x1C07  }
0x6c2: {  	[timem:s3], [sflag:s2] =	dma.local @!p0 [hbm:s0], s1  }
0x6c3: {  	s0 =	simm.s32 @!p0 $0x7  }
0x6c4: {  	_ =	swait.ge @!p0 [sflag:s0], s1  }
0x6c5: {  	s1 =	ssub.s32 @!p0 $0x0, s1;
	[sflag:s0] =	ssyncset.done @!p0 $0x0  }
0x6c6: {  	[sflag:s0] =	ssyncadd.s32 @!p0 s1  }
0x6c7: {  	[bflag:$0x3] =	sbarrier.arrive $0xFFFF  }
0x6c8: {  	_ =	shalt  }

</sc_bundles>
